<compile_context>
chip_gen: v7x
topology: tpu7x:2x2x1
jax: 0.10.2.dev20260603
libtpu: 0.0.44.dev20260713+nightly
codegen_flags: <defaults>
</compile_context>

<pallas_src>
import functools

import numpy as np

import jax
import jax.numpy as jnp
from jax import lax
from jax.experimental import pallas as pl
from jax.experimental.pallas import tpu as pltpu
from jax.experimental.pallas import tpu_sc as plsc

IMG_H = 800.0
IMG_W = 800.0
FEAT_H = 50
FEAT_W = 50
C = 256
NA = 9
PRENMS_TOPK = 6000
POSTNMS_TOPK = 300
NMS_IOU = 0.7
BOX_MIN_SIZE = 16.0

_PW = 52
_FLAT = _PW * _PW
_XBUF_W = 2944
_XOFF = 64
_YW = 2816

_CLIP = np.float32(np.log(1000.0 / 16.0))

_SCALES = (128.0, 256.0, 512.0)
_RATIOS = (0.5, 1.0, 2.0)
_BASE = []
for _s in _SCALES:
    for _r in _RATIOS:
        _h = _s * np.sqrt(_r)
        _w = _s / np.sqrt(_r)
        _BASE.append((np.float32(-_w / 2.0), np.float32(-_h / 2.0),
                      np.float32(_w / 2.0), np.float32(_h / 2.0)))

_NMS_B = 512
_NMS_NB = 12
_NMS_PAD = _NMS_NB * _NMS_B


def _head_body(xbuf_ref, wim_ref, wrc_ref, brpn_ref, brc_ref, out_ref,
               xim_ref):
    for ky in range(3):
        for kx in range(3):
            off = _XOFF + (ky - 1) * _PW + (kx - 1)
            k = ky * 3 + kx
            xim_ref[k * C:(k + 1) * C, :] = xbuf_ref[:, off:off + _YW]
    acc = lax.dot_general(wim_ref[:], xim_ref[:], (((1,), (0,)), ((), ())),
                          preferred_element_type=jnp.float32)
    h = jnp.maximum(acc + brpn_ref[:], 0.0)
    rc = lax.dot_general(wrc_ref[:], h, (((1,), (0,)), ((), ())),
                         preferred_element_type=jnp.float32) + brc_ref[:]

    jj = lax.broadcasted_iota(jnp.int32, (1, _YW), 1)
    gx = (16 * (jj % _PW - 1)).astype(jnp.float32)
    gy = (16 * (jj // _PW - 1)).astype(jnp.float32)

    for a in range(NA):
        bx1, by1, bx2, by2 = _BASE[a]
        x1a = gx + bx1
        y1a = gy + by1
        x2a = gx + bx2
        y2a = gy + by2
        wa = x2a - x1a
        ha = y2a - y1a
        cxa = x1a + 0.5 * wa
        cya = y1a + 0.5 * ha
        dx = rc[4 * a + 0:4 * a + 1, :]
        dy = rc[4 * a + 1:4 * a + 2, :]
        dw = jnp.minimum(rc[4 * a + 2:4 * a + 3, :], _CLIP)
        dh = jnp.minimum(rc[4 * a + 3:4 * a + 4, :], _CLIP)
        cx = cxa + dx * wa
        cy = cya + dy * ha
        w = wa * jnp.exp(dw)
        h2 = ha * jnp.exp(dh)
        x1 = jnp.minimum(jnp.maximum(cx - 0.5 * w, 0.0), IMG_W)
        y1 = jnp.minimum(jnp.maximum(cy - 0.5 * h2, 0.0), IMG_H)
        x2 = jnp.minimum(jnp.maximum(cx + 0.5 * w, 0.0), IMG_W)
        y2 = jnp.minimum(jnp.maximum(cy + 0.5 * h2, 0.0), IMG_H)
        logit = rc[4 * NA + a:4 * NA + a + 1, :]
        score = 1.0 / (1.0 + jnp.exp(-logit))
        valid = jnp.where((x2 - x1 >= BOX_MIN_SIZE) & (y2 - y1 >= BOX_MIN_SIZE),
                          1.0, 0.0)
        out_ref[a:a + 1, :] = score
        out_ref[NA + a:NA + a + 1, :] = x1
        out_ref[2 * NA + a:2 * NA + a + 1, :] = y1
        out_ref[3 * NA + a:3 * NA + a + 1, :] = x2
        out_ref[4 * NA + a:4 * NA + a + 1, :] = y2
        out_ref[5 * NA + a:5 * NA + a + 1, :] = valid


def _nms_body(x1c, y1c, x2c, y2c, x1r, y1r, x2r, y2r, keep_ref):
    keep_ref[:, :, :] = jnp.ones((_NMS_NB, _NMS_B, 1), jnp.float32)
    ii = lax.broadcasted_iota(jnp.int32, (_NMS_B, _NMS_B), 0)
    jj = lax.broadcasted_iota(jnp.int32, (_NMS_B, _NMS_B), 1)
    lt = (ii < jj).astype(jnp.float32)

    def matvec(m, k):
        return lax.dot_general(m, k, (((0,), (0,)), ((), ())),
                               preferred_element_type=jnp.float32)

    def outer(bi, _):
        ax1 = x1c[bi]
        ay1 = y1c[bi]
        ax2 = x2c[bi]
        ay2 = y2c[bi]
        area_a = jnp.maximum(ax2 - ax1, 0.0) * jnp.maximum(ay2 - ay1, 0.0)

        def iou_mask(bj):
            bx1 = x1r[bj]
            by1 = y1r[bj]
            bx2 = x2r[bj]
            by2 = y2r[bj]
            area_b = jnp.maximum(bx2 - bx1, 0.0) * jnp.maximum(by2 - by1, 0.0)
            iw = jnp.maximum(jnp.minimum(ax2, bx2) - jnp.maximum(ax1, bx1), 0.0)
            ih = jnp.maximum(jnp.minimum(ay2, by2) - jnp.maximum(ay1, by1), 0.0)
            inter = iw * ih
            iou = inter / (area_a + area_b - inter + 1e-9)
            return (iou > NMS_IOU).astype(jnp.float32)

        m_strict = iou_mask(bi) * lt
        k0 = keep_ref[bi]

        def fix_cond(c):
            kp, k = c
            return jnp.any(kp != k)

        def fix_body(c):
            _, k = c
            kn = jnp.where(matvec(m_strict, k) > 0.5, 0.0, k0)
            return (k, kn)

        first = jnp.where(matvec(m_strict, k0) > 0.5, 0.0, k0)
        _, k_fin = lax.while_loop(fix_cond, fix_body, (k0, first))
        keep_ref[bi] = k_fin

        def cross(bj, _c):
            supp = matvec(iou_mask(bj), k_fin)
            keep_ref[bj] = jnp.where(supp > 0.5, 0.0, keep_ref[bj])
            return 0

        lax.fori_loop(bi + 1, _NMS_NB, cross, 0)
        return 0

    lax.fori_loop(0, _NMS_NB, outer, 0)


_SC_GB = 6144
_SC_D = 16


def _make_sc_gather():
    nc, ns = 2, 16
    bw = _SC_GB // (nc * ns)
    mesh = plsc.VectorSubcoreMesh(core_axis_name="c", subcore_axis_name="s")

    @functools.partial(
        pl.kernel, mesh=mesh,
        compiler_params=pltpu.CompilerParams(use_tc_tiling_on_sc=False),
        out_type=jax.ShapeDtypeStruct((_SC_GB, _SC_D), jnp.float32),
        scratch_types=[
            pltpu.VMEM((bw,), jnp.int32),
            pltpu.VMEM((bw, _SC_D), jnp.float32),
            pltpu.SemaphoreType.DMA,
        ],
    )
    def k(table_hbm, idx_hbm, out_hbm, idx_v, rows_v, sem):
        wid = lax.axis_index("s") * nc + lax.axis_index("c")
        base = wid * bw
        pltpu.sync_copy(idx_hbm.at[pl.ds(base, bw)], idx_v)
        pltpu.async_copy(table_hbm.at[idx_v], rows_v, sem).wait()
        pltpu.sync_copy(rows_v, out_hbm.at[pl.ds(base, bw)])

    return k


_sc_gather = _make_sc_gather()


def kernel(image, feat_map, target_bboxes, W_rpn, b_rpn, W_reg, b_reg,
           W_cls, b_cls):
    x = feat_map[0]
    xpad = jnp.pad(x, ((0, 0), (1, 1), (1, 1))).reshape(C, _FLAT)
    xbuf = jnp.pad(xpad, ((0, 0), (_XOFF, _XBUF_W - _FLAT - _XOFF)))
    wim = W_rpn.transpose(0, 2, 3, 1).reshape(C, 9 * C)
    wrc = jnp.concatenate([W_reg[:, :, 0, 0], W_cls[:, :, 0, 0]], axis=0)
    wrc = jnp.pad(wrc, ((0, 3), (0, 0)))
    brc = jnp.pad(jnp.concatenate([b_reg, b_cls]), (0, 3)).reshape(48, 1)
    brpn = b_rpn.reshape(C, 1)

    head = pl.pallas_call(
        _head_body,
        out_shape=jax.ShapeDtypeStruct((6 * NA, _YW), jnp.float32),
        scratch_shapes=[pltpu.VMEM((9 * C, _YW), jnp.float32)],
    )(xbuf, wim, wrc, brpn, brc)

    interior = head[:, :_FLAT].reshape(6 * NA, _PW, _PW)[:, 1:51, 1:51]

    def flat(q):
        return interior[q * NA:(q + 1) * NA].transpose(1, 2, 0).reshape(-1)

    scores = flat(0)
    boxes_all = jnp.stack([flat(1), flat(2), flat(3), flat(4)], axis=1)
    valid_all = flat(5)

    top_s, top_i = lax.top_k(scores, PRENMS_TOPK)
    valid = valid_all[top_i] > 0.5
    top_s = jnp.where(valid, top_s, -jnp.inf)
    order = jnp.argsort(-top_s)
    top_s = top_s[order]
    table = jnp.pad(boxes_all, ((0, 28), (0, _SC_D - 4)))
    idxp = jnp.pad(top_i[order], (0, _SC_GB - PRENMS_TOPK))
    boxes = _sc_gather(table, idxp)[:PRENMS_TOPK, :4]

    bpad = jnp.pad(boxes, ((0, _NMS_PAD - PRENMS_TOPK), (0, 0)))
    cols = [bpad[:, i].reshape(_NMS_NB, _NMS_B, 1) for i in range(4)]
    rows = [bpad[:, i].reshape(_NMS_NB, 1, _NMS_B) for i in range(4)]
    keep = pl.pallas_call(
        _nms_body,
        out_shape=jax.ShapeDtypeStruct((_NMS_NB, _NMS_B, 1), jnp.float32),
    )(*cols, *rows)
    keepf = keep.reshape(-1)[:PRENMS_TOPK] > 0.5

    final = jnp.where(keepf & jnp.isfinite(top_s), top_s, -jnp.inf)
    out_s, out_i = lax.top_k(final, POSTNMS_TOPK)
    return boxes[out_i], out_s

# --- scband reference (transcript-rebuilt; emitter-appended) ---
"""Pipeline reference for scband-rpn-52742198395509 (READ-ONLY COPY).

The authoritative reference and input builder live on the scoring server;
editing this copy changes nothing except your own understanding.
"""

import jax, jax.numpy as jnp
import numpy as np
from jax import lax

IMG_H = 800; IMG_W = 800
FEAT_H = 50; FEAT_W = 50
C = 256
SCALES = (128.0, 256.0, 512.0)
RATIOS = (0.5, 1.0, 2.0)
NA = len(SCALES) * len(RATIOS)
PRENMS_TOPK = 6000
POSTNMS_TOPK = 300
NMS_IOU = 0.7
BOX_MIN_SIZE = 16.0


def conv2d(x, w, b, pad):
    out = lax.conv_general_dilated(x, w, window_strides=(1, 1), padding=[(pad, pad), (pad, pad)], dimension_numbers=('NCHW', 'OIHW', 'NCHW'))
    return out + b[None, :, None, None]


def generate_anchors():
    stride_h = IMG_H // FEAT_H
    stride_w = IMG_W // FEAT_W
    base = []
    for s in SCALES:
        for r in RATIOS:
            h = s * np.sqrt(r)
            w = s / np.sqrt(r)
            base.append([-w / 2.0, -h / 2.0, w / 2.0, h / 2.0])
    base = jnp.asarray(base, dtype=jnp.float32)
    sx = jnp.arange(FEAT_W, dtype=jnp.float32) * stride_w
    sy = jnp.arange(FEAT_H, dtype=jnp.float32) * stride_h
    gy, gx = jnp.meshgrid(sy, sx, indexing='ij')
    shifts = jnp.stack([gx.ravel(), gy.ravel(), gx.ravel(), gy.ravel()], axis=1)
    anchors = (shifts[:, None, :] + base[None, :, :]).reshape(-1, 4)
    return anchors


def apply_deltas(anchors, deltas):
    wa = anchors[:, 2] - anchors[:, 0]
    ha = anchors[:, 3] - anchors[:, 1]
    cxa = anchors[:, 0] + 0.5 * wa
    cya = anchors[:, 1] + 0.5 * ha
    dx, dy, dw, dh = deltas[:, 0], deltas[:, 1], deltas[:, 2], deltas[:, 3]
    clip = float(np.log(1000.0 / 16.0))
    dw = jnp.minimum(dw, clip)
    dh = jnp.minimum(dh, clip)
    cx = cxa + dx * wa
    cy = cya + dy * ha
    w = wa * jnp.exp(dw)
    h = ha * jnp.exp(dh)
    return jnp.stack([cx - 0.5 * w, cy - 0.5 * h, cx + 0.5 * w, cy + 0.5 * h], axis=1)


def clamp_boxes(boxes):
    x1 = jnp.clip(boxes[:, 0], 0.0, float(IMG_W))
    y1 = jnp.clip(boxes[:, 1], 0.0, float(IMG_H))
    x2 = jnp.clip(boxes[:, 2], 0.0, float(IMG_W))
    y2 = jnp.clip(boxes[:, 3], 0.0, float(IMG_H))
    return jnp.stack([x1, y1, x2, y2], axis=1)


def nms_keep(boxes, thresh):
    n = boxes.shape[0]
    x1, y1, x2, y2 = boxes[:, 0], boxes[:, 1], boxes[:, 2], boxes[:, 3]
    areas = jnp.clip(x2 - x1, 0.0) * jnp.clip(y2 - y1, 0.0)
    idxs = jnp.arange(n)

    def body(i, keep):
        lt_x = jnp.maximum(x1[i], x1)
        lt_y = jnp.maximum(y1[i], y1)
        rb_x = jnp.minimum(x2[i], x2)
        rb_y = jnp.minimum(y2[i], y2)
        inter = jnp.clip(rb_x - lt_x, 0.0) * jnp.clip(rb_y - lt_y, 0.0)
        iou = inter / (areas[i] + areas - inter + 1e-9)
        sup = (iou > thresh) & (idxs > i) & keep[i]
        return keep & (~sup)

    return lax.fori_loop(0, n, body, jnp.ones((n,), dtype=bool))


def modify_proposals(proposals, cls_scores):
    scores = jax.nn.sigmoid(cls_scores.reshape(-1))
    k = min(PRENMS_TOPK, scores.shape[0])
    top_s, top_i = lax.top_k(scores, k)
    boxes = proposals[top_i]
    ws = boxes[:, 2] - boxes[:, 0]
    hs = boxes[:, 3] - boxes[:, 1]
    valid = (ws >= BOX_MIN_SIZE) & (hs >= BOX_MIN_SIZE)
    top_s = jnp.where(valid, top_s, -jnp.inf)
    order = jnp.argsort(-top_s)
    boxes = boxes[order]
    top_s = top_s[order]
    keep = nms_keep(boxes, NMS_IOU)
    final = jnp.where(keep & jnp.isfinite(top_s), top_s, -jnp.inf)
    out_s, out_i = lax.top_k(final, POSTNMS_TOPK)
    return boxes[out_i], out_s


def setup_inputs(seed: int = 0):
    key = jax.random.key(seed)
    ks = jax.random.split(key, 8)
    image = jax.random.normal(ks[0], (1, 3, IMG_H, IMG_W), dtype=jnp.float32)
    feat_map = jax.random.normal(ks[1], (1, C, FEAT_H, FEAT_W), dtype=jnp.float32)
    xy1 = jax.random.uniform(ks[2], (1, 10, 2), dtype=jnp.float32) * 600.0
    wh = 32.0 + jax.random.uniform(ks[3], (1, 10, 2), dtype=jnp.float32) * 168.0
    target_bboxes = jnp.concatenate([xy1, xy1 + wh], axis=-1)
    W_rpn = 0.01 * jax.random.normal(ks[4], (C, C, 3, 3), dtype=jnp.float32)
    b_rpn = jnp.zeros((C,), dtype=jnp.float32)
    W_reg = 0.01 * jax.random.normal(ks[5], (NA * 4, C, 1, 1), dtype=jnp.float32)
    b_reg = jnp.zeros((NA * 4,), dtype=jnp.float32)
    W_cls = 0.01 * jax.random.normal(ks[6], (NA, C, 1, 1), dtype=jnp.float32)
    b_cls = jnp.zeros((NA,), dtype=jnp.float32)
    return {"image": image, "feat_map": feat_map, "target_bboxes": target_bboxes, "W_rpn": W_rpn, "b_rpn": b_rpn, "W_reg": W_reg, "b_reg": b_reg, "W_cls": W_cls, "b_cls": b_cls}


def reference(image, feat_map, target_bboxes, W_rpn, b_rpn, W_reg, b_reg, W_cls, b_cls):
    # eval-mode RPN forward: conv heads -> anchors -> decode -> clip -> filter -> NMS -> topk
    conv_out = jax.nn.relu(conv2d(feat_map, W_rpn, b_rpn, 1))
    reg = conv2d(conv_out, W_reg, b_reg, 0).transpose(0, 2, 3, 1).reshape(-1, 4)
    cls = conv2d(conv_out, W_cls, b_cls, 0).transpose(0, 2, 3, 1).reshape(-1, 1)
    anchors = generate_anchors()
    proposals = apply_deltas(anchors, lax.stop_gradient(reg))
    proposals = clamp_boxes(proposals)
    proposals, scores = modify_proposals(proposals, lax.stop_gradient(cls))
    return proposals, scores

if __name__ == "__main__":
    import jax
    _d = setup_inputs()
    print(jax.jit(kernel)(*tuple(_d.values())))

</pallas_src>

<mosaic_0001>
#map = affine_map<(d0, d1) -> (0, 0)>
#map1 = affine_map<(d0, d1) -> (0)>
module attributes {stable_mosaic.version = 14 : i64} {
  func.func @k(%arg0: i32, %arg1: i32, %arg2: memref<22528x16xf32, #tpu.memory_space<hbm>>, %arg3: memref<6144xi32, #tpu.memory_space<hbm>>, %arg4: memref<6144x16xf32, #tpu.memory_space<hbm>>, %arg5: memref<192xi32, #tpu.memory_space<vmem>>, %arg6: memref<192x16xf32, #tpu.memory_space<vmem>>, %arg7: memref<!tpu.dma_semaphore, #tpu.memory_space<semaphore_mem>>) attributes {dimension_semantics = [#tpu.dimension_semantics<core_parallel>, #tpu.dimension_semantics<subcore_parallel>], iteration_bounds = array<i64: 2, 16>, scalar_prefetch = 0 : i64, scratch_operands = 3 : i64, tpu.core_type = #tpu.core_type<sc_vector_subcore>, window_params = [{transform_indices = #map}, {transform_indices = #map1}, {transform_indices = #map}]} {
    %mul3A = arith.constant 2 : i32
    %mul3A_0 = arith.muli %arg1, %mul3A : i32
    %add3A = arith.addi %mul3A_0, %arg0 : i32
    %mul3A_1 = arith.constant 192 : i32
    %mul3A_2 = arith.muli %add3A, %mul3A_1 : i32
    "tpu.region"() ({
      %run_scoped3A = tpu.sem_alloc : memref<!tpu.dma_semaphore, #tpu.memory_space<semaphore_mem>>
      %dma_start3A_7 = tpu.memref_slice %arg3[%mul3A_2] : memref<6144xi32, #tpu.memory_space<hbm>> -> memref<192xi32, #tpu.memory_space<hbm>>
      %dma_start3A_8 = tpu.memref_slice %arg3[%mul3A_2] : memref<6144xi32, #tpu.memory_space<hbm>> -> memref<192xi32, #tpu.memory_space<hbm>>
      tpu.enqueue_dma source(%dma_start3A_8 : memref<192xi32, #tpu.memory_space<hbm>>) target(%arg5 : memref<192xi32, #tpu.memory_space<vmem>>) target_semaphore(%run_scoped3A : memref<!tpu.dma_semaphore, #tpu.memory_space<semaphore_mem>>)
      %dma_wait3A_9 = tpu.memref_slice %arg3[%mul3A_2] : memref<6144xi32, #tpu.memory_space<hbm>> -> memref<192xi32, #tpu.memory_space<hbm>>
      %dma_wait3A_10 = tpu.memref_slice %arg3[%mul3A_2] : memref<6144xi32, #tpu.memory_space<hbm>> -> memref<192xi32, #tpu.memory_space<hbm>>
      tpu.wait_dma2 semaphore(%run_scoped3A : memref<!tpu.dma_semaphore, #tpu.memory_space<semaphore_mem>>) src(%dma_wait3A_10 : memref<192xi32, #tpu.memory_space<hbm>>) dst(%arg5 : memref<192xi32, #tpu.memory_space<vmem>>)
      tpu.yield
    }) : () -> ()
    %dma_start3A = arith.constant 0 : i32
    %dma_start3A_3 = arith.constant 0 : i32
    %dma_start3A_4 = tpu.memref_slice %arg2[%dma_start3A, %dma_start3A_3] : memref<22528x16xf32, #tpu.memory_space<hbm>> -> memref<22528x16xf32, #tpu.memory_space<hbm>>
    tpu.enqueue_indirect_dma source(%dma_start3A_4 : memref<22528x16xf32, #tpu.memory_space<hbm>>) target(%arg6 : memref<192x16xf32, #tpu.memory_space<vmem>>) offsets(%arg5 : memref<192xi32, #tpu.memory_space<vmem>>) semaphore(%arg7 : memref<!tpu.dma_semaphore, #tpu.memory_space<semaphore_mem>>)
    %dma_wait3A = arith.constant 0 : i32
    %dma_wait3A_5 = arith.constant 0 : i32
    %dma_wait3A_6 = tpu.memref_slice %arg2[%dma_wait3A, %dma_wait3A_5] : memref<22528x16xf32, #tpu.memory_space<hbm>> -> memref<22528x16xf32, #tpu.memory_space<hbm>>
    tpu.wait_indirect_dma semaphore(%arg7 : memref<!tpu.dma_semaphore, #tpu.memory_space<semaphore_mem>>) src(%dma_wait3A_6 : memref<22528x16xf32, #tpu.memory_space<hbm>>) dst(%arg6 : memref<192x16xf32, #tpu.memory_space<vmem>>)
    "tpu.region"() ({
      %run_scoped3A = tpu.sem_alloc : memref<!tpu.dma_semaphore, #tpu.memory_space<semaphore_mem>>
      %dma_start3A_7 = arith.constant 0 : i32
      %dma_start3A_8 = tpu.memref_slice %arg4[%mul3A_2, %dma_start3A_7] : memref<6144x16xf32, #tpu.memory_space<hbm>> -> memref<192x16xf32, #tpu.memory_space<hbm>>
      %dma_start3A_9 = arith.constant 0 : i32
      %dma_start3A_10 = tpu.memref_slice %arg4[%mul3A_2, %dma_start3A_9] : memref<6144x16xf32, #tpu.memory_space<hbm>> -> memref<192x16xf32, #tpu.memory_space<hbm>>
      tpu.enqueue_dma source(%arg6 : memref<192x16xf32, #tpu.memory_space<vmem>>) target(%dma_start3A_10 : memref<192x16xf32, #tpu.memory_space<hbm>>) target_semaphore(%run_scoped3A : memref<!tpu.dma_semaphore, #tpu.memory_space<semaphore_mem>>)
      %dma_wait3A_11 = arith.constant 0 : i32
      %dma_wait3A_12 = tpu.memref_slice %arg4[%mul3A_2, %dma_wait3A_11] : memref<6144x16xf32, #tpu.memory_space<hbm>> -> memref<192x16xf32, #tpu.memory_space<hbm>>
      %dma_wait3A_13 = arith.constant 0 : i32
      %dma_wait3A_14 = tpu.memref_slice %arg4[%mul3A_2, %dma_wait3A_13] : memref<6144x16xf32, #tpu.memory_space<hbm>> -> memref<192x16xf32, #tpu.memory_space<hbm>>
      tpu.wait_dma2 semaphore(%run_scoped3A : memref<!tpu.dma_semaphore, #tpu.memory_space<semaphore_mem>>) src(%arg6 : memref<192x16xf32, #tpu.memory_space<vmem>>) dst(%dma_wait3A_14 : memref<192x16xf32, #tpu.memory_space<hbm>>)
      tpu.yield
    }) : () -> ()
    return
  }
}

module attributes {stable_mosaic.version = 14 : i64} {
  func.func @_head_body(%arg0: memref<256x2944xf32, #tpu.memory_space<vmem>>, %arg1: memref<256x2304xf32, #tpu.memory_space<vmem>>, %arg2: memref<48x256xf32, #tpu.memory_space<vmem>>, %arg3: memref<256x1xf32, #tpu.memory_space<vmem>>, %arg4: memref<48x1xf32, #tpu.memory_space<vmem>>, %arg5: memref<54x2816xf32, #tpu.memory_space<vmem>>, %arg6: memref<2304x2816xf32, #tpu.memory_space<vmem>>) attributes {dimension_semantics = [], scalar_prefetch = 0 : i64, scratch_operands = 1 : i64, tpu.core_type = #tpu.core_type<tc>} {
    %get3A = arith.constant 0 : index
    %get3A_0 = arith.constant 11 : index
    %get3A_1 = vector.load %arg0[%get3A, %get3A_0] : memref<256x2944xf32, #tpu.memory_space<vmem>>, vector<256x2816xf32>
    %swap3A = arith.constant 0 : index
    %swap3A_2 = arith.constant 0 : index
    %swap3A_3 = vector.load %arg6[%swap3A, %swap3A_2] : memref<2304x2816xf32, #tpu.memory_space<vmem>>, vector<256x2816xf32>
    tpu.vector_store %arg6[%swap3A, %swap3A_2], %get3A_1 {strides = array<i32>} : memref<2304x2816xf32, #tpu.memory_space<vmem>>, vector<256x2816xf32>,
    %get3A_4 = arith.constant 0 : index
    %get3A_5 = arith.constant 12 : index
    %get3A_6 = vector.load %arg0[%get3A_4, %get3A_5] : memref<256x2944xf32, #tpu.memory_space<vmem>>, vector<256x2816xf32>
    %swap3A_7 = arith.constant 256 : index
    %swap3A_8 = arith.constant 0 : index
    %swap3A_9 = vector.load %arg6[%swap3A_7, %swap3A_8] : memref<2304x2816xf32, #tpu.memory_space<vmem>>, vector<256x2816xf32>
    tpu.vector_store %arg6[%swap3A_7, %swap3A_8], %get3A_6 {strides = array<i32>} : memref<2304x2816xf32, #tpu.memory_space<vmem>>, vector<256x2816xf32>,
    %get3A_10 = arith.constant 0 : index
    %get3A_11 = arith.constant 13 : index
    %get3A_12 = vector.load %arg0[%get3A_10, %get3A_11] : memref<256x2944xf32, #tpu.memory_space<vmem>>, vector<256x2816xf32>
    %swap3A_13 = arith.constant 512 : index
    %swap3A_14 = arith.constant 0 : index
    %swap3A_15 = vector.load %arg6[%swap3A_13, %swap3A_14] : memref<2304x2816xf32, #tpu.memory_space<vmem>>, vector<256x2816xf32>
    tpu.vector_store %arg6[%swap3A_13, %swap3A_14], %get3A_12 {strides = array<i32>} : memref<2304x2816xf32, #tpu.memory_space<vmem>>, vector<256x2816xf32>,
    %get3A_16 = arith.constant 0 : index
    %get3A_17 = arith.constant 63 : index
    %get3A_18 = vector.load %arg0[%get3A_16, %get3A_17] : memref<256x2944xf32, #tpu.memory_space<vmem>>, vector<256x2816xf32>
    %swap3A_19 = arith.constant 768 : index
    %swap3A_20 = arith.constant 0 : index
    %swap3A_21 = vector.load %arg6[%swap3A_19, %swap3A_20] : memref<2304x2816xf32, #tpu.memory_space<vmem>>, vector<256x2816xf32>
    tpu.vector_store %arg6[%swap3A_19, %swap3A_20], %get3A_18 {strides = array<i32>} : memref<2304x2816xf32, #tpu.memory_space<vmem>>, vector<256x2816xf32>,
    %get3A_22 = arith.constant 0 : index
    %get3A_23 = arith.constant 64 : index
    %get3A_24 = vector.load %arg0[%get3A_22, %get3A_23] : memref<256x2944xf32, #tpu.memory_space<vmem>>, vector<256x2816xf32>
    %swap3A_25 = arith.constant 1024 : index
    %swap3A_26 = arith.constant 0 : index
    %swap3A_27 = vector.load %arg6[%swap3A_25, %swap3A_26] : memref<2304x2816xf32, #tpu.memory_space<vmem>>, vector<256x2816xf32>
    tpu.vector_store %arg6[%swap3A_25, %swap3A_26], %get3A_24 {strides = array<i32>} : memref<2304x2816xf32, #tpu.memory_space<vmem>>, vector<256x2816xf32>,
    %get3A_28 = arith.constant 0 : index
    %get3A_29 = arith.constant 65 : index
    %get3A_30 = vector.load %arg0[%get3A_28, %get3A_29] : memref<256x2944xf32, #tpu.memory_space<vmem>>, vector<256x2816xf32>
    %swap3A_31 = arith.constant 1280 : index
    %swap3A_32 = arith.constant 0 : index
    %swap3A_33 = vector.load %arg6[%swap3A_31, %swap3A_32] : memref<2304x2816xf32, #tpu.memory_space<vmem>>, vector<256x2816xf32>
    tpu.vector_store %arg6[%swap3A_31, %swap3A_32], %get3A_30 {strides = array<i32>} : memref<2304x2816xf32, #tpu.memory_space<vmem>>, vector<256x2816xf32>,
    %get3A_34 = arith.constant 0 : index
    %get3A_35 = arith.constant 115 : index
    %get3A_36 = vector.load %arg0[%get3A_34, %get3A_35] : memref<256x2944xf32, #tpu.memory_space<vmem>>, vector<256x2816xf32>
    %swap3A_37 = arith.constant 1536 : index
    %swap3A_38 = arith.constant 0 : index
    %swap3A_39 = vector.load %arg6[%swap3A_37, %swap3A_38] : memref<2304x2816xf32, #tpu.memory_space<vmem>>, vector<256x2816xf32>
    tpu.vector_store %arg6[%swap3A_37, %swap3A_38], %get3A_36 {strides = array<i32>} : memref<2304x2816xf32, #tpu.memory_space<vmem>>, vector<256x2816xf32>,
    %get3A_40 = arith.constant 0 : index
    %get3A_41 = arith.constant 116 : index
    %get3A_42 = vector.load %arg0[%get3A_40, %get3A_41] : memref<256x2944xf32, #tpu.memory_space<vmem>>, vector<256x2816xf32>
    %swap3A_43 = arith.constant 1792 : index
    %swap3A_44 = arith.constant 0 : index
    %swap3A_45 = vector.load %arg6[%swap3A_43, %swap3A_44] : memref<2304x2816xf32, #tpu.memory_space<vmem>>, vector<256x2816xf32>
    tpu.vector_store %arg6[%swap3A_43, %swap3A_44], %get3A_42 {strides = array<i32>} : memref<2304x2816xf32, #tpu.memory_space<vmem>>, vector<256x2816xf32>,
    %get3A_46 = arith.constant 0 : index
    %get3A_47 = arith.constant 117 : index
    %get3A_48 = vector.load %arg0[%get3A_46, %get3A_47] : memref<256x2944xf32, #tpu.memory_space<vmem>>, vector<256x2816xf32>
    %swap3A_49 = arith.constant 2048 : index
    %swap3A_50 = arith.constant 0 : index
    %swap3A_51 = vector.load %arg6[%swap3A_49, %swap3A_50] : memref<2304x2816xf32, #tpu.memory_space<vmem>>, vector<256x2816xf32>
    tpu.vector_store %arg6[%swap3A_49, %swap3A_50], %get3A_48 {strides = array<i32>} : memref<2304x2816xf32, #tpu.memory_space<vmem>>, vector<256x2816xf32>,
    %get3A_52 = arith.constant 0 : index
    %get3A_53 = arith.constant 0 : index
    %get3A_54 = vector.load %arg1[%get3A_52, %get3A_53] : memref<256x2304xf32, #tpu.memory_space<vmem>>, vector<256x2304xf32>
    %get3A_55 = arith.constant 0 : index
    %get3A_56 = arith.constant 0 : index
    %get3A_57 = vector.load %arg6[%get3A_55, %get3A_56] : memref<2304x2816xf32, #tpu.memory_space<vmem>>, vector<2304x2816xf32>
    %dot_general3A = arith.constant dense<0.000000e+00> : vector<256x2816xf32>
    %dot_general3A_58 = tpu.matmul %get3A_54, %get3A_57, %dot_general3A {dimension_numbers = #tpu.dot_dimension_numbers<[1], [0], [0], [1], [0, 0, 1, 1], [], []>, transpose_lhs_hint = false} : vector<256x2304xf32>, vector<2304x2816xf32>, vector<256x2816xf32> -> vector<256x2816xf32>
    %get3A_59 = arith.constant 0 : index
    %get3A_60 = arith.constant 0 : index
    %get3A_61 = vector.load %arg3[%get3A_59, %get3A_60] : memref<256x1xf32, #tpu.memory_space<vmem>>, vector<256x1xf32>
    %add3A = vector.broadcast %get3A_61 : vector<256x1xf32> to vector<256x2816xf32>
    %add3A_62 = arith.addf %dot_general3A_58, %add3A : vector<256x2816xf32>
    %max3A = arith.constant 0.000000e+00 : f32
    %max3A_63 = vector.broadcast %max3A : f32 to vector<256x2816xf32>
    %max3A_64 = arith.maximumf %add3A_62, %max3A_63 : vector<256x2816xf32>
    %get3A_65 = arith.constant 0 : index
    %get3A_66 = arith.constant 0 : index
    %get3A_67 = vector.load %arg2[%get3A_65, %get3A_66] : memref<48x256xf32, #tpu.memory_space<vmem>>, vector<48x256xf32>
    %dot_general3A_68 = arith.constant dense<0.000000e+00> : vector<48x2816xf32>
    %dot_general3A_69 = tpu.matmul %get3A_67, %max3A_64, %dot_general3A_68 {dimension_numbers = #tpu.dot_dimension_numbers<[1], [0], [0], [1], [0, 0, 1, 1], [], []>, transpose_lhs_hint = false} : vector<48x256xf32>, vector<256x2816xf32>, vector<48x2816xf32> -> vector<48x2816xf32>
    %get3A_70 = arith.constant 0 : index
    %get3A_71 = arith.constant 0 : index
    %get3A_72 = vector.load %arg4[%get3A_70, %get3A_71] : memref<48x1xf32, #tpu.memory_space<vmem>>, vector<48x1xf32>
    %add3A_73 = vector.broadcast %get3A_72 : vector<48x1xf32> to vector<48x2816xf32>
    %add3A_74 = arith.addf %dot_general3A_69, %add3A_73 : vector<48x2816xf32>
    %iota3A = tpu.iota {dimensions = array<i32: 1>} : vector<1x2816xi32>
    %jit3A = arith.constant 52 : i32
    %eq3A = arith.constant 0 : i32
    %eq3A_75 = arith.cmpi eq, %jit3A, %eq3A : i32
    %jit3A_76 = arith.constant 1 : i32
    %select_n3A = arith.select %eq3A_75, %jit3A_76, %jit3A : i32
    %rem3A = vector.broadcast %select_n3A : i32 to vector<1x2816xi32>
    %rem3A_77 = arith.remsi %iota3A, %rem3A : vector<1x2816xi32>
    %ne3A = arith.constant 0 : i32
    %ne3A_78 = vector.broadcast %ne3A : i32 to vector<1x2816xi32>
    %ne3A_79 = arith.cmpi ne, %rem3A_77, %ne3A_78 : vector<1x2816xi32>
    %lt3A = arith.constant 0 : i32
    %lt3A_80 = vector.broadcast %lt3A : i32 to vector<1x2816xi32>
    %lt3A_81 = arith.cmpi slt, %rem3A_77, %lt3A_80 : vector<1x2816xi32>
    %lt3A_82 = arith.constant 0 : i32
    %lt3A_83 = arith.cmpi slt, %select_n3A, %lt3A_82 : i32
    %ne3A_84 = vector.broadcast %lt3A_83 : i1 to vector<1x2816xi1>
    %ne3A_85 = vector.broadcast %ne3A_84 : vector<1x2816xi1> to vector<1x2816xi1>
    %ne3A_86 = arith.xori %lt3A_81, %ne3A_85 : vector<1x2816xi1>
    %and3A = arith.andi %ne3A_86, %ne3A_79 : vector<1x2816xi1>
    %add3A_87 = vector.broadcast %select_n3A : i32 to vector<1x2816xi32>
    %add3A_88 = arith.addi %rem3A_77, %add3A_87 : vector<1x2816xi32>
    %select_n3A_89 = arith.select %and3A, %add3A_88, %rem3A_77 : vector<1x2816xi1>, vector<1x2816xi32>
    %sub3A = arith.constant 1 : i32
    %sub3A_90 = vector.broadcast %sub3A : i32 to vector<1x2816xi32>
    %sub3A_91 = arith.subi %select_n3A_89, %sub3A_90 : vector<1x2816xi32>
    %mul3A = arith.constant 16 : i32
    %mul3A_92 = vector.broadcast %mul3A : i32 to vector<1x2816xi32>
    %mul3A_93 = arith.muli %mul3A_92, %sub3A_91 : vector<1x2816xi32>
    %convert_element_type3A = arith.sitofp %mul3A_93 : vector<1x2816xi32> to vector<1x2816xf32>
    %jit3A_94 = arith.constant 52 : i32
    %div3A = vector.broadcast %jit3A_94 : i32 to vector<1x2816xi32>
    %div3A_95 = arith.divsi %iota3A, %div3A : vector<1x2816xi32>
    %sign3A = arith.constant 0 : i32
    %sign3A_96 = vector.broadcast %sign3A : i32 to vector<1x2816xi32>
    %sign3A_97 = arith.cmpi sgt, %iota3A, %sign3A_96 : vector<1x2816xi32>
    %sign3A_98 = arith.extui %sign3A_97 : vector<1x2816xi1> to vector<1x2816xi32>
    %sign3A_99 = arith.constant 0 : i32
    %sign3A_100 = vector.broadcast %sign3A_99 : i32 to vector<1x2816xi32>
    %sign3A_101 = arith.cmpi slt, %iota3A, %sign3A_100 : vector<1x2816xi32>
    %sign3A_102 = arith.extui %sign3A_101 : vector<1x2816xi1> to vector<1x2816xi32>
    %sign3A_103 = arith.subi %sign3A_98, %sign3A_102 : vector<1x2816xi32>
    %sign3A_104 = arith.constant 0 : i32
    %sign3A_105 = arith.cmpi sgt, %jit3A_94, %sign3A_104 : i32
    %sign3A_106 = arith.extui %sign3A_105 : i1 to i32
    %sign3A_107 = arith.constant 0 : i32
    %sign3A_108 = arith.cmpi slt, %jit3A_94, %sign3A_107 : i32
    %sign3A_109 = arith.extui %sign3A_108 : i1 to i32
    %sign3A_110 = arith.subi %sign3A_106, %sign3A_109 : i32
    %ne3A_111 = vector.broadcast %sign3A_110 : i32 to vector<1x2816xi32>
    %ne3A_112 = arith.cmpi ne, %sign3A_103, %ne3A_111 : vector<1x2816xi32>
    %rem3A_113 = vector.broadcast %jit3A_94 : i32 to vector<1x2816xi32>
    %rem3A_114 = arith.remsi %iota3A, %rem3A_113 : vector<1x2816xi32>
    %ne3A_115 = arith.constant 0 : i32
    %ne3A_116 = vector.broadcast %ne3A_115 : i32 to vector<1x2816xi32>
    %ne3A_117 = arith.cmpi ne, %rem3A_114, %ne3A_116 : vector<1x2816xi32>
    %and3A_118 = arith.andi %ne3A_112, %ne3A_117 : vector<1x2816xi1>
    %sub3A_119 = arith.constant 1 : i32
    %sub3A_120 = vector.broadcast %sub3A_119 : i32 to vector<1x2816xi32>
    %sub3A_121 = arith.subi %div3A_95, %sub3A_120 : vector<1x2816xi32>
    %select_n3A_122 = arith.select %and3A_118, %sub3A_121, %div3A_95 : vector<1x2816xi1>, vector<1x2816xi32>
    %sub3A_123 = arith.constant 1 : i32
    %sub3A_124 = vector.broadcast %sub3A_123 : i32 to vector<1x2816xi32>
    %sub3A_125 = arith.subi %select_n3A_122, %sub3A_124 : vector<1x2816xi32>
    %mul3A_126 = arith.constant 16 : i32
    %mul3A_127 = vector.broadcast %mul3A_126 : i32 to vector<1x2816xi32>
    %mul3A_128 = arith.muli %mul3A_127, %sub3A_125 : vector<1x2816xi32>
    %convert_element_type3A_129 = arith.sitofp %mul3A_128 : vector<1x2816xi32> to vector<1x2816xf32>
    %add3A_130 = arith.constant -90.5096664 : f32
    %add3A_131 = vector.broadcast %add3A_130 : f32 to vector<1x2816xf32>
    %add3A_132 = arith.addf %convert_element_type3A, %add3A_131 : vector<1x2816xf32>
    %add3A_133 = arith.constant -45.2548332 : f32
    %add3A_134 = vector.broadcast %add3A_133 : f32 to vector<1x2816xf32>
    %add3A_135 = arith.addf %convert_element_type3A_129, %add3A_134 : vector<1x2816xf32>
    %add3A_136 = arith.constant 90.5096664 : f32
    %add3A_137 = vector.broadcast %add3A_136 : f32 to vector<1x2816xf32>
    %add3A_138 = arith.addf %convert_element_type3A, %add3A_137 : vector<1x2816xf32>
    %add3A_139 = arith.constant 45.2548332 : f32
    %add3A_140 = vector.broadcast %add3A_139 : f32 to vector<1x2816xf32>
    %add3A_141 = arith.addf %convert_element_type3A_129, %add3A_140 : vector<1x2816xf32>
    %sub3A_142 = arith.subf %add3A_138, %add3A_132 : vector<1x2816xf32>
    %sub3A_143 = arith.subf %add3A_141, %add3A_135 : vector<1x2816xf32>
    %mul3A_144 = arith.constant 5.000000e-01 : f32
    %mul3A_145 = vector.broadcast %mul3A_144 : f32 to vector<1x2816xf32>
    %mul3A_146 = arith.mulf %mul3A_145, %sub3A_142 : vector<1x2816xf32>
    %add3A_147 = arith.addf %add3A_132, %mul3A_146 : vector<1x2816xf32>
    %mul3A_148 = arith.constant 5.000000e-01 : f32
    %mul3A_149 = vector.broadcast %mul3A_148 : f32 to vector<1x2816xf32>
    %mul3A_150 = arith.mulf %mul3A_149, %sub3A_143 : vector<1x2816xf32>
    %add3A_151 = arith.addf %add3A_135, %mul3A_150 : vector<1x2816xf32>
    %slice3A = vector.extract_strided_slice %add3A_74 {offsets = [0, 0], sizes = [1, 2816], strides = [1, 1]} : vector<48x2816xf32> to vector<1x2816xf32>
    %slice3A_152 = vector.extract_strided_slice %add3A_74 {offsets = [1, 0], sizes = [1, 2816], strides = [1, 1]} : vector<48x2816xf32> to vector<1x2816xf32>
    %slice3A_153 = vector.extract_strided_slice %add3A_74 {offsets = [2, 0], sizes = [1, 2816], strides = [1, 1]} : vector<48x2816xf32> to vector<1x2816xf32>
    %min3A = arith.constant 4.13516665 : f32
    %min3A_154 = vector.broadcast %min3A : f32 to vector<1x2816xf32>
    %min3A_155 = arith.minimumf %slice3A_153, %min3A_154 : vector<1x2816xf32>
    %slice3A_156 = vector.extract_strided_slice %add3A_74 {offsets = [3, 0], sizes = [1, 2816], strides = [1, 1]} : vector<48x2816xf32> to vector<1x2816xf32>
    %min3A_157 = arith.constant 4.13516665 : f32
    %min3A_158 = vector.broadcast %min3A_157 : f32 to vector<1x2816xf32>
    %min3A_159 = arith.minimumf %slice3A_156, %min3A_158 : vector<1x2816xf32>
    %mul3A_160 = arith.mulf %slice3A, %sub3A_142 : vector<1x2816xf32>
    %add3A_161 = arith.addf %add3A_147, %mul3A_160 : vector<1x2816xf32>
    %mul3A_162 = arith.mulf %slice3A_152, %sub3A_143 : vector<1x2816xf32>
    %add3A_163 = arith.addf %add3A_151, %mul3A_162 : vector<1x2816xf32>
    %exp3A = math.exp %min3A_155 : vector<1x2816xf32>
    %mul3A_164 = arith.mulf %sub3A_142, %exp3A : vector<1x2816xf32>
    %exp3A_165 = math.exp %min3A_159 : vector<1x2816xf32>
    %mul3A_166 = arith.mulf %sub3A_143, %exp3A_165 : vector<1x2816xf32>
    %mul3A_167 = arith.constant 5.000000e-01 : f32
    %mul3A_168 = vector.broadcast %mul3A_167 : f32 to vector<1x2816xf32>
    %mul3A_169 = arith.mulf %mul3A_168, %mul3A_164 : vector<1x2816xf32>
    %sub3A_170 = arith.subf %add3A_161, %mul3A_169 : vector<1x2816xf32>
    %max3A_171 = arith.constant 0.000000e+00 : f32
    %max3A_172 = vector.broadcast %max3A_171 : f32 to vector<1x2816xf32>
    %max3A_173 = arith.maximumf %sub3A_170, %max3A_172 : vector<1x2816xf32>
    %min3A_174 = arith.constant 8.000000e+02 : f32
    %min3A_175 = vector.broadcast %min3A_174 : f32 to vector<1x2816xf32>
    %min3A_176 = arith.minimumf %max3A_173, %min3A_175 : vector<1x2816xf32>
    %mul3A_177 = arith.constant 5.000000e-01 : f32
    %mul3A_178 = vector.broadcast %mul3A_177 : f32 to vector<1x2816xf32>
    %mul3A_179 = arith.mulf %mul3A_178, %mul3A_166 : vector<1x2816xf32>
    %sub3A_180 = arith.subf %add3A_163, %mul3A_179 : vector<1x2816xf32>
    %max3A_181 = arith.constant 0.000000e+00 : f32
    %max3A_182 = vector.broadcast %max3A_181 : f32 to vector<1x2816xf32>
    %max3A_183 = arith.maximumf %sub3A_180, %max3A_182 : vector<1x2816xf32>
    %min3A_184 = arith.constant 8.000000e+02 : f32
    %min3A_185 = vector.broadcast %min3A_184 : f32 to vector<1x2816xf32>
    %min3A_186 = arith.minimumf %max3A_183, %min3A_185 : vector<1x2816xf32>
    %mul3A_187 = arith.constant 5.000000e-01 : f32
    %mul3A_188 = vector.broadcast %mul3A_187 : f32 to vector<1x2816xf32>
    %mul3A_189 = arith.mulf %mul3A_188, %mul3A_164 : vector<1x2816xf32>
    %add3A_190 = arith.addf %add3A_161, %mul3A_189 : vector<1x2816xf32>
    %max3A_191 = arith.constant 0.000000e+00 : f32
    %max3A_192 = vector.broadcast %max3A_191 : f32 to vector<1x2816xf32>
    %max3A_193 = arith.maximumf %add3A_190, %max3A_192 : vector<1x2816xf32>
    %min3A_194 = arith.constant 8.000000e+02 : f32
    %min3A_195 = vector.broadcast %min3A_194 : f32 to vector<1x2816xf32>
    %min3A_196 = arith.minimumf %max3A_193, %min3A_195 : vector<1x2816xf32>
    %mul3A_197 = arith.constant 5.000000e-01 : f32
    %mul3A_198 = vector.broadcast %mul3A_197 : f32 to vector<1x2816xf32>
    %mul3A_199 = arith.mulf %mul3A_198, %mul3A_166 : vector<1x2816xf32>
    %add3A_200 = arith.addf %add3A_163, %mul3A_199 : vector<1x2816xf32>
    %max3A_201 = arith.constant 0.000000e+00 : f32
    %max3A_202 = vector.broadcast %max3A_201 : f32 to vector<1x2816xf32>
    %max3A_203 = arith.maximumf %add3A_200, %max3A_202 : vector<1x2816xf32>
    %min3A_204 = arith.constant 8.000000e+02 : f32
    %min3A_205 = vector.broadcast %min3A_204 : f32 to vector<1x2816xf32>
    %min3A_206 = arith.minimumf %max3A_203, %min3A_205 : vector<1x2816xf32>
    %slice3A_207 = vector.extract_strided_slice %add3A_74 {offsets = [36, 0], sizes = [1, 2816], strides = [1, 1]} : vector<48x2816xf32> to vector<1x2816xf32>
    %neg3A = arith.constant 0.000000e+00 : f32
    %neg3A_208 = vector.broadcast %neg3A : f32 to vector<1x2816xf32>
    %neg3A_209 = arith.subf %neg3A_208, %slice3A_207 : vector<1x2816xf32>
    %exp3A_210 = math.exp %neg3A_209 : vector<1x2816xf32>
    %add3A_211 = arith.constant 1.000000e+00 : f32
    %add3A_212 = vector.broadcast %add3A_211 : f32 to vector<1x2816xf32>
    %add3A_213 = arith.addf %add3A_212, %exp3A_210 : vector<1x2816xf32>
    %div3A_214 = arith.constant 1.000000e+00 : f32
    %div3A_215 = vector.broadcast %div3A_214 : f32 to vector<1x2816xf32>
    %div3A_216 = arith.divf %div3A_215, %add3A_213 : vector<1x2816xf32>
    %sub3A_217 = arith.subf %min3A_196, %min3A_176 : vector<1x2816xf32>
    %ge3A = arith.constant 1.600000e+01 : f32
    %ge3A_218 = vector.broadcast %ge3A : f32 to vector<1x2816xf32>
    %ge3A_219 = arith.cmpf oge, %sub3A_217, %ge3A_218 : vector<1x2816xf32>
    %sub3A_220 = arith.subf %min3A_206, %min3A_186 : vector<1x2816xf32>
    %ge3A_221 = arith.constant 1.600000e+01 : f32
    %ge3A_222 = vector.broadcast %ge3A_221 : f32 to vector<1x2816xf32>
    %ge3A_223 = arith.cmpf oge, %sub3A_220, %ge3A_222 : vector<1x2816xf32>
    %and3A_224 = arith.andi %ge3A_219, %ge3A_223 : vector<1x2816xi1>
    %jit3A_225 = arith.constant 1.000000e+00 : f32
    %jit3A_226 = arith.constant 0.000000e+00 : f32
    %broadcast_in_dim3A = vector.broadcast %jit3A_225 : f32 to vector<1x2816xf32>
    %broadcast_in_dim3A_227 = vector.broadcast %jit3A_226 : f32 to vector<1x2816xf32>
    %select_n3A_228 = arith.select %and3A_224, %broadcast_in_dim3A, %broadcast_in_dim3A_227 : vector<1x2816xi1>, vector<1x2816xf32>
    %swap3A_229 = arith.constant 0 : index
    %swap3A_230 = arith.constant 0 : index
    %swap3A_231 = vector.load %arg5[%swap3A_229, %swap3A_230] : memref<54x2816xf32, #tpu.memory_space<vmem>>, vector<1x2816xf32>
    tpu.vector_store %arg5[%swap3A_229, %swap3A_230], %div3A_216 {strides = array<i32>} : memref<54x2816xf32, #tpu.memory_space<vmem>>, vector<1x2816xf32>,
    %swap3A_232 = arith.constant 9 : index
    %swap3A_233 = arith.constant 0 : index
    %swap3A_234 = vector.load %arg5[%swap3A_232, %swap3A_233] : memref<54x2816xf32, #tpu.memory_space<vmem>>, vector<1x2816xf32>
    tpu.vector_store %arg5[%swap3A_232, %swap3A_233], %min3A_176 {strides = array<i32>} : memref<54x2816xf32, #tpu.memory_space<vmem>>, vector<1x2816xf32>,
    %swap3A_235 = arith.constant 18 : index
    %swap3A_236 = arith.constant 0 : index
    %swap3A_237 = vector.load %arg5[%swap3A_235, %swap3A_236] : memref<54x2816xf32, #tpu.memory_space<vmem>>, vector<1x2816xf32>
    tpu.vector_store %arg5[%swap3A_235, %swap3A_236], %min3A_186 {strides = array<i32>} : memref<54x2816xf32, #tpu.memory_space<vmem>>, vector<1x2816xf32>,
    %swap3A_238 = arith.constant 27 : index
    %swap3A_239 = arith.constant 0 : index
    %swap3A_240 = vector.load %arg5[%swap3A_238, %swap3A_239] : memref<54x2816xf32, #tpu.memory_space<vmem>>, vector<1x2816xf32>
    tpu.vector_store %arg5[%swap3A_238, %swap3A_239], %min3A_196 {strides = array<i32>} : memref<54x2816xf32, #tpu.memory_space<vmem>>, vector<1x2816xf32>,
    %swap3A_241 = arith.constant 36 : index
    %swap3A_242 = arith.constant 0 : index
    %swap3A_243 = vector.load %arg5[%swap3A_241, %swap3A_242] : memref<54x2816xf32, #tpu.memory_space<vmem>>, vector<1x2816xf32>
    tpu.vector_store %arg5[%swap3A_241, %swap3A_242], %min3A_206 {strides = array<i32>} : memref<54x2816xf32, #tpu.memory_space<vmem>>, vector<1x2816xf32>,
    %swap3A_244 = arith.constant 45 : index
    %swap3A_245 = arith.constant 0 : index
    %swap3A_246 = vector.load %arg5[%swap3A_244, %swap3A_245] : memref<54x2816xf32, #tpu.memory_space<vmem>>, vector<1x2816xf32>
    tpu.vector_store %arg5[%swap3A_244, %swap3A_245], %select_n3A_228 {strides = array<i32>} : memref<54x2816xf32, #tpu.memory_space<vmem>>, vector<1x2816xf32>,
    %add3A_247 = arith.constant -6.400000e+01 : f32
    %add3A_248 = vector.broadcast %add3A_247 : f32 to vector<1x2816xf32>
    %add3A_249 = arith.addf %convert_element_type3A, %add3A_248 : vector<1x2816xf32>
    %add3A_250 = arith.constant -6.400000e+01 : f32
    %add3A_251 = vector.broadcast %add3A_250 : f32 to vector<1x2816xf32>
    %add3A_252 = arith.addf %convert_element_type3A_129, %add3A_251 : vector<1x2816xf32>
    %add3A_253 = arith.constant 6.400000e+01 : f32
    %add3A_254 = vector.broadcast %add3A_253 : f32 to vector<1x2816xf32>
    %add3A_255 = arith.addf %convert_element_type3A, %add3A_254 : vector<1x2816xf32>
    %add3A_256 = arith.constant 6.400000e+01 : f32
    %add3A_257 = vector.broadcast %add3A_256 : f32 to vector<1x2816xf32>
    %add3A_258 = arith.addf %convert_element_type3A_129, %add3A_257 : vector<1x2816xf32>
    %sub3A_259 = arith.subf %add3A_255, %add3A_249 : vector<1x2816xf32>
    %sub3A_260 = arith.subf %add3A_258, %add3A_252 : vector<1x2816xf32>
    %mul3A_261 = arith.constant 5.000000e-01 : f32
    %mul3A_262 = vector.broadcast %mul3A_261 : f32 to vector<1x2816xf32>
    %mul3A_263 = arith.mulf %mul3A_262, %sub3A_259 : vector<1x2816xf32>
    %add3A_264 = arith.addf %add3A_249, %mul3A_263 : vector<1x2816xf32>
    %mul3A_265 = arith.constant 5.000000e-01 : f32
    %mul3A_266 = vector.broadcast %mul3A_265 : f32 to vector<1x2816xf32>
    %mul3A_267 = arith.mulf %mul3A_266, %sub3A_260 : vector<1x2816xf32>
    %add3A_268 = arith.addf %add3A_252, %mul3A_267 : vector<1x2816xf32>
    %slice3A_269 = vector.extract_strided_slice %add3A_74 {offsets = [4, 0], sizes = [1, 2816], strides = [1, 1]} : vector<48x2816xf32> to vector<1x2816xf32>
    %slice3A_270 = vector.extract_strided_slice %add3A_74 {offsets = [5, 0], sizes = [1, 2816], strides = [1, 1]} : vector<48x2816xf32> to vector<1x2816xf32>
    %slice3A_271 = vector.extract_strided_slice %add3A_74 {offsets = [6, 0], sizes = [1, 2816], strides = [1, 1]} : vector<48x2816xf32> to vector<1x2816xf32>
    %min3A_272 = arith.constant 4.13516665 : f32
    %min3A_273 = vector.broadcast %min3A_272 : f32 to vector<1x2816xf32>
    %min3A_274 = arith.minimumf %slice3A_271, %min3A_273 : vector<1x2816xf32>
    %slice3A_275 = vector.extract_strided_slice %add3A_74 {offsets = [7, 0], sizes = [1, 2816], strides = [1, 1]} : vector<48x2816xf32> to vector<1x2816xf32>
    %min3A_276 = arith.constant 4.13516665 : f32
    %min3A_277 = vector.broadcast %min3A_276 : f32 to vector<1x2816xf32>
    %min3A_278 = arith.minimumf %slice3A_275, %min3A_277 : vector<1x2816xf32>
    %mul3A_279 = arith.mulf %slice3A_269, %sub3A_259 : vector<1x2816xf32>
    %add3A_280 = arith.addf %add3A_264, %mul3A_279 : vector<1x2816xf32>
    %mul3A_281 = arith.mulf %slice3A_270, %sub3A_260 : vector<1x2816xf32>
    %add3A_282 = arith.addf %add3A_268, %mul3A_281 : vector<1x2816xf32>
    %exp3A_283 = math.exp %min3A_274 : vector<1x2816xf32>
    %mul3A_284 = arith.mulf %sub3A_259, %exp3A_283 : vector<1x2816xf32>
    %exp3A_285 = math.exp %min3A_278 : vector<1x2816xf32>
    %mul3A_286 = arith.mulf %sub3A_260, %exp3A_285 : vector<1x2816xf32>
    %mul3A_287 = arith.constant 5.000000e-01 : f32
    %mul3A_288 = vector.broadcast %mul3A_287 : f32 to vector<1x2816xf32>
    %mul3A_289 = arith.mulf %mul3A_288, %mul3A_284 : vector<1x2816xf32>
    %sub3A_290 = arith.subf %add3A_280, %mul3A_289 : vector<1x2816xf32>
    %max3A_291 = arith.constant 0.000000e+00 : f32
    %max3A_292 = vector.broadcast %max3A_291 : f32 to vector<1x2816xf32>
    %max3A_293 = arith.maximumf %sub3A_290, %max3A_292 : vector<1x2816xf32>
    %min3A_294 = arith.constant 8.000000e+02 : f32
    %min3A_295 = vector.broadcast %min3A_294 : f32 to vector<1x2816xf32>
    %min3A_296 = arith.minimumf %max3A_293, %min3A_295 : vector<1x2816xf32>
    %mul3A_297 = arith.constant 5.000000e-01 : f32
    %mul3A_298 = vector.broadcast %mul3A_297 : f32 to vector<1x2816xf32>
    %mul3A_299 = arith.mulf %mul3A_298, %mul3A_286 : vector<1x2816xf32>
    %sub3A_300 = arith.subf %add3A_282, %mul3A_299 : vector<1x2816xf32>
    %max3A_301 = arith.constant 0.000000e+00 : f32
    %max3A_302 = vector.broadcast %max3A_301 : f32 to vector<1x2816xf32>
    %max3A_303 = arith.maximumf %sub3A_300, %max3A_302 : vector<1x2816xf32>
    %min3A_304 = arith.constant 8.000000e+02 : f32
    %min3A_305 = vector.broadcast %min3A_304 : f32 to vector<1x2816xf32>
    %min3A_306 = arith.minimumf %max3A_303, %min3A_305 : vector<1x2816xf32>
    %mul3A_307 = arith.constant 5.000000e-01 : f32
    %mul3A_308 = vector.broadcast %mul3A_307 : f32 to vector<1x2816xf32>
    %mul3A_309 = arith.mulf %mul3A_308, %mul3A_284 : vector<1x2816xf32>
    %add3A_310 = arith.addf %add3A_280, %mul3A_309 : vector<1x2816xf32>
    %max3A_311 = arith.constant 0.000000e+00 : f32
    %max3A_312 = vector.broadcast %max3A_311 : f32 to vector<1x2816xf32>
    %max3A_313 = arith.maximumf %add3A_310, %max3A_312 : vector<1x2816xf32>
    %min3A_314 = arith.constant 8.000000e+02 : f32
    %min3A_315 = vector.broadcast %min3A_314 : f32 to vector<1x2816xf32>
    %min3A_316 = arith.minimumf %max3A_313, %min3A_315 : vector<1x2816xf32>
    %mul3A_317 = arith.constant 5.000000e-01 : f32
    %mul3A_318 = vector.broadcast %mul3A_317 : f32 to vector<1x2816xf32>
    %mul3A_319 = arith.mulf %mul3A_318, %mul3A_286 : vector<1x2816xf32>
    %add3A_320 = arith.addf %add3A_282, %mul3A_319 : vector<1x2816xf32>
    %max3A_321 = arith.constant 0.000000e+00 : f32
    %max3A_322 = vector.broadcast %max3A_321 : f32 to vector<1x2816xf32>
    %max3A_323 = arith.maximumf %add3A_320, %max3A_322 : vector<1x2816xf32>
    %min3A_324 = arith.constant 8.000000e+02 : f32
    %min3A_325 = vector.broadcast %min3A_324 : f32 to vector<1x2816xf32>
    %min3A_326 = arith.minimumf %max3A_323, %min3A_325 : vector<1x2816xf32>
    %slice3A_327 = vector.extract_strided_slice %add3A_74 {offsets = [37, 0], sizes = [1, 2816], strides = [1, 1]} : vector<48x2816xf32> to vector<1x2816xf32>
    %neg3A_328 = arith.constant 0.000000e+00 : f32
    %neg3A_329 = vector.broadcast %neg3A_328 : f32 to vector<1x2816xf32>
    %neg3A_330 = arith.subf %neg3A_329, %slice3A_327 : vector<1x2816xf32>
    %exp3A_331 = math.exp %neg3A_330 : vector<1x2816xf32>
    %add3A_332 = arith.constant 1.000000e+00 : f32
    %add3A_333 = vector.broadcast %add3A_332 : f32 to vector<1x2816xf32>
    %add3A_334 = arith.addf %add3A_333, %exp3A_331 : vector<1x2816xf32>
    %div3A_335 = arith.constant 1.000000e+00 : f32
    %div3A_336 = vector.broadcast %div3A_335 : f32 to vector<1x2816xf32>
    %div3A_337 = arith.divf %div3A_336, %add3A_334 : vector<1x2816xf32>
    %sub3A_338 = arith.subf %min3A_316, %min3A_296 : vector<1x2816xf32>
    %ge3A_339 = arith.constant 1.600000e+01 : f32
    %ge3A_340 = vector.broadcast %ge3A_339 : f32 to vector<1x2816xf32>
    %ge3A_341 = arith.cmpf oge, %sub3A_338, %ge3A_340 : vector<1x2816xf32>
    %sub3A_342 = arith.subf %min3A_326, %min3A_306 : vector<1x2816xf32>
    %ge3A_343 = arith.constant 1.600000e+01 : f32
    %ge3A_344 = vector.broadcast %ge3A_343 : f32 to vector<1x2816xf32>
    %ge3A_345 = arith.cmpf oge, %sub3A_342, %ge3A_344 : vector<1x2816xf32>
    %and3A_346 = arith.andi %ge3A_341, %ge3A_345 : vector<1x2816xi1>
    %jit3A_347 = arith.constant 1.000000e+00 : f32
    %jit3A_348 = arith.constant 0.000000e+00 : f32
    %broadcast_in_dim3A_349 = vector.broadcast %jit3A_347 : f32 to vector<1x2816xf32>
    %broadcast_in_dim3A_350 = vector.broadcast %jit3A_348 : f32 to vector<1x2816xf32>
    %select_n3A_351 = arith.select %and3A_346, %broadcast_in_dim3A_349, %broadcast_in_dim3A_350 : vector<1x2816xi1>, vector<1x2816xf32>
    %swap3A_352 = arith.constant 1 : index
    %swap3A_353 = arith.constant 0 : index
    %swap3A_354 = vector.load %arg5[%swap3A_352, %swap3A_353] : memref<54x2816xf32, #tpu.memory_space<vmem>>, vector<1x2816xf32>
    tpu.vector_store %arg5[%swap3A_352, %swap3A_353], %div3A_337 {strides = array<i32>} : memref<54x2816xf32, #tpu.memory_space<vmem>>, vector<1x2816xf32>,
    %swap3A_355 = arith.constant 10 : index
    %swap3A_356 = arith.constant 0 : index
    %swap3A_357 = vector.load %arg5[%swap3A_355, %swap3A_356] : memref<54x2816xf32, #tpu.memory_space<vmem>>, vector<1x2816xf32>
    tpu.vector_store %arg5[%swap3A_355, %swap3A_356], %min3A_296 {strides = array<i32>} : memref<54x2816xf32, #tpu.memory_space<vmem>>, vector<1x2816xf32>,
    %swap3A_358 = arith.constant 19 : index
    %swap3A_359 = arith.constant 0 : index
    %swap3A_360 = vector.load %arg5[%swap3A_358, %swap3A_359] : memref<54x2816xf32, #tpu.memory_space<vmem>>, vector<1x2816xf32>
    tpu.vector_store %arg5[%swap3A_358, %swap3A_359], %min3A_306 {strides = array<i32>} : memref<54x2816xf32, #tpu.memory_space<vmem>>, vector<1x2816xf32>,
    %swap3A_361 = arith.constant 28 : index
    %swap3A_362 = arith.constant 0 : index
    %swap3A_363 = vector.load %arg5[%swap3A_361, %swap3A_362] : memref<54x2816xf32, #tpu.memory_space<vmem>>, vector<1x2816xf32>
    tpu.vector_store %arg5[%swap3A_361, %swap3A_362], %min3A_316 {strides = array<i32>} : memref<54x2816xf32, #tpu.memory_space<vmem>>, vector<1x2816xf32>,
    %swap3A_364 = arith.constant 37 : index
    %swap3A_365 = arith.constant 0 : index
    %swap3A_366 = vector.load %arg5[%swap3A_364, %swap3A_365] : memref<54x2816xf32, #tpu.memory_space<vmem>>, vector<1x2816xf32>
    tpu.vector_store %arg5[%swap3A_364, %swap3A_365], %min3A_326 {strides = array<i32>} : memref<54x2816xf32, #tpu.memory_space<vmem>>, vector<1x2816xf32>,
    %swap3A_367 = arith.constant 46 : index
    %swap3A_368 = arith.constant 0 : index
    %swap3A_369 = vector.load %arg5[%swap3A_367, %swap3A_368] : memref<54x2816xf32, #tpu.memory_space<vmem>>, vector<1x2816xf32>
    tpu.vector_store %arg5[%swap3A_367, %swap3A_368], %select_n3A_351 {strides = array<i32>} : memref<54x2816xf32, #tpu.memory_space<vmem>>, vector<1x2816xf32>,
    %add3A_370 = arith.constant -45.2548332 : f32
    %add3A_371 = vector.broadcast %add3A_370 : f32 to vector<1x2816xf32>
    %add3A_372 = arith.addf %convert_element_type3A, %add3A_371 : vector<1x2816xf32>
    %add3A_373 = arith.constant -90.5096664 : f32
    %add3A_374 = vector.broadcast %add3A_373 : f32 to vector<1x2816xf32>
    %add3A_375 = arith.addf %convert_element_type3A_129, %add3A_374 : vector<1x2816xf32>
    %add3A_376 = arith.constant 45.2548332 : f32
    %add3A_377 = vector.broadcast %add3A_376 : f32 to vector<1x2816xf32>
    %add3A_378 = arith.addf %convert_element_type3A, %add3A_377 : vector<1x2816xf32>
    %add3A_379 = arith.constant 90.5096664 : f32
    %add3A_380 = vector.broadcast %add3A_379 : f32 to vector<1x2816xf32>
    %add3A_381 = arith.addf %convert_element_type3A_129, %add3A_380 : vector<1x2816xf32>
    %sub3A_382 = arith.subf %add3A_378, %add3A_372 : vector<1x2816xf32>
    %sub3A_383 = arith.subf %add3A_381, %add3A_375 : vector<1x2816xf32>
    %mul3A_384 = arith.constant 5.000000e-01 : f32
    %mul3A_385 = vector.broadcast %mul3A_384 : f32 to vector<1x2816xf32>
    %mul3A_386 = arith.mulf %mul3A_385, %sub3A_382 : vector<1x2816xf32>
    %add3A_387 = arith.addf %add3A_372, %mul3A_386 : vector<1x2816xf32>
    %mul3A_388 = arith.constant 5.000000e-01 : f32
    %mul3A_389 = vector.broadcast %mul3A_388 : f32 to vector<1x2816xf32>
    %mul3A_390 = arith.mulf %mul3A_389, %sub3A_383 : vector<1x2816xf32>
    %add3A_391 = arith.addf %add3A_375, %mul3A_390 : vector<1x2816xf32>
    %slice3A_392 = vector.extract_strided_slice %add3A_74 {offsets = [8, 0], sizes = [1, 2816], strides = [1, 1]} : vector<48x2816xf32> to vector<1x2816xf32>
    %slice3A_393 = vector.extract_strided_slice %add3A_74 {offsets = [9, 0], sizes = [1, 2816], strides = [1, 1]} : vector<48x2816xf32> to vector<1x2816xf32>
    %slice3A_394 = vector.extract_strided_slice %add3A_74 {offsets = [10, 0], sizes = [1, 2816], strides = [1, 1]} : vector<48x2816xf32> to vector<1x2816xf32>
    %min3A_395 = arith.constant 4.13516665 : f32
    %min3A_396 = vector.broadcast %min3A_395 : f32 to vector<1x2816xf32>
    %min3A_397 = arith.minimumf %slice3A_394, %min3A_396 : vector<1x2816xf32>
    %slice3A_398 = vector.extract_strided_slice %add3A_74 {offsets = [11, 0], sizes = [1, 2816], strides = [1, 1]} : vector<48x2816xf32> to vector<1x2816xf32>
    %min3A_399 = arith.constant 4.13516665 : f32
    %min3A_400 = vector.broadcast %min3A_399 : f32 to vector<1x2816xf32>
    %min3A_401 = arith.minimumf %slice3A_398, %min3A_400 : vector<1x2816xf32>
    %mul3A_402 = arith.mulf %slice3A_392, %sub3A_382 : vector<1x2816xf32>
    %add3A_403 = arith.addf %add3A_387, %mul3A_402 : vector<1x2816xf32>
    %mul3A_404 = arith.mulf %slice3A_393, %sub3A_383 : vector<1x2816xf32>
    %add3A_405 = arith.addf %add3A_391, %mul3A_404 : vector<1x2816xf32>
    %exp3A_406 = math.exp %min3A_397 : vector<1x2816xf32>
    %mul3A_407 = arith.mulf %sub3A_382, %exp3A_406 : vector<1x2816xf32>
    %exp3A_408 = math.exp %min3A_401 : vector<1x2816xf32>
    %mul3A_409 = arith.mulf %sub3A_383, %exp3A_408 : vector<1x2816xf32>
    %mul3A_410 = arith.constant 5.000000e-01 : f32
    %mul3A_411 = vector.broadcast %mul3A_410 : f32 to vector<1x2816xf32>
    %mul3A_412 = arith.mulf %mul3A_411, %mul3A_407 : vector<1x2816xf32>
    %sub3A_413 = arith.subf %add3A_403, %mul3A_412 : vector<1x2816xf32>
    %max3A_414 = arith.constant 0.000000e+00 : f32
    %max3A_415 = vector.broadcast %max3A_414 : f32 to vector<1x2816xf32>
    %max3A_416 = arith.maximumf %sub3A_413, %max3A_415 : vector<1x2816xf32>
    %min3A_417 = arith.constant 8.000000e+02 : f32
    %min3A_418 = vector.broadcast %min3A_417 : f32 to vector<1x2816xf32>
    %min3A_419 = arith.minimumf %max3A_416, %min3A_418 : vector<1x2816xf32>
    %mul3A_420 = arith.constant 5.000000e-01 : f32
    %mul3A_421 = vector.broadcast %mul3A_420 : f32 to vector<1x2816xf32>
    %mul3A_422 = arith.mulf %mul3A_421, %mul3A_409 : vector<1x2816xf32>
    %sub3A_423 = arith.subf %add3A_405, %mul3A_422 : vector<1x2816xf32>
    %max3A_424 = arith.constant 0.000000e+00 : f32
    %max3A_425 = vector.broadcast %max3A_424 : f32 to vector<1x2816xf32>
    %max3A_426 = arith.maximumf %sub3A_423, %max3A_425 : vector<1x2816xf32>
    %min3A_427 = arith.constant 8.000000e+02 : f32
    %min3A_428 = vector.broadcast %min3A_427 : f32 to vector<1x2816xf32>
    %min3A_429 = arith.minimumf %max3A_426, %min3A_428 : vector<1x2816xf32>
    %mul3A_430 = arith.constant 5.000000e-01 : f32
    %mul3A_431 = vector.broadcast %mul3A_430 : f32 to vector<1x2816xf32>
    %mul3A_432 = arith.mulf %mul3A_431, %mul3A_407 : vector<1x2816xf32>
    %add3A_433 = arith.addf %add3A_403, %mul3A_432 : vector<1x2816xf32>
    %max3A_434 = arith.constant 0.000000e+00 : f32
    %max3A_435 = vector.broadcast %max3A_434 : f32 to vector<1x2816xf32>
    %max3A_436 = arith.maximumf %add3A_433, %max3A_435 : vector<1x2816xf32>
    %min3A_437 = arith.constant 8.000000e+02 : f32
    %min3A_438 = vector.broadcast %min3A_437 : f32 to vector<1x2816xf32>
    %min3A_439 = arith.minimumf %max3A_436, %min3A_438 : vector<1x2816xf32>
    %mul3A_440 = arith.constant 5.000000e-01 : f32
    %mul3A_441 = vector.broadcast %mul3A_440 : f32 to vector<1x2816xf32>
    %mul3A_442 = arith.mulf %mul3A_441, %mul3A_409 : vector<1x2816xf32>
    %add3A_443 = arith.addf %add3A_405, %mul3A_442 : vector<1x2816xf32>
    %max3A_444 = arith.constant 0.000000e+00 : f32
    %max3A_445 = vector.broadcast %max3A_444 : f32 to vector<1x2816xf32>
    %max3A_446 = arith.maximumf %add3A_443, %max3A_445 : vector<1x2816xf32>
    %min3A_447 = arith.constant 8.000000e+02 : f32
    %min3A_448 = vector.broadcast %min3A_447 : f32 to vector<1x2816xf32>
    %min3A_449 = arith.minimumf %max3A_446, %min3A_448 : vector<1x2816xf32>
    %slice3A_450 = vector.extract_strided_slice %add3A_74 {offsets = [38, 0], sizes = [1, 2816], strides = [1, 1]} : vector<48x2816xf32> to vector<1x2816xf32>
    %neg3A_451 = arith.constant 0.000000e+00 : f32
    %neg3A_452 = vector.broadcast %neg3A_451 : f32 to vector<1x2816xf32>
    %neg3A_453 = arith.subf %neg3A_452, %slice3A_450 : vector<1x2816xf32>
    %exp3A_454 = math.exp %neg3A_453 : vector<1x2816xf32>
    %add3A_455 = arith.constant 1.000000e+00 : f32
    %add3A_456 = vector.broadcast %add3A_455 : f32 to vector<1x2816xf32>
    %add3A_457 = arith.addf %add3A_456, %exp3A_454 : vector<1x2816xf32>
    %div3A_458 = arith.constant 1.000000e+00 : f32
    %div3A_459 = vector.broadcast %div3A_458 : f32 to vector<1x2816xf32>
    %div3A_460 = arith.divf %div3A_459, %add3A_457 : vector<1x2816xf32>
    %sub3A_461 = arith.subf %min3A_439, %min3A_419 : vector<1x2816xf32>
    %ge3A_462 = arith.constant 1.600000e+01 : f32
    %ge3A_463 = vector.broadcast %ge3A_462 : f32 to vector<1x2816xf32>
    %ge3A_464 = arith.cmpf oge, %sub3A_461, %ge3A_463 : vector<1x2816xf32>
    %sub3A_465 = arith.subf %min3A_449, %min3A_429 : vector<1x2816xf32>
    %ge3A_466 = arith.constant 1.600000e+01 : f32
    %ge3A_467 = vector.broadcast %ge3A_466 : f32 to vector<1x2816xf32>
    %ge3A_468 = arith.cmpf oge, %sub3A_465, %ge3A_467 : vector<1x2816xf32>
    %and3A_469 = arith.andi %ge3A_464, %ge3A_468 : vector<1x2816xi1>
    %jit3A_470 = arith.constant 1.000000e+00 : f32
    %jit3A_471 = arith.constant 0.000000e+00 : f32
    %broadcast_in_dim3A_472 = vector.broadcast %jit3A_470 : f32 to vector<1x2816xf32>
    %broadcast_in_dim3A_473 = vector.broadcast %jit3A_471 : f32 to vector<1x2816xf32>
    %select_n3A_474 = arith.select %and3A_469, %broadcast_in_dim3A_472, %broadcast_in_dim3A_473 : vector<1x2816xi1>, vector<1x2816xf32>
    %swap3A_475 = arith.constant 2 : index
    %swap3A_476 = arith.constant 0 : index
    %swap3A_477 = vector.load %arg5[%swap3A_475, %swap3A_476] : memref<54x2816xf32, #tpu.memory_space<vmem>>, vector<1x2816xf32>
    tpu.vector_store %arg5[%swap3A_475, %swap3A_476], %div3A_460 {strides = array<i32>} : memref<54x2816xf32, #tpu.memory_space<vmem>>, vector<1x2816xf32>,
    %swap3A_478 = arith.constant 11 : index
    %swap3A_479 = arith.constant 0 : index
    %swap3A_480 = vector.load %arg5[%swap3A_478, %swap3A_479] : memref<54x2816xf32, #tpu.memory_space<vmem>>, vector<1x2816xf32>
    tpu.vector_store %arg5[%swap3A_478, %swap3A_479], %min3A_419 {strides = array<i32>} : memref<54x2816xf32, #tpu.memory_space<vmem>>, vector<1x2816xf32>,
    %swap3A_481 = arith.constant 20 : index
    %swap3A_482 = arith.constant 0 : index
    %swap3A_483 = vector.load %arg5[%swap3A_481, %swap3A_482] : memref<54x2816xf32, #tpu.memory_space<vmem>>, vector<1x2816xf32>
    tpu.vector_store %arg5[%swap3A_481, %swap3A_482], %min3A_429 {strides = array<i32>} : memref<54x2816xf32, #tpu.memory_space<vmem>>, vector<1x2816xf32>,
    %swap3A_484 = arith.constant 29 : index
    %swap3A_485 = arith.constant 0 : index
    %swap3A_486 = vector.load %arg5[%swap3A_484, %swap3A_485] : memref<54x2816xf32, #tpu.memory_space<vmem>>, vector<1x2816xf32>
    tpu.vector_store %arg5[%swap3A_484, %swap3A_485], %min3A_439 {strides = array<i32>} : memref<54x2816xf32, #tpu.memory_space<vmem>>, vector<1x2816xf32>,
    %swap3A_487 = arith.constant 38 : index
    %swap3A_488 = arith.constant 0 : index
    %swap3A_489 = vector.load %arg5[%swap3A_487, %swap3A_488] : memref<54x2816xf32, #tpu.memory_space<vmem>>, vector<1x2816xf32>
    tpu.vector_store %arg5[%swap3A_487, %swap3A_488], %min3A_449 {strides = array<i32>} : memref<54x2816xf32, #tpu.memory_space<vmem>>, vector<1x2816xf32>,
    %swap3A_490 = arith.constant 47 : index
    %swap3A_491 = arith.constant 0 : index
    %swap3A_492 = vector.load %arg5[%swap3A_490, %swap3A_491] : memref<54x2816xf32, #tpu.memory_space<vmem>>, vector<1x2816xf32>
    tpu.vector_store %arg5[%swap3A_490, %swap3A_491], %select_n3A_474 {strides = array<i32>} : memref<54x2816xf32, #tpu.memory_space<vmem>>, vector<1x2816xf32>,
    %add3A_493 = arith.constant -181.019333 : f32
    %add3A_494 = vector.broadcast %add3A_493 : f32 to vector<1x2816xf32>
    %add3A_495 = arith.addf %convert_element_type3A, %add3A_494 : vector<1x2816xf32>
    %add3A_496 = arith.constant -90.5096664 : f32
    %add3A_497 = vector.broadcast %add3A_496 : f32 to vector<1x2816xf32>
    %add3A_498 = arith.addf %convert_element_type3A_129, %add3A_497 : vector<1x2816xf32>
    %add3A_499 = arith.constant 181.019333 : f32
    %add3A_500 = vector.broadcast %add3A_499 : f32 to vector<1x2816xf32>
    %add3A_501 = arith.addf %convert_element_type3A, %add3A_500 : vector<1x2816xf32>
    %add3A_502 = arith.constant 90.5096664 : f32
    %add3A_503 = vector.broadcast %add3A_502 : f32 to vector<1x2816xf32>
    %add3A_504 = arith.addf %convert_element_type3A_129, %add3A_503 : vector<1x2816xf32>
    %sub3A_505 = arith.subf %add3A_501, %add3A_495 : vector<1x2816xf32>
    %sub3A_506 = arith.subf %add3A_504, %add3A_498 : vector<1x2816xf32>
    %mul3A_507 = arith.constant 5.000000e-01 : f32
    %mul3A_508 = vector.broadcast %mul3A_507 : f32 to vector<1x2816xf32>
    %mul3A_509 = arith.mulf %mul3A_508, %sub3A_505 : vector<1x2816xf32>
    %add3A_510 = arith.addf %add3A_495, %mul3A_509 : vector<1x2816xf32>
    %mul3A_511 = arith.constant 5.000000e-01 : f32
    %mul3A_512 = vector.broadcast %mul3A_511 : f32 to vector<1x2816xf32>
    %mul3A_513 = arith.mulf %mul3A_512, %sub3A_506 : vector<1x2816xf32>
    %add3A_514 = arith.addf %add3A_498, %mul3A_513 : vector<1x2816xf32>
    %slice3A_515 = vector.extract_strided_slice %add3A_74 {offsets = [12, 0], sizes = [1, 2816], strides = [1, 1]} : vector<48x2816xf32> to vector<1x2816xf32>
    %slice3A_516 = vector.extract_strided_slice %add3A_74 {offsets = [13, 0], sizes = [1, 2816], strides = [1, 1]} : vector<48x2816xf32> to vector<1x2816xf32>
    %slice3A_517 = vector.extract_strided_slice %add3A_74 {offsets = [14, 0], sizes = [1, 2816], strides = [1, 1]} : vector<48x2816xf32> to vector<1x2816xf32>
    %min3A_518 = arith.constant 4.13516665 : f32
    %min3A_519 = vector.broadcast %min3A_518 : f32 to vector<1x2816xf32>
    %min3A_520 = arith.minimumf %slice3A_517, %min3A_519 : vector<1x2816xf32>
    %slice3A_521 = vector.extract_strided_slice %add3A_74 {offsets = [15, 0], sizes = [1, 2816], strides = [1, 1]} : vector<48x2816xf32> to vector<1x2816xf32>
    %min3A_522 = arith.constant 4.13516665 : f32
    %min3A_523 = vector.broadcast %min3A_522 : f32 to vector<1x2816xf32>
    %min3A_524 = arith.minimumf %slice3A_521, %min3A_523 : vector<1x2816xf32>
    %mul3A_525 = arith.mulf %slice3A_515, %sub3A_505 : vector<1x2816xf32>
    %add3A_526 = arith.addf %add3A_510, %mul3A_525 : vector<1x2816xf32>
    %mul3A_527 = arith.mulf %slice3A_516, %sub3A_506 : vector<1x2816xf32>
    %add3A_528 = arith.addf %add3A_514, %mul3A_527 : vector<1x2816xf32>
    %exp3A_529 = math.exp %min3A_520 : vector<1x2816xf32>
    %mul3A_530 = arith.mulf %sub3A_505, %exp3A_529 : vector<1x2816xf32>
    %exp3A_531 = math.exp %min3A_524 : vector<1x2816xf32>
    %mul3A_532 = arith.mulf %sub3A_506, %exp3A_531 : vector<1x2816xf32>
    %mul3A_533 = arith.constant 5.000000e-01 : f32
    %mul3A_534 = vector.broadcast %mul3A_533 : f32 to vector<1x2816xf32>
    %mul3A_535 = arith.mulf %mul3A_534, %mul3A_530 : vector<1x2816xf32>
    %sub3A_536 = arith.subf %add3A_526, %mul3A_535 : vector<1x2816xf32>
    %max3A_537 = arith.constant 0.000000e+00 : f32
    %max3A_538 = vector.broadcast %max3A_537 : f32 to vector<1x2816xf32>
    %max3A_539 = arith.maximumf %sub3A_536, %max3A_538 : vector<1x2816xf32>
    %min3A_540 = arith.constant 8.000000e+02 : f32
    %min3A_541 = vector.broadcast %min3A_540 : f32 to vector<1x2816xf32>
    %min3A_542 = arith.minimumf %max3A_539, %min3A_541 : vector<1x2816xf32>
    %mul3A_543 = arith.constant 5.000000e-01 : f32
    %mul3A_544 = vector.broadcast %mul3A_543 : f32 to vector<1x2816xf32>
    %mul3A_545 = arith.mulf %mul3A_544, %mul3A_532 : vector<1x2816xf32>
    %sub3A_546 = arith.subf %add3A_528, %mul3A_545 : vector<1x2816xf32>
    %max3A_547 = arith.constant 0.000000e+00 : f32
    %max3A_548 = vector.broadcast %max3A_547 : f32 to vector<1x2816xf32>
    %max3A_549 = arith.maximumf %sub3A_546, %max3A_548 : vector<1x2816xf32>
    %min3A_550 = arith.constant 8.000000e+02 : f32
    %min3A_551 = vector.broadcast %min3A_550 : f32 to vector<1x2816xf32>
    %min3A_552 = arith.minimumf %max3A_549, %min3A_551 : vector<1x2816xf32>
    %mul3A_553 = arith.constant 5.000000e-01 : f32
    %mul3A_554 = vector.broadcast %mul3A_553 : f32 to vector<1x2816xf32>
    %mul3A_555 = arith.mulf %mul3A_554, %mul3A_530 : vector<1x2816xf32>
    %add3A_556 = arith.addf %add3A_526, %mul3A_555 : vector<1x2816xf32>
    %max3A_557 = arith.constant 0.000000e+00 : f32
    %max3A_558 = vector.broadcast %max3A_557 : f32 to vector<1x2816xf32>
    %max3A_559 = arith.maximumf %add3A_556, %max3A_558 : vector<1x2816xf32>
    %min3A_560 = arith.constant 8.000000e+02 : f32
    %min3A_561 = vector.broadcast %min3A_560 : f32 to vector<1x2816xf32>
    %min3A_562 = arith.minimumf %max3A_559, %min3A_561 : vector<1x2816xf32>
    %mul3A_563 = arith.constant 5.000000e-01 : f32
    %mul3A_564 = vector.broadcast %mul3A_563 : f32 to vector<1x2816xf32>
    %mul3A_565 = arith.mulf %mul3A_564, %mul3A_532 : vector<1x2816xf32>
    %add3A_566 = arith.addf %add3A_528, %mul3A_565 : vector<1x2816xf32>
    %max3A_567 = arith.constant 0.000000e+00 : f32
    %max3A_568 = vector.broadcast %max3A_567 : f32 to vector<1x2816xf32>
    %max3A_569 = arith.maximumf %add3A_566, %max3A_568 : vector<1x2816xf32>
    %min3A_570 = arith.constant 8.000000e+02 : f32
    %min3A_571 = vector.broadcast %min3A_570 : f32 to vector<1x2816xf32>
    %min3A_572 = arith.minimumf %max3A_569, %min3A_571 : vector<1x2816xf32>
    %slice3A_573 = vector.extract_strided_slice %add3A_74 {offsets = [39, 0], sizes = [1, 2816], strides = [1, 1]} : vector<48x2816xf32> to vector<1x2816xf32>
    %neg3A_574 = arith.constant 0.000000e+00 : f32
    %neg3A_575 = vector.broadcast %neg3A_574 : f32 to vector<1x2816xf32>
    %neg3A_576 = arith.subf %neg3A_575, %slice3A_573 : vector<1x2816xf32>
    %exp3A_577 = math.exp %neg3A_576 : vector<1x2816xf32>
    %add3A_578 = arith.constant 1.000000e+00 : f32
    %add3A_579 = vector.broadcast %add3A_578 : f32 to vector<1x2816xf32>
    %add3A_580 = arith.addf %add3A_579, %exp3A_577 : vector<1x2816xf32>
    %div3A_581 = arith.constant 1.000000e+00 : f32
    %div3A_582 = vector.broadcast %div3A_581 : f32 to vector<1x2816xf32>
    %div3A_583 = arith.divf %div3A_582, %add3A_580 : vector<1x2816xf32>
    %sub3A_584 = arith.subf %min3A_562, %min3A_542 : vector<1x2816xf32>
    %ge3A_585 = arith.constant 1.600000e+01 : f32
    %ge3A_586 = vector.broadcast %ge3A_585 : f32 to vector<1x2816xf32>
    %ge3A_587 = arith.cmpf oge, %sub3A_584, %ge3A_586 : vector<1x2816xf32>
    %sub3A_588 = arith.subf %min3A_572, %min3A_552 : vector<1x2816xf32>
    %ge3A_589 = arith.constant 1.600000e+01 : f32
    %ge3A_590 = vector.broadcast %ge3A_589 : f32 to vector<1x2816xf32>
    %ge3A_591 = arith.cmpf oge, %sub3A_588, %ge3A_590 : vector<1x2816xf32>
    %and3A_592 = arith.andi %ge3A_587, %ge3A_591 : vector<1x2816xi1>
    %jit3A_593 = arith.constant 1.000000e+00 : f32
    %jit3A_594 = arith.constant 0.000000e+00 : f32
    %broadcast_in_dim3A_595 = vector.broadcast %jit3A_593 : f32 to vector<1x2816xf32>
    %broadcast_in_dim3A_596 = vector.broadcast %jit3A_594 : f32 to vector<1x2816xf32>
    %select_n3A_597 = arith.select %and3A_592, %broadcast_in_dim3A_595, %broadcast_in_dim3A_596 : vector<1x2816xi1>, vector<1x2816xf32>
    %swap3A_598 = arith.constant 3 : index
    %swap3A_599 = arith.constant 0 : index
    %swap3A_600 = vector.load %arg5[%swap3A_598, %swap3A_599] : memref<54x2816xf32, #tpu.memory_space<vmem>>, vector<1x2816xf32>
    tpu.vector_store %arg5[%swap3A_598, %swap3A_599], %div3A_583 {strides = array<i32>} : memref<54x2816xf32, #tpu.memory_space<vmem>>, vector<1x2816xf32>,
    %swap3A_601 = arith.constant 12 : index
    %swap3A_602 = arith.constant 0 : index
    %swap3A_603 = vector.load %arg5[%swap3A_601, %swap3A_602] : memref<54x2816xf32, #tpu.memory_space<vmem>>, vector<1x2816xf32>
    tpu.vector_store %arg5[%swap3A_601, %swap3A_602], %min3A_542 {strides = array<i32>} : memref<54x2816xf32, #tpu.memory_space<vmem>>, vector<1x2816xf32>,
    %swap3A_604 = arith.constant 21 : index
    %swap3A_605 = arith.constant 0 : index
    %swap3A_606 = vector.load %arg5[%swap3A_604, %swap3A_605] : memref<54x2816xf32, #tpu.memory_space<vmem>>, vector<1x2816xf32>
    tpu.vector_store %arg5[%swap3A_604, %swap3A_605], %min3A_552 {strides = array<i32>} : memref<54x2816xf32, #tpu.memory_space<vmem>>, vector<1x2816xf32>,
    %swap3A_607 = arith.constant 30 : index
    %swap3A_608 = arith.constant 0 : index
    %swap3A_609 = vector.load %arg5[%swap3A_607, %swap3A_608] : memref<54x2816xf32, #tpu.memory_space<vmem>>, vector<1x2816xf32>
    tpu.vector_store %arg5[%swap3A_607, %swap3A_608], %min3A_562 {strides = array<i32>} : memref<54x2816xf32, #tpu.memory_space<vmem>>, vector<1x2816xf32>,
    %swap3A_610 = arith.constant 39 : index
    %swap3A_611 = arith.constant 0 : index
    %swap3A_612 = vector.load %arg5[%swap3A_610, %swap3A_611] : memref<54x2816xf32, #tpu.memory_space<vmem>>, vector<1x2816xf32>
    tpu.vector_store %arg5[%swap3A_610, %swap3A_611], %min3A_572 {strides = array<i32>} : memref<54x2816xf32, #tpu.memory_space<vmem>>, vector<1x2816xf32>,
    %swap3A_613 = arith.constant 48 : index
    %swap3A_614 = arith.constant 0 : index
    %swap3A_615 = vector.load %arg5[%swap3A_613, %swap3A_614] : memref<54x2816xf32, #tpu.memory_space<vmem>>, vector<1x2816xf32>
    tpu.vector_store %arg5[%swap3A_613, %swap3A_614], %select_n3A_597 {strides = array<i32>} : memref<54x2816xf32, #tpu.memory_space<vmem>>, vector<1x2816xf32>,
    %add3A_616 = arith.constant -1.280000e+02 : f32
    %add3A_617 = vector.broadcast %add3A_616 : f32 to vector<1x2816xf32>
    %add3A_618 = arith.addf %convert_element_type3A, %add3A_617 : vector<1x2816xf32>
    %add3A_619 = arith.constant -1.280000e+02 : f32
    %add3A_620 = vector.broadcast %add3A_619 : f32 to vector<1x2816xf32>
    %add3A_621 = arith.addf %convert_element_type3A_129, %add3A_620 : vector<1x2816xf32>
    %add3A_622 = arith.constant 1.280000e+02 : f32
    %add3A_623 = vector.broadcast %add3A_622 : f32 to vector<1x2816xf32>
    %add3A_624 = arith.addf %convert_element_type3A, %add3A_623 : vector<1x2816xf32>
    %add3A_625 = arith.constant 1.280000e+02 : f32
    %add3A_626 = vector.broadcast %add3A_625 : f32 to vector<1x2816xf32>
    %add3A_627 = arith.addf %convert_element_type3A_129, %add3A_626 : vector<1x2816xf32>
    %sub3A_628 = arith.subf %add3A_624, %add3A_618 : vector<1x2816xf32>
    %sub3A_629 = arith.subf %add3A_627, %add3A_621 : vector<1x2816xf32>
    %mul3A_630 = arith.constant 5.000000e-01 : f32
    %mul3A_631 = vector.broadcast %mul3A_630 : f32 to vector<1x2816xf32>
    %mul3A_632 = arith.mulf %mul3A_631, %sub3A_628 : vector<1x2816xf32>
    %add3A_633 = arith.addf %add3A_618, %mul3A_632 : vector<1x2816xf32>
    %mul3A_634 = arith.constant 5.000000e-01 : f32
    %mul3A_635 = vector.broadcast %mul3A_634 : f32 to vector<1x2816xf32>
    %mul3A_636 = arith.mulf %mul3A_635, %sub3A_629 : vector<1x2816xf32>
    %add3A_637 = arith.addf %add3A_621, %mul3A_636 : vector<1x2816xf32>
    %slice3A_638 = vector.extract_strided_slice %add3A_74 {offsets = [16, 0], sizes = [1, 2816], strides = [1, 1]} : vector<48x2816xf32> to vector<1x2816xf32>
    %slice3A_639 = vector.extract_strided_slice %add3A_74 {offsets = [17, 0], sizes = [1, 2816], strides = [1, 1]} : vector<48x2816xf32> to vector<1x2816xf32>
    %slice3A_640 = vector.extract_strided_slice %add3A_74 {offsets = [18, 0], sizes = [1, 2816], strides = [1, 1]} : vector<48x2816xf32> to vector<1x2816xf32>
    %min3A_641 = arith.constant 4.13516665 : f32
    %min3A_642 = vector.broadcast %min3A_641 : f32 to vector<1x2816xf32>
    %min3A_643 = arith.minimumf %slice3A_640, %min3A_642 : vector<1x2816xf32>
    %slice3A_644 = vector.extract_strided_slice %add3A_74 {offsets = [19, 0], sizes = [1, 2816], strides = [1, 1]} : vector<48x2816xf32> to vector<1x2816xf32>
    %min3A_645 = arith.constant 4.13516665 : f32
    %min3A_646 = vector.broadcast %min3A_645 : f32 to vector<1x2816xf32>
    %min3A_647 = arith.minimumf %slice3A_644, %min3A_646 : vector<1x2816xf32>
    %mul3A_648 = arith.mulf %slice3A_638, %sub3A_628 : vector<1x2816xf32>
    %add3A_649 = arith.addf %add3A_633, %mul3A_648 : vector<1x2816xf32>
    %mul3A_650 = arith.mulf %slice3A_639, %sub3A_629 : vector<1x2816xf32>
    %add3A_651 = arith.addf %add3A_637, %mul3A_650 : vector<1x2816xf32>
    %exp3A_652 = math.exp %min3A_643 : vector<1x2816xf32>
    %mul3A_653 = arith.mulf %sub3A_628, %exp3A_652 : vector<1x2816xf32>
    %exp3A_654 = math.exp %min3A_647 : vector<1x2816xf32>
    %mul3A_655 = arith.mulf %sub3A_629, %exp3A_654 : vector<1x2816xf32>
    %mul3A_656 = arith.constant 5.000000e-01 : f32
    %mul3A_657 = vector.broadcast %mul3A_656 : f32 to vector<1x2816xf32>
    %mul3A_658 = arith.mulf %mul3A_657, %mul3A_653 : vector<1x2816xf32>
    %sub3A_659 = arith.subf %add3A_649, %mul3A_658 : vector<1x2816xf32>
    %max3A_660 = arith.constant 0.000000e+00 : f32
    %max3A_661 = vector.broadcast %max3A_660 : f32 to vector<1x2816xf32>
    %max3A_662 = arith.maximumf %sub3A_659, %max3A_661 : vector<1x2816xf32>
    %min3A_663 = arith.constant 8.000000e+02 : f32
    %min3A_664 = vector.broadcast %min3A_663 : f32 to vector<1x2816xf32>
    %min3A_665 = arith.minimumf %max3A_662, %min3A_664 : vector<1x2816xf32>
    %mul3A_666 = arith.constant 5.000000e-01 : f32
    %mul3A_667 = vector.broadcast %mul3A_666 : f32 to vector<1x2816xf32>
    %mul3A_668 = arith.mulf %mul3A_667, %mul3A_655 : vector<1x2816xf32>
    %sub3A_669 = arith.subf %add3A_651, %mul3A_668 : vector<1x2816xf32>
    %max3A_670 = arith.constant 0.000000e+00 : f32
    %max3A_671 = vector.broadcast %max3A_670 : f32 to vector<1x2816xf32>
    %max3A_672 = arith.maximumf %sub3A_669, %max3A_671 : vector<1x2816xf32>
    %min3A_673 = arith.constant 8.000000e+02 : f32
    %min3A_674 = vector.broadcast %min3A_673 : f32 to vector<1x2816xf32>
    %min3A_675 = arith.minimumf %max3A_672, %min3A_674 : vector<1x2816xf32>
    %mul3A_676 = arith.constant 5.000000e-01 : f32
    %mul3A_677 = vector.broadcast %mul3A_676 : f32 to vector<1x2816xf32>
    %mul3A_678 = arith.mulf %mul3A_677, %mul3A_653 : vector<1x2816xf32>
    %add3A_679 = arith.addf %add3A_649, %mul3A_678 : vector<1x2816xf32>
    %max3A_680 = arith.constant 0.000000e+00 : f32
    %max3A_681 = vector.broadcast %max3A_680 : f32 to vector<1x2816xf32>
    %max3A_682 = arith.maximumf %add3A_679, %max3A_681 : vector<1x2816xf32>
    %min3A_683 = arith.constant 8.000000e+02 : f32
    %min3A_684 = vector.broadcast %min3A_683 : f32 to vector<1x2816xf32>
    %min3A_685 = arith.minimumf %max3A_682, %min3A_684 : vector<1x2816xf32>
    %mul3A_686 = arith.constant 5.000000e-01 : f32
    %mul3A_687 = vector.broadcast %mul3A_686 : f32 to vector<1x2816xf32>
    %mul3A_688 = arith.mulf %mul3A_687, %mul3A_655 : vector<1x2816xf32>
    %add3A_689 = arith.addf %add3A_651, %mul3A_688 : vector<1x2816xf32>
    %max3A_690 = arith.constant 0.000000e+00 : f32
    %max3A_691 = vector.broadcast %max3A_690 : f32 to vector<1x2816xf32>
    %max3A_692 = arith.maximumf %add3A_689, %max3A_691 : vector<1x2816xf32>
    %min3A_693 = arith.constant 8.000000e+02 : f32
    %min3A_694 = vector.broadcast %min3A_693 : f32 to vector<1x2816xf32>
    %min3A_695 = arith.minimumf %max3A_692, %min3A_694 : vector<1x2816xf32>
    %slice3A_696 = vector.extract_strided_slice %add3A_74 {offsets = [40, 0], sizes = [1, 2816], strides = [1, 1]} : vector<48x2816xf32> to vector<1x2816xf32>
    %neg3A_697 = arith.constant 0.000000e+00 : f32
    %neg3A_698 = vector.broadcast %neg3A_697 : f32 to vector<1x2816xf32>
    %neg3A_699 = arith.subf %neg3A_698, %slice3A_696 : vector<1x2816xf32>
    %exp3A_700 = math.exp %neg3A_699 : vector<1x2816xf32>
    %add3A_701 = arith.constant 1.000000e+00 : f32
    %add3A_702 = vector.broadcast %add3A_701 : f32 to vector<1x2816xf32>
    %add3A_703 = arith.addf %add3A_702, %exp3A_700 : vector<1x2816xf32>
    %div3A_704 = arith.constant 1.000000e+00 : f32
    %div3A_705 = vector.broadcast %div3A_704 : f32 to vector<1x2816xf32>
    %div3A_706 = arith.divf %div3A_705, %add3A_703 : vector<1x2816xf32>
    %sub3A_707 = arith.subf %min3A_685, %min3A_665 : vector<1x2816xf32>
    %ge3A_708 = arith.constant 1.600000e+01 : f32
    %ge3A_709 = vector.broadcast %ge3A_708 : f32 to vector<1x2816xf32>
    %ge3A_710 = arith.cmpf oge, %sub3A_707, %ge3A_709 : vector<1x2816xf32>
    %sub3A_711 = arith.subf %min3A_695, %min3A_675 : vector<1x2816xf32>
    %ge3A_712 = arith.constant 1.600000e+01 : f32
    %ge3A_713 = vector.broadcast %ge3A_712 : f32 to vector<1x2816xf32>
    %ge3A_714 = arith.cmpf oge, %sub3A_711, %ge3A_713 : vector<1x2816xf32>
    %and3A_715 = arith.andi %ge3A_710, %ge3A_714 : vector<1x2816xi1>
    %jit3A_716 = arith.constant 1.000000e+00 : f32
    %jit3A_717 = arith.constant 0.000000e+00 : f32
    %broadcast_in_dim3A_718 = vector.broadcast %jit3A_716 : f32 to vector<1x2816xf32>
    %broadcast_in_dim3A_719 = vector.broadcast %jit3A_717 : f32 to vector<1x2816xf32>
    %select_n3A_720 = arith.select %and3A_715, %broadcast_in_dim3A_718, %broadcast_in_dim3A_719 : vector<1x2816xi1>, vector<1x2816xf32>
    %swap3A_721 = arith.constant 4 : index
    %swap3A_722 = arith.constant 0 : index
    %swap3A_723 = vector.load %arg5[%swap3A_721, %swap3A_722] : memref<54x2816xf32, #tpu.memory_space<vmem>>, vector<1x2816xf32>
    tpu.vector_store %arg5[%swap3A_721, %swap3A_722], %div3A_706 {strides = array<i32>} : memref<54x2816xf32, #tpu.memory_space<vmem>>, vector<1x2816xf32>,
    %swap3A_724 = arith.constant 13 : index
    %swap3A_725 = arith.constant 0 : index
    %swap3A_726 = vector.load %arg5[%swap3A_724, %swap3A_725] : memref<54x2816xf32, #tpu.memory_space<vmem>>, vector<1x2816xf32>
    tpu.vector_store %arg5[%swap3A_724, %swap3A_725], %min3A_665 {strides = array<i32>} : memref<54x2816xf32, #tpu.memory_space<vmem>>, vector<1x2816xf32>,
    %swap3A_727 = arith.constant 22 : index
    %swap3A_728 = arith.constant 0 : index
    %swap3A_729 = vector.load %arg5[%swap3A_727, %swap3A_728] : memref<54x2816xf32, #tpu.memory_space<vmem>>, vector<1x2816xf32>
    tpu.vector_store %arg5[%swap3A_727, %swap3A_728], %min3A_675 {strides = array<i32>} : memref<54x2816xf32, #tpu.memory_space<vmem>>, vector<1x2816xf32>,
    %swap3A_730 = arith.constant 31 : index
    %swap3A_731 = arith.constant 0 : index
    %swap3A_732 = vector.load %arg5[%swap3A_730, %swap3A_731] : memref<54x2816xf32, #tpu.memory_space<vmem>>, vector<1x2816xf32>
    tpu.vector_store %arg5[%swap3A_730, %swap3A_731], %min3A_685 {strides = array<i32>} : memref<54x2816xf32, #tpu.memory_space<vmem>>, vector<1x2816xf32>,
    %swap3A_733 = arith.constant 40 : index
    %swap3A_734 = arith.constant 0 : index
    %swap3A_735 = vector.load %arg5[%swap3A_733, %swap3A_734] : memref<54x2816xf32, #tpu.memory_space<vmem>>, vector<1x2816xf32>
    tpu.vector_store %arg5[%swap3A_733, %swap3A_734], %min3A_695 {strides = array<i32>} : memref<54x2816xf32, #tpu.memory_space<vmem>>, vector<1x2816xf32>,
    %swap3A_736 = arith.constant 49 : index
    %swap3A_737 = arith.constant 0 : index
    %swap3A_738 = vector.load %arg5[%swap3A_736, %swap3A_737] : memref<54x2816xf32, #tpu.memory_space<vmem>>, vector<1x2816xf32>
    tpu.vector_store %arg5[%swap3A_736, %swap3A_737], %select_n3A_720 {strides = array<i32>} : memref<54x2816xf32, #tpu.memory_space<vmem>>, vector<1x2816xf32>,
    %add3A_739 = arith.constant -90.5096664 : f32
    %add3A_740 = vector.broadcast %add3A_739 : f32 to vector<1x2816xf32>
    %add3A_741 = arith.addf %convert_element_type3A, %add3A_740 : vector<1x2816xf32>
    %add3A_742 = arith.constant -181.019333 : f32
    %add3A_743 = vector.broadcast %add3A_742 : f32 to vector<1x2816xf32>
    %add3A_744 = arith.addf %convert_element_type3A_129, %add3A_743 : vector<1x2816xf32>
    %add3A_745 = arith.constant 90.5096664 : f32
    %add3A_746 = vector.broadcast %add3A_745 : f32 to vector<1x2816xf32>
    %add3A_747 = arith.addf %convert_element_type3A, %add3A_746 : vector<1x2816xf32>
    %add3A_748 = arith.constant 181.019333 : f32
    %add3A_749 = vector.broadcast %add3A_748 : f32 to vector<1x2816xf32>
    %add3A_750 = arith.addf %convert_element_type3A_129, %add3A_749 : vector<1x2816xf32>
    %sub3A_751 = arith.subf %add3A_747, %add3A_741 : vector<1x2816xf32>
    %sub3A_752 = arith.subf %add3A_750, %add3A_744 : vector<1x2816xf32>
    %mul3A_753 = arith.constant 5.000000e-01 : f32
    %mul3A_754 = vector.broadcast %mul3A_753 : f32 to vector<1x2816xf32>
    %mul3A_755 = arith.mulf %mul3A_754, %sub3A_751 : vector<1x2816xf32>
    %add3A_756 = arith.addf %add3A_741, %mul3A_755 : vector<1x2816xf32>
    %mul3A_757 = arith.constant 5.000000e-01 : f32
    %mul3A_758 = vector.broadcast %mul3A_757 : f32 to vector<1x2816xf32>
    %mul3A_759 = arith.mulf %mul3A_758, %sub3A_752 : vector<1x2816xf32>
    %add3A_760 = arith.addf %add3A_744, %mul3A_759 : vector<1x2816xf32>
    %slice3A_761 = vector.extract_strided_slice %add3A_74 {offsets = [20, 0], sizes = [1, 2816], strides = [1, 1]} : vector<48x2816xf32> to vector<1x2816xf32>
    %slice3A_762 = vector.extract_strided_slice %add3A_74 {offsets = [21, 0], sizes = [1, 2816], strides = [1, 1]} : vector<48x2816xf32> to vector<1x2816xf32>
    %slice3A_763 = vector.extract_strided_slice %add3A_74 {offsets = [22, 0], sizes = [1, 2816], strides = [1, 1]} : vector<48x2816xf32> to vector<1x2816xf32>
    %min3A_764 = arith.constant 4.13516665 : f32
    %min3A_765 = vector.broadcast %min3A_764 : f32 to vector<1x2816xf32>
    %min3A_766 = arith.minimumf %slice3A_763, %min3A_765 : vector<1x2816xf32>
    %slice3A_767 = vector.extract_strided_slice %add3A_74 {offsets = [23, 0], sizes = [1, 2816], strides = [1, 1]} : vector<48x2816xf32> to vector<1x2816xf32>
    %min3A_768 = arith.constant 4.13516665 : f32
    %min3A_769 = vector.broadcast %min3A_768 : f32 to vector<1x2816xf32>
    %min3A_770 = arith.minimumf %slice3A_767, %min3A_769 : vector<1x2816xf32>
    %mul3A_771 = arith.mulf %slice3A_761, %sub3A_751 : vector<1x2816xf32>
    %add3A_772 = arith.addf %add3A_756, %mul3A_771 : vector<1x2816xf32>
    %mul3A_773 = arith.mulf %slice3A_762, %sub3A_752 : vector<1x2816xf32>
    %add3A_774 = arith.addf %add3A_760, %mul3A_773 : vector<1x2816xf32>
    %exp3A_775 = math.exp %min3A_766 : vector<1x2816xf32>
    %mul3A_776 = arith.mulf %sub3A_751, %exp3A_775 : vector<1x2816xf32>
    %exp3A_777 = math.exp %min3A_770 : vector<1x2816xf32>
    %mul3A_778 = arith.mulf %sub3A_752, %exp3A_777 : vector<1x2816xf32>
    %mul3A_779 = arith.constant 5.000000e-01 : f32
    %mul3A_780 = vector.broadcast %mul3A_779 : f32 to vector<1x2816xf32>
    %mul3A_781 = arith.mulf %mul3A_780, %mul3A_776 : vector<1x2816xf32>
    %sub3A_782 = arith.subf %add3A_772, %mul3A_781 : vector<1x2816xf32>
    %max3A_783 = arith.constant 0.000000e+00 : f32
    %max3A_784 = vector.broadcast %max3A_783 : f32 to vector<1x2816xf32>
    %max3A_785 = arith.maximumf %sub3A_782, %max3A_784 : vector<1x2816xf32>
    %min3A_786 = arith.constant 8.000000e+02 : f32
    %min3A_787 = vector.broadcast %min3A_786 : f32 to vector<1x2816xf32>
    %min3A_788 = arith.minimumf %max3A_785, %min3A_787 : vector<1x2816xf32>
    %mul3A_789 = arith.constant 5.000000e-01 : f32
    %mul3A_790 = vector.broadcast %mul3A_789 : f32 to vector<1x2816xf32>
    %mul3A_791 = arith.mulf %mul3A_790, %mul3A_778 : vector<1x2816xf32>
    %sub3A_792 = arith.subf %add3A_774, %mul3A_791 : vector<1x2816xf32>
    %max3A_793 = arith.constant 0.000000e+00 : f32
    %max3A_794 = vector.broadcast %max3A_793 : f32 to vector<1x2816xf32>
    %max3A_795 = arith.maximumf %sub3A_792, %max3A_794 : vector<1x2816xf32>
    %min3A_796 = arith.constant 8.000000e+02 : f32
    %min3A_797 = vector.broadcast %min3A_796 : f32 to vector<1x2816xf32>
    %min3A_798 = arith.minimumf %max3A_795, %min3A_797 : vector<1x2816xf32>
    %mul3A_799 = arith.constant 5.000000e-01 : f32
    %mul3A_800 = vector.broadcast %mul3A_799 : f32 to vector<1x2816xf32>
    %mul3A_801 = arith.mulf %mul3A_800, %mul3A_776 : vector<1x2816xf32>
    %add3A_802 = arith.addf %add3A_772, %mul3A_801 : vector<1x2816xf32>
    %max3A_803 = arith.constant 0.000000e+00 : f32
    %max3A_804 = vector.broadcast %max3A_803 : f32 to vector<1x2816xf32>
    %max3A_805 = arith.maximumf %add3A_802, %max3A_804 : vector<1x2816xf32>
    %min3A_806 = arith.constant 8.000000e+02 : f32
    %min3A_807 = vector.broadcast %min3A_806 : f32 to vector<1x2816xf32>
    %min3A_808 = arith.minimumf %max3A_805, %min3A_807 : vector<1x2816xf32>
    %mul3A_809 = arith.constant 5.000000e-01 : f32
    %mul3A_810 = vector.broadcast %mul3A_809 : f32 to vector<1x2816xf32>
    %mul3A_811 = arith.mulf %mul3A_810, %mul3A_778 : vector<1x2816xf32>
    %add3A_812 = arith.addf %add3A_774, %mul3A_811 : vector<1x2816xf32>
    %max3A_813 = arith.constant 0.000000e+00 : f32
    %max3A_814 = vector.broadcast %max3A_813 : f32 to vector<1x2816xf32>
    %max3A_815 = arith.maximumf %add3A_812, %max3A_814 : vector<1x2816xf32>
    %min3A_816 = arith.constant 8.000000e+02 : f32
    %min3A_817 = vector.broadcast %min3A_816 : f32 to vector<1x2816xf32>
    %min3A_818 = arith.minimumf %max3A_815, %min3A_817 : vector<1x2816xf32>
    %slice3A_819 = vector.extract_strided_slice %add3A_74 {offsets = [41, 0], sizes = [1, 2816], strides = [1, 1]} : vector<48x2816xf32> to vector<1x2816xf32>
    %neg3A_820 = arith.constant 0.000000e+00 : f32
    %neg3A_821 = vector.broadcast %neg3A_820 : f32 to vector<1x2816xf32>
    %neg3A_822 = arith.subf %neg3A_821, %slice3A_819 : vector<1x2816xf32>
    %exp3A_823 = math.exp %neg3A_822 : vector<1x2816xf32>
    %add3A_824 = arith.constant 1.000000e+00 : f32
    %add3A_825 = vector.broadcast %add3A_824 : f32 to vector<1x2816xf32>
    %add3A_826 = arith.addf %add3A_825, %exp3A_823 : vector<1x2816xf32>
    %div3A_827 = arith.constant 1.000000e+00 : f32
    %div3A_828 = vector.broadcast %div3A_827 : f32 to vector<1x2816xf32>
    %div3A_829 = arith.divf %div3A_828, %add3A_826 : vector<1x2816xf32>
    %sub3A_830 = arith.subf %min3A_808, %min3A_788 : vector<1x2816xf32>
    %ge3A_831 = arith.constant 1.600000e+01 : f32
    %ge3A_832 = vector.broadcast %ge3A_831 : f32 to vector<1x2816xf32>
    %ge3A_833 = arith.cmpf oge, %sub3A_830, %ge3A_832 : vector<1x2816xf32>
    %sub3A_834 = arith.subf %min3A_818, %min3A_798 : vector<1x2816xf32>
    %ge3A_835 = arith.constant 1.600000e+01 : f32
    %ge3A_836 = vector.broadcast %ge3A_835 : f32 to vector<1x2816xf32>
    %ge3A_837 = arith.cmpf oge, %sub3A_834, %ge3A_836 : vector<1x2816xf32>
    %and3A_838 = arith.andi %ge3A_833, %ge3A_837 : vector<1x2816xi1>
    %jit3A_839 = arith.constant 1.000000e+00 : f32
    %jit3A_840 = arith.constant 0.000000e+00 : f32
    %broadcast_in_dim3A_841 = vector.broadcast %jit3A_839 : f32 to vector<1x2816xf32>
    %broadcast_in_dim3A_842 = vector.broadcast %jit3A_840 : f32 to vector<1x2816xf32>
    %select_n3A_843 = arith.select %and3A_838, %broadcast_in_dim3A_841, %broadcast_in_dim3A_842 : vector<1x2816xi1>, vector<1x2816xf32>
    %swap3A_844 = arith.constant 5 : index
    %swap3A_845 = arith.constant 0 : index
    %swap3A_846 = vector.load %arg5[%swap3A_844, %swap3A_845] : memref<54x2816xf32, #tpu.memory_space<vmem>>, vector<1x2816xf32>
    tpu.vector_store %arg5[%swap3A_844, %swap3A_845], %div3A_829 {strides = array<i32>} : memref<54x2816xf32, #tpu.memory_space<vmem>>, vector<1x2816xf32>,
    %swap3A_847 = arith.constant 14 : index
    %swap3A_848 = arith.constant 0 : index
    %swap3A_849 = vector.load %arg5[%swap3A_847, %swap3A_848] : memref<54x2816xf32, #tpu.memory_space<vmem>>, vector<1x2816xf32>
    tpu.vector_store %arg5[%swap3A_847, %swap3A_848], %min3A_788 {strides = array<i32>} : memref<54x2816xf32, #tpu.memory_space<vmem>>, vector<1x2816xf32>,
    %swap3A_850 = arith.constant 23 : index
    %swap3A_851 = arith.constant 0 : index
    %swap3A_852 = vector.load %arg5[%swap3A_850, %swap3A_851] : memref<54x2816xf32, #tpu.memory_space<vmem>>, vector<1x2816xf32>
    tpu.vector_store %arg5[%swap3A_850, %swap3A_851], %min3A_798 {strides = array<i32>} : memref<54x2816xf32, #tpu.memory_space<vmem>>, vector<1x2816xf32>,
    %swap3A_853 = arith.constant 32 : index
    %swap3A_854 = arith.constant 0 : index
    %swap3A_855 = vector.load %arg5[%swap3A_853, %swap3A_854] : memref<54x2816xf32, #tpu.memory_space<vmem>>, vector<1x2816xf32>
    tpu.vector_store %arg5[%swap3A_853, %swap3A_854], %min3A_808 {strides = array<i32>} : memref<54x2816xf32, #tpu.memory_space<vmem>>, vector<1x2816xf32>,
    %swap3A_856 = arith.constant 41 : index
    %swap3A_857 = arith.constant 0 : index
    %swap3A_858 = vector.load %arg5[%swap3A_856, %swap3A_857] : memref<54x2816xf32, #tpu.memory_space<vmem>>, vector<1x2816xf32>
    tpu.vector_store %arg5[%swap3A_856, %swap3A_857], %min3A_818 {strides = array<i32>} : memref<54x2816xf32, #tpu.memory_space<vmem>>, vector<1x2816xf32>,
    %swap3A_859 = arith.constant 50 : index
    %swap3A_860 = arith.constant 0 : index
    %swap3A_861 = vector.load %arg5[%swap3A_859, %swap3A_860] : memref<54x2816xf32, #tpu.memory_space<vmem>>, vector<1x2816xf32>
    tpu.vector_store %arg5[%swap3A_859, %swap3A_860], %select_n3A_843 {strides = array<i32>} : memref<54x2816xf32, #tpu.memory_space<vmem>>, vector<1x2816xf32>,
    %add3A_862 = arith.constant -362.038666 : f32
    %add3A_863 = vector.broadcast %add3A_862 : f32 to vector<1x2816xf32>
    %add3A_864 = arith.addf %convert_element_type3A, %add3A_863 : vector<1x2816xf32>
    %add3A_865 = arith.constant -181.019333 : f32
    %add3A_866 = vector.broadcast %add3A_865 : f32 to vector<1x2816xf32>
    %add3A_867 = arith.addf %convert_element_type3A_129, %add3A_866 : vector<1x2816xf32>
    %add3A_868 = arith.constant 362.038666 : f32
    %add3A_869 = vector.broadcast %add3A_868 : f32 to vector<1x2816xf32>
    %add3A_870 = arith.addf %convert_element_type3A, %add3A_869 : vector<1x2816xf32>
    %add3A_871 = arith.constant 181.019333 : f32
    %add3A_872 = vector.broadcast %add3A_871 : f32 to vector<1x2816xf32>
    %add3A_873 = arith.addf %convert_element_type3A_129, %add3A_872 : vector<1x2816xf32>
    %sub3A_874 = arith.subf %add3A_870, %add3A_864 : vector<1x2816xf32>
    %sub3A_875 = arith.subf %add3A_873, %add3A_867 : vector<1x2816xf32>
    %mul3A_876 = arith.constant 5.000000e-01 : f32
    %mul3A_877 = vector.broadcast %mul3A_876 : f32 to vector<1x2816xf32>
    %mul3A_878 = arith.mulf %mul3A_877, %sub3A_874 : vector<1x2816xf32>
    %add3A_879 = arith.addf %add3A_864, %mul3A_878 : vector<1x2816xf32>
    %mul3A_880 = arith.constant 5.000000e-01 : f32
    %mul3A_881 = vector.broadcast %mul3A_880 : f32 to vector<1x2816xf32>
    %mul3A_882 = arith.mulf %mul3A_881, %sub3A_875 : vector<1x2816xf32>
    %add3A_883 = arith.addf %add3A_867, %mul3A_882 : vector<1x2816xf32>
    %slice3A_884 = vector.extract_strided_slice %add3A_74 {offsets = [24, 0], sizes = [1, 2816], strides = [1, 1]} : vector<48x2816xf32> to vector<1x2816xf32>
    %slice3A_885 = vector.extract_strided_slice %add3A_74 {offsets = [25, 0], sizes = [1, 2816], strides = [1, 1]} : vector<48x2816xf32> to vector<1x2816xf32>
    %slice3A_886 = vector.extract_strided_slice %add3A_74 {offsets = [26, 0], sizes = [1, 2816], strides = [1, 1]} : vector<48x2816xf32> to vector<1x2816xf32>
    %min3A_887 = arith.constant 4.13516665 : f32
    %min3A_888 = vector.broadcast %min3A_887 : f32 to vector<1x2816xf32>
    %min3A_889 = arith.minimumf %slice3A_886, %min3A_888 : vector<1x2816xf32>
    %slice3A_890 = vector.extract_strided_slice %add3A_74 {offsets = [27, 0], sizes = [1, 2816], strides = [1, 1]} : vector<48x2816xf32> to vector<1x2816xf32>
    %min3A_891 = arith.constant 4.13516665 : f32
    %min3A_892 = vector.broadcast %min3A_891 : f32 to vector<1x2816xf32>
    %min3A_893 = arith.minimumf %slice3A_890, %min3A_892 : vector<1x2816xf32>
    %mul3A_894 = arith.mulf %slice3A_884, %sub3A_874 : vector<1x2816xf32>
    %add3A_895 = arith.addf %add3A_879, %mul3A_894 : vector<1x2816xf32>
    %mul3A_896 = arith.mulf %slice3A_885, %sub3A_875 : vector<1x2816xf32>
    %add3A_897 = arith.addf %add3A_883, %mul3A_896 : vector<1x2816xf32>
    %exp3A_898 = math.exp %min3A_889 : vector<1x2816xf32>
    %mul3A_899 = arith.mulf %sub3A_874, %exp3A_898 : vector<1x2816xf32>
    %exp3A_900 = math.exp %min3A_893 : vector<1x2816xf32>
    %mul3A_901 = arith.mulf %sub3A_875, %exp3A_900 : vector<1x2816xf32>
    %mul3A_902 = arith.constant 5.000000e-01 : f32
    %mul3A_903 = vector.broadcast %mul3A_902 : f32 to vector<1x2816xf32>
    %mul3A_904 = arith.mulf %mul3A_903, %mul3A_899 : vector<1x2816xf32>
    %sub3A_905 = arith.subf %add3A_895, %mul3A_904 : vector<1x2816xf32>
    %max3A_906 = arith.constant 0.000000e+00 : f32
    %max3A_907 = vector.broadcast %max3A_906 : f32 to vector<1x2816xf32>
    %max3A_908 = arith.maximumf %sub3A_905, %max3A_907 : vector<1x2816xf32>
    %min3A_909 = arith.constant 8.000000e+02 : f32
    %min3A_910 = vector.broadcast %min3A_909 : f32 to vector<1x2816xf32>
    %min3A_911 = arith.minimumf %max3A_908, %min3A_910 : vector<1x2816xf32>
    %mul3A_912 = arith.constant 5.000000e-01 : f32
    %mul3A_913 = vector.broadcast %mul3A_912 : f32 to vector<1x2816xf32>
    %mul3A_914 = arith.mulf %mul3A_913, %mul3A_901 : vector<1x2816xf32>
    %sub3A_915 = arith.subf %add3A_897, %mul3A_914 : vector<1x2816xf32>
    %max3A_916 = arith.constant 0.000000e+00 : f32
    %max3A_917 = vector.broadcast %max3A_916 : f32 to vector<1x2816xf32>
    %max3A_918 = arith.maximumf %sub3A_915, %max3A_917 : vector<1x2816xf32>
    %min3A_919 = arith.constant 8.000000e+02 : f32
    %min3A_920 = vector.broadcast %min3A_919 : f32 to vector<1x2816xf32>
    %min3A_921 = arith.minimumf %max3A_918, %min3A_920 : vector<1x2816xf32>
    %mul3A_922 = arith.constant 5.000000e-01 : f32
    %mul3A_923 = vector.broadcast %mul3A_922 : f32 to vector<1x2816xf32>
    %mul3A_924 = arith.mulf %mul3A_923, %mul3A_899 : vector<1x2816xf32>
    %add3A_925 = arith.addf %add3A_895, %mul3A_924 : vector<1x2816xf32>
    %max3A_926 = arith.constant 0.000000e+00 : f32
    %max3A_927 = vector.broadcast %max3A_926 : f32 to vector<1x2816xf32>
    %max3A_928 = arith.maximumf %add3A_925, %max3A_927 : vector<1x2816xf32>
    %min3A_929 = arith.constant 8.000000e+02 : f32
    %min3A_930 = vector.broadcast %min3A_929 : f32 to vector<1x2816xf32>
    %min3A_931 = arith.minimumf %max3A_928, %min3A_930 : vector<1x2816xf32>
    %mul3A_932 = arith.constant 5.000000e-01 : f32
    %mul3A_933 = vector.broadcast %mul3A_932 : f32 to vector<1x2816xf32>
    %mul3A_934 = arith.mulf %mul3A_933, %mul3A_901 : vector<1x2816xf32>
    %add3A_935 = arith.addf %add3A_897, %mul3A_934 : vector<1x2816xf32>
    %max3A_936 = arith.constant 0.000000e+00 : f32
    %max3A_937 = vector.broadcast %max3A_936 : f32 to vector<1x2816xf32>
    %max3A_938 = arith.maximumf %add3A_935, %max3A_937 : vector<1x2816xf32>
    %min3A_939 = arith.constant 8.000000e+02 : f32
    %min3A_940 = vector.broadcast %min3A_939 : f32 to vector<1x2816xf32>
    %min3A_941 = arith.minimumf %max3A_938, %min3A_940 : vector<1x2816xf32>
    %slice3A_942 = vector.extract_strided_slice %add3A_74 {offsets = [42, 0], sizes = [1, 2816], strides = [1, 1]} : vector<48x2816xf32> to vector<1x2816xf32>
    %neg3A_943 = arith.constant 0.000000e+00 : f32
    %neg3A_944 = vector.broadcast %neg3A_943 : f32 to vector<1x2816xf32>
    %neg3A_945 = arith.subf %neg3A_944, %slice3A_942 : vector<1x2816xf32>
    %exp3A_946 = math.exp %neg3A_945 : vector<1x2816xf32>
    %add3A_947 = arith.constant 1.000000e+00 : f32
    %add3A_948 = vector.broadcast %add3A_947 : f32 to vector<1x2816xf32>
    %add3A_949 = arith.addf %add3A_948, %exp3A_946 : vector<1x2816xf32>
    %div3A_950 = arith.constant 1.000000e+00 : f32
    %div3A_951 = vector.broadcast %div3A_950 : f32 to vector<1x2816xf32>
    %div3A_952 = arith.divf %div3A_951, %add3A_949 : vector<1x2816xf32>
    %sub3A_953 = arith.subf %min3A_931, %min3A_911 : vector<1x2816xf32>
    %ge3A_954 = arith.constant 1.600000e+01 : f32
    %ge3A_955 = vector.broadcast %ge3A_954 : f32 to vector<1x2816xf32>
    %ge3A_956 = arith.cmpf oge, %sub3A_953, %ge3A_955 : vector<1x2816xf32>
    %sub3A_957 = arith.subf %min3A_941, %min3A_921 : vector<1x2816xf32>
    %ge3A_958 = arith.constant 1.600000e+01 : f32
    %ge3A_959 = vector.broadcast %ge3A_958 : f32 to vector<1x2816xf32>
    %ge3A_960 = arith.cmpf oge, %sub3A_957, %ge3A_959 : vector<1x2816xf32>
    %and3A_961 = arith.andi %ge3A_956, %ge3A_960 : vector<1x2816xi1>
    %jit3A_962 = arith.constant 1.000000e+00 : f32
    %jit3A_963 = arith.constant 0.000000e+00 : f32
    %broadcast_in_dim3A_964 = vector.broadcast %jit3A_962 : f32 to vector<1x2816xf32>
    %broadcast_in_dim3A_965 = vector.broadcast %jit3A_963 : f32 to vector<1x2816xf32>
    %select_n3A_966 = arith.select %and3A_961, %broadcast_in_dim3A_964, %broadcast_in_dim3A_965 : vector<1x2816xi1>, vector<1x2816xf32>
    %swap3A_967 = arith.constant 6 : index
    %swap3A_968 = arith.constant 0 : index
    %swap3A_969 = vector.load %arg5[%swap3A_967, %swap3A_968] : memref<54x2816xf32, #tpu.memory_space<vmem>>, vector<1x2816xf32>
    tpu.vector_store %arg5[%swap3A_967, %swap3A_968], %div3A_952 {strides = array<i32>} : memref<54x2816xf32, #tpu.memory_space<vmem>>, vector<1x2816xf32>,
    %swap3A_970 = arith.constant 15 : index
    %swap3A_971 = arith.constant 0 : index
    %swap3A_972 = vector.load %arg5[%swap3A_970, %swap3A_971] : memref<54x2816xf32, #tpu.memory_space<vmem>>, vector<1x2816xf32>
    tpu.vector_store %arg5[%swap3A_970, %swap3A_971], %min3A_911 {strides = array<i32>} : memref<54x2816xf32, #tpu.memory_space<vmem>>, vector<1x2816xf32>,
    %swap3A_973 = arith.constant 24 : index
    %swap3A_974 = arith.constant 0 : index
    %swap3A_975 = vector.load %arg5[%swap3A_973, %swap3A_974] : memref<54x2816xf32, #tpu.memory_space<vmem>>, vector<1x2816xf32>
    tpu.vector_store %arg5[%swap3A_973, %swap3A_974], %min3A_921 {strides = array<i32>} : memref<54x2816xf32, #tpu.memory_space<vmem>>, vector<1x2816xf32>,
    %swap3A_976 = arith.constant 33 : index
    %swap3A_977 = arith.constant 0 : index
    %swap3A_978 = vector.load %arg5[%swap3A_976, %swap3A_977] : memref<54x2816xf32, #tpu.memory_space<vmem>>, vector<1x2816xf32>
    tpu.vector_store %arg5[%swap3A_976, %swap3A_977], %min3A_931 {strides = array<i32>} : memref<54x2816xf32, #tpu.memory_space<vmem>>, vector<1x2816xf32>,
    %swap3A_979 = arith.constant 42 : index
    %swap3A_980 = arith.constant 0 : index
    %swap3A_981 = vector.load %arg5[%swap3A_979, %swap3A_980] : memref<54x2816xf32, #tpu.memory_space<vmem>>, vector<1x2816xf32>
    tpu.vector_store %arg5[%swap3A_979, %swap3A_980], %min3A_941 {strides = array<i32>} : memref<54x2816xf32, #tpu.memory_space<vmem>>, vector<1x2816xf32>,
    %swap3A_982 = arith.constant 51 : index
    %swap3A_983 = arith.constant 0 : index
    %swap3A_984 = vector.load %arg5[%swap3A_982, %swap3A_983] : memref<54x2816xf32, #tpu.memory_space<vmem>>, vector<1x2816xf32>
    tpu.vector_store %arg5[%swap3A_982, %swap3A_983], %select_n3A_966 {strides = array<i32>} : memref<54x2816xf32, #tpu.memory_space<vmem>>, vector<1x2816xf32>,
    %add3A_985 = arith.constant -2.560000e+02 : f32
    %add3A_986 = vector.broadcast %add3A_985 : f32 to vector<1x2816xf32>
    %add3A_987 = arith.addf %convert_element_type3A, %add3A_986 : vector<1x2816xf32>
    %add3A_988 = arith.constant -2.560000e+02 : f32
    %add3A_989 = vector.broadcast %add3A_988 : f32 to vector<1x2816xf32>
    %add3A_990 = arith.addf %convert_element_type3A_129, %add3A_989 : vector<1x2816xf32>
    %add3A_991 = arith.constant 2.560000e+02 : f32
    %add3A_992 = vector.broadcast %add3A_991 : f32 to vector<1x2816xf32>
    %add3A_993 = arith.addf %convert_element_type3A, %add3A_992 : vector<1x2816xf32>
    %add3A_994 = arith.constant 2.560000e+02 : f32
    %add3A_995 = vector.broadcast %add3A_994 : f32 to vector<1x2816xf32>
    %add3A_996 = arith.addf %convert_element_type3A_129, %add3A_995 : vector<1x2816xf32>
    %sub3A_997 = arith.subf %add3A_993, %add3A_987 : vector<1x2816xf32>
    %sub3A_998 = arith.subf %add3A_996, %add3A_990 : vector<1x2816xf32>
    %mul3A_999 = arith.constant 5.000000e-01 : f32
    %mul3A_1000 = vector.broadcast %mul3A_999 : f32 to vector<1x2816xf32>
    %mul3A_1001 = arith.mulf %mul3A_1000, %sub3A_997 : vector<1x2816xf32>
    %add3A_1002 = arith.addf %add3A_987, %mul3A_1001 : vector<1x2816xf32>
    %mul3A_1003 = arith.constant 5.000000e-01 : f32
    %mul3A_1004 = vector.broadcast %mul3A_1003 : f32 to vector<1x2816xf32>
    %mul3A_1005 = arith.mulf %mul3A_1004, %sub3A_998 : vector<1x2816xf32>
    %add3A_1006 = arith.addf %add3A_990, %mul3A_1005 : vector<1x2816xf32>
    %slice3A_1007 = vector.extract_strided_slice %add3A_74 {offsets = [28, 0], sizes = [1, 2816], strides = [1, 1]} : vector<48x2816xf32> to vector<1x2816xf32>
    %slice3A_1008 = vector.extract_strided_slice %add3A_74 {offsets = [29, 0], sizes = [1, 2816], strides = [1, 1]} : vector<48x2816xf32> to vector<1x2816xf32>
    %slice3A_1009 = vector.extract_strided_slice %add3A_74 {offsets = [30, 0], sizes = [1, 2816], strides = [1, 1]} : vector<48x2816xf32> to vector<1x2816xf32>
    %min3A_1010 = arith.constant 4.13516665 : f32
    %min3A_1011 = vector.broadcast %min3A_1010 : f32 to vector<1x2816xf32>
    %min3A_1012 = arith.minimumf %slice3A_1009, %min3A_1011 : vector<1x2816xf32>
    %slice3A_1013 = vector.extract_strided_slice %add3A_74 {offsets = [31, 0], sizes = [1, 2816], strides = [1, 1]} : vector<48x2816xf32> to vector<1x2816xf32>
    %min3A_1014 = arith.constant 4.13516665 : f32
    %min3A_1015 = vector.broadcast %min3A_1014 : f32 to vector<1x2816xf32>
    %min3A_1016 = arith.minimumf %slice3A_1013, %min3A_1015 : vector<1x2816xf32>
    %mul3A_1017 = arith.mulf %slice3A_1007, %sub3A_997 : vector<1x2816xf32>
    %add3A_1018 = arith.addf %add3A_1002, %mul3A_1017 : vector<1x2816xf32>
    %mul3A_1019 = arith.mulf %slice3A_1008, %sub3A_998 : vector<1x2816xf32>
    %add3A_1020 = arith.addf %add3A_1006, %mul3A_1019 : vector<1x2816xf32>
    %exp3A_1021 = math.exp %min3A_1012 : vector<1x2816xf32>
    %mul3A_1022 = arith.mulf %sub3A_997, %exp3A_1021 : vector<1x2816xf32>
    %exp3A_1023 = math.exp %min3A_1016 : vector<1x2816xf32>
    %mul3A_1024 = arith.mulf %sub3A_998, %exp3A_1023 : vector<1x2816xf32>
    %mul3A_1025 = arith.constant 5.000000e-01 : f32
    %mul3A_1026 = vector.broadcast %mul3A_1025 : f32 to vector<1x2816xf32>
    %mul3A_1027 = arith.mulf %mul3A_1026, %mul3A_1022 : vector<1x2816xf32>
    %sub3A_1028 = arith.subf %add3A_1018, %mul3A_1027 : vector<1x2816xf32>
    %max3A_1029 = arith.constant 0.000000e+00 : f32
    %max3A_1030 = vector.broadcast %max3A_1029 : f32 to vector<1x2816xf32>
    %max3A_1031 = arith.maximumf %sub3A_1028, %max3A_1030 : vector<1x2816xf32>
    %min3A_1032 = arith.constant 8.000000e+02 : f32
    %min3A_1033 = vector.broadcast %min3A_1032 : f32 to vector<1x2816xf32>
    %min3A_1034 = arith.minimumf %max3A_1031, %min3A_1033 : vector<1x2816xf32>
    %mul3A_1035 = arith.constant 5.000000e-01 : f32
    %mul3A_1036 = vector.broadcast %mul3A_1035 : f32 to vector<1x2816xf32>
    %mul3A_1037 = arith.mulf %mul3A_1036, %mul3A_1024 : vector<1x2816xf32>
    %sub3A_1038 = arith.subf %add3A_1020, %mul3A_1037 : vector<1x2816xf32>
    %max3A_1039 = arith.constant 0.000000e+00 : f32
    %max3A_1040 = vector.broadcast %max3A_1039 : f32 to vector<1x2816xf32>
    %max3A_1041 = arith.maximumf %sub3A_1038, %max3A_1040 : vector<1x2816xf32>
    %min3A_1042 = arith.constant 8.000000e+02 : f32
    %min3A_1043 = vector.broadcast %min3A_1042 : f32 to vector<1x2816xf32>
    %min3A_1044 = arith.minimumf %max3A_1041, %min3A_1043 : vector<1x2816xf32>
    %mul3A_1045 = arith.constant 5.000000e-01 : f32
    %mul3A_1046 = vector.broadcast %mul3A_1045 : f32 to vector<1x2816xf32>
    %mul3A_1047 = arith.mulf %mul3A_1046, %mul3A_1022 : vector<1x2816xf32>
    %add3A_1048 = arith.addf %add3A_1018, %mul3A_1047 : vector<1x2816xf32>
    %max3A_1049 = arith.constant 0.000000e+00 : f32
    %max3A_1050 = vector.broadcast %max3A_1049 : f32 to vector<1x2816xf32>
    %max3A_1051 = arith.maximumf %add3A_1048, %max3A_1050 : vector<1x2816xf32>
    %min3A_1052 = arith.constant 8.000000e+02 : f32
    %min3A_1053 = vector.broadcast %min3A_1052 : f32 to vector<1x2816xf32>
    %min3A_1054 = arith.minimumf %max3A_1051, %min3A_1053 : vector<1x2816xf32>
    %mul3A_1055 = arith.constant 5.000000e-01 : f32
    %mul3A_1056 = vector.broadcast %mul3A_1055 : f32 to vector<1x2816xf32>
    %mul3A_1057 = arith.mulf %mul3A_1056, %mul3A_1024 : vector<1x2816xf32>
    %add3A_1058 = arith.addf %add3A_1020, %mul3A_1057 : vector<1x2816xf32>
    %max3A_1059 = arith.constant 0.000000e+00 : f32
    %max3A_1060 = vector.broadcast %max3A_1059 : f32 to vector<1x2816xf32>
    %max3A_1061 = arith.maximumf %add3A_1058, %max3A_1060 : vector<1x2816xf32>
    %min3A_1062 = arith.constant 8.000000e+02 : f32
    %min3A_1063 = vector.broadcast %min3A_1062 : f32 to vector<1x2816xf32>
    %min3A_1064 = arith.minimumf %max3A_1061, %min3A_1063 : vector<1x2816xf32>
    %slice3A_1065 = vector.extract_strided_slice %add3A_74 {offsets = [43, 0], sizes = [1, 2816], strides = [1, 1]} : vector<48x2816xf32> to vector<1x2816xf32>
    %neg3A_1066 = arith.constant 0.000000e+00 : f32
    %neg3A_1067 = vector.broadcast %neg3A_1066 : f32 to vector<1x2816xf32>
    %neg3A_1068 = arith.subf %neg3A_1067, %slice3A_1065 : vector<1x2816xf32>
    %exp3A_1069 = math.exp %neg3A_1068 : vector<1x2816xf32>
    %add3A_1070 = arith.constant 1.000000e+00 : f32
    %add3A_1071 = vector.broadcast %add3A_1070 : f32 to vector<1x2816xf32>
    %add3A_1072 = arith.addf %add3A_1071, %exp3A_1069 : vector<1x2816xf32>
    %div3A_1073 = arith.constant 1.000000e+00 : f32
    %div3A_1074 = vector.broadcast %div3A_1073 : f32 to vector<1x2816xf32>
    %div3A_1075 = arith.divf %div3A_1074, %add3A_1072 : vector<1x2816xf32>
    %sub3A_1076 = arith.subf %min3A_1054, %min3A_1034 : vector<1x2816xf32>
    %ge3A_1077 = arith.constant 1.600000e+01 : f32
    %ge3A_1078 = vector.broadcast %ge3A_1077 : f32 to vector<1x2816xf32>
    %ge3A_1079 = arith.cmpf oge, %sub3A_1076, %ge3A_1078 : vector<1x2816xf32>
    %sub3A_1080 = arith.subf %min3A_1064, %min3A_1044 : vector<1x2816xf32>
    %ge3A_1081 = arith.constant 1.600000e+01 : f32
    %ge3A_1082 = vector.broadcast %ge3A_1081 : f32 to vector<1x2816xf32>
    %ge3A_1083 = arith.cmpf oge, %sub3A_1080, %ge3A_1082 : vector<1x2816xf32>
    %and3A_1084 = arith.andi %ge3A_1079, %ge3A_1083 : vector<1x2816xi1>
    %jit3A_1085 = arith.constant 1.000000e+00 : f32
    %jit3A_1086 = arith.constant 0.000000e+00 : f32
    %broadcast_in_dim3A_1087 = vector.broadcast %jit3A_1085 : f32 to vector<1x2816xf32>
    %broadcast_in_dim3A_1088 = vector.broadcast %jit3A_1086 : f32 to vector<1x2816xf32>
    %select_n3A_1089 = arith.select %and3A_1084, %broadcast_in_dim3A_1087, %broadcast_in_dim3A_1088 : vector<1x2816xi1>, vector<1x2816xf32>
    %swap3A_1090 = arith.constant 7 : index
    %swap3A_1091 = arith.constant 0 : index
    %swap3A_1092 = vector.load %arg5[%swap3A_1090, %swap3A_1091] : memref<54x2816xf32, #tpu.memory_space<vmem>>, vector<1x2816xf32>
    tpu.vector_store %arg5[%swap3A_1090, %swap3A_1091], %div3A_1075 {strides = array<i32>} : memref<54x2816xf32, #tpu.memory_space<vmem>>, vector<1x2816xf32>,
    %swap3A_1093 = arith.constant 16 : index
    %swap3A_1094 = arith.constant 0 : index
    %swap3A_1095 = vector.load %arg5[%swap3A_1093, %swap3A_1094] : memref<54x2816xf32, #tpu.memory_space<vmem>>, vector<1x2816xf32>
    tpu.vector_store %arg5[%swap3A_1093, %swap3A_1094], %min3A_1034 {strides = array<i32>} : memref<54x2816xf32, #tpu.memory_space<vmem>>, vector<1x2816xf32>,
    %swap3A_1096 = arith.constant 25 : index
    %swap3A_1097 = arith.constant 0 : index
    %swap3A_1098 = vector.load %arg5[%swap3A_1096, %swap3A_1097] : memref<54x2816xf32, #tpu.memory_space<vmem>>, vector<1x2816xf32>
    tpu.vector_store %arg5[%swap3A_1096, %swap3A_1097], %min3A_1044 {strides = array<i32>} : memref<54x2816xf32, #tpu.memory_space<vmem>>, vector<1x2816xf32>,
    %swap3A_1099 = arith.constant 34 : index
    %swap3A_1100 = arith.constant 0 : index
    %swap3A_1101 = vector.load %arg5[%swap3A_1099, %swap3A_1100] : memref<54x2816xf32, #tpu.memory_space<vmem>>, vector<1x2816xf32>
    tpu.vector_store %arg5[%swap3A_1099, %swap3A_1100], %min3A_1054 {strides = array<i32>} : memref<54x2816xf32, #tpu.memory_space<vmem>>, vector<1x2816xf32>,
    %swap3A_1102 = arith.constant 43 : index
    %swap3A_1103 = arith.constant 0 : index
    %swap3A_1104 = vector.load %arg5[%swap3A_1102, %swap3A_1103] : memref<54x2816xf32, #tpu.memory_space<vmem>>, vector<1x2816xf32>
    tpu.vector_store %arg5[%swap3A_1102, %swap3A_1103], %min3A_1064 {strides = array<i32>} : memref<54x2816xf32, #tpu.memory_space<vmem>>, vector<1x2816xf32>,
    %swap3A_1105 = arith.constant 52 : index
    %swap3A_1106 = arith.constant 0 : index
    %swap3A_1107 = vector.load %arg5[%swap3A_1105, %swap3A_1106] : memref<54x2816xf32, #tpu.memory_space<vmem>>, vector<1x2816xf32>
    tpu.vector_store %arg5[%swap3A_1105, %swap3A_1106], %select_n3A_1089 {strides = array<i32>} : memref<54x2816xf32, #tpu.memory_space<vmem>>, vector<1x2816xf32>,
    %add3A_1108 = arith.constant -181.019333 : f32
    %add3A_1109 = vector.broadcast %add3A_1108 : f32 to vector<1x2816xf32>
    %add3A_1110 = arith.addf %convert_element_type3A, %add3A_1109 : vector<1x2816xf32>
    %add3A_1111 = arith.constant -362.038666 : f32
    %add3A_1112 = vector.broadcast %add3A_1111 : f32 to vector<1x2816xf32>
    %add3A_1113 = arith.addf %convert_element_type3A_129, %add3A_1112 : vector<1x2816xf32>
    %add3A_1114 = arith.constant 181.019333 : f32
    %add3A_1115 = vector.broadcast %add3A_1114 : f32 to vector<1x2816xf32>
    %add3A_1116 = arith.addf %convert_element_type3A, %add3A_1115 : vector<1x2816xf32>
    %add3A_1117 = arith.constant 362.038666 : f32
    %add3A_1118 = vector.broadcast %add3A_1117 : f32 to vector<1x2816xf32>
    %add3A_1119 = arith.addf %convert_element_type3A_129, %add3A_1118 : vector<1x2816xf32>
    %sub3A_1120 = arith.subf %add3A_1116, %add3A_1110 : vector<1x2816xf32>
    %sub3A_1121 = arith.subf %add3A_1119, %add3A_1113 : vector<1x2816xf32>
    %mul3A_1122 = arith.constant 5.000000e-01 : f32
    %mul3A_1123 = vector.broadcast %mul3A_1122 : f32 to vector<1x2816xf32>
    %mul3A_1124 = arith.mulf %mul3A_1123, %sub3A_1120 : vector<1x2816xf32>
    %add3A_1125 = arith.addf %add3A_1110, %mul3A_1124 : vector<1x2816xf32>
    %mul3A_1126 = arith.constant 5.000000e-01 : f32
    %mul3A_1127 = vector.broadcast %mul3A_1126 : f32 to vector<1x2816xf32>
    %mul3A_1128 = arith.mulf %mul3A_1127, %sub3A_1121 : vector<1x2816xf32>
    %add3A_1129 = arith.addf %add3A_1113, %mul3A_1128 : vector<1x2816xf32>
    %slice3A_1130 = vector.extract_strided_slice %add3A_74 {offsets = [32, 0], sizes = [1, 2816], strides = [1, 1]} : vector<48x2816xf32> to vector<1x2816xf32>
    %slice3A_1131 = vector.extract_strided_slice %add3A_74 {offsets = [33, 0], sizes = [1, 2816], strides = [1, 1]} : vector<48x2816xf32> to vector<1x2816xf32>
    %slice3A_1132 = vector.extract_strided_slice %add3A_74 {offsets = [34, 0], sizes = [1, 2816], strides = [1, 1]} : vector<48x2816xf32> to vector<1x2816xf32>
    %min3A_1133 = arith.constant 4.13516665 : f32
    %min3A_1134 = vector.broadcast %min3A_1133 : f32 to vector<1x2816xf32>
    %min3A_1135 = arith.minimumf %slice3A_1132, %min3A_1134 : vector<1x2816xf32>
    %slice3A_1136 = vector.extract_strided_slice %add3A_74 {offsets = [35, 0], sizes = [1, 2816], strides = [1, 1]} : vector<48x2816xf32> to vector<1x2816xf32>
    %min3A_1137 = arith.constant 4.13516665 : f32
    %min3A_1138 = vector.broadcast %min3A_1137 : f32 to vector<1x2816xf32>
    %min3A_1139 = arith.minimumf %slice3A_1136, %min3A_1138 : vector<1x2816xf32>
    %mul3A_1140 = arith.mulf %slice3A_1130, %sub3A_1120 : vector<1x2816xf32>
    %add3A_1141 = arith.addf %add3A_1125, %mul3A_1140 : vector<1x2816xf32>
    %mul3A_1142 = arith.mulf %slice3A_1131, %sub3A_1121 : vector<1x2816xf32>
    %add3A_1143 = arith.addf %add3A_1129, %mul3A_1142 : vector<1x2816xf32>
    %exp3A_1144 = math.exp %min3A_1135 : vector<1x2816xf32>
    %mul3A_1145 = arith.mulf %sub3A_1120, %exp3A_1144 : vector<1x2816xf32>
    %exp3A_1146 = math.exp %min3A_1139 : vector<1x2816xf32>
    %mul3A_1147 = arith.mulf %sub3A_1121, %exp3A_1146 : vector<1x2816xf32>
    %mul3A_1148 = arith.constant 5.000000e-01 : f32
    %mul3A_1149 = vector.broadcast %mul3A_1148 : f32 to vector<1x2816xf32>
    %mul3A_1150 = arith.mulf %mul3A_1149, %mul3A_1145 : vector<1x2816xf32>
    %sub3A_1151 = arith.subf %add3A_1141, %mul3A_1150 : vector<1x2816xf32>
    %max3A_1152 = arith.constant 0.000000e+00 : f32
    %max3A_1153 = vector.broadcast %max3A_1152 : f32 to vector<1x2816xf32>
    %max3A_1154 = arith.maximumf %sub3A_1151, %max3A_1153 : vector<1x2816xf32>
    %min3A_1155 = arith.constant 8.000000e+02 : f32
    %min3A_1156 = vector.broadcast %min3A_1155 : f32 to vector<1x2816xf32>
    %min3A_1157 = arith.minimumf %max3A_1154, %min3A_1156 : vector<1x2816xf32>
    %mul3A_1158 = arith.constant 5.000000e-01 : f32
    %mul3A_1159 = vector.broadcast %mul3A_1158 : f32 to vector<1x2816xf32>
    %mul3A_1160 = arith.mulf %mul3A_1159, %mul3A_1147 : vector<1x2816xf32>
    %sub3A_1161 = arith.subf %add3A_1143, %mul3A_1160 : vector<1x2816xf32>
    %max3A_1162 = arith.constant 0.000000e+00 : f32
    %max3A_1163 = vector.broadcast %max3A_1162 : f32 to vector<1x2816xf32>
    %max3A_1164 = arith.maximumf %sub3A_1161, %max3A_1163 : vector<1x2816xf32>
    %min3A_1165 = arith.constant 8.000000e+02 : f32
    %min3A_1166 = vector.broadcast %min3A_1165 : f32 to vector<1x2816xf32>
    %min3A_1167 = arith.minimumf %max3A_1164, %min3A_1166 : vector<1x2816xf32>
    %mul3A_1168 = arith.constant 5.000000e-01 : f32
    %mul3A_1169 = vector.broadcast %mul3A_1168 : f32 to vector<1x2816xf32>
    %mul3A_1170 = arith.mulf %mul3A_1169, %mul3A_1145 : vector<1x2816xf32>
    %add3A_1171 = arith.addf %add3A_1141, %mul3A_1170 : vector<1x2816xf32>
    %max3A_1172 = arith.constant 0.000000e+00 : f32
    %max3A_1173 = vector.broadcast %max3A_1172 : f32 to vector<1x2816xf32>
    %max3A_1174 = arith.maximumf %add3A_1171, %max3A_1173 : vector<1x2816xf32>
    %min3A_1175 = arith.constant 8.000000e+02 : f32
    %min3A_1176 = vector.broadcast %min3A_1175 : f32 to vector<1x2816xf32>
    %min3A_1177 = arith.minimumf %max3A_1174, %min3A_1176 : vector<1x2816xf32>
    %mul3A_1178 = arith.constant 5.000000e-01 : f32
    %mul3A_1179 = vector.broadcast %mul3A_1178 : f32 to vector<1x2816xf32>
    %mul3A_1180 = arith.mulf %mul3A_1179, %mul3A_1147 : vector<1x2816xf32>
    %add3A_1181 = arith.addf %add3A_1143, %mul3A_1180 : vector<1x2816xf32>
    %max3A_1182 = arith.constant 0.000000e+00 : f32
    %max3A_1183 = vector.broadcast %max3A_1182 : f32 to vector<1x2816xf32>
    %max3A_1184 = arith.maximumf %add3A_1181, %max3A_1183 : vector<1x2816xf32>
    %min3A_1185 = arith.constant 8.000000e+02 : f32
    %min3A_1186 = vector.broadcast %min3A_1185 : f32 to vector<1x2816xf32>
    %min3A_1187 = arith.minimumf %max3A_1184, %min3A_1186 : vector<1x2816xf32>
    %slice3A_1188 = vector.extract_strided_slice %add3A_74 {offsets = [44, 0], sizes = [1, 2816], strides = [1, 1]} : vector<48x2816xf32> to vector<1x2816xf32>
    %neg3A_1189 = arith.constant 0.000000e+00 : f32
    %neg3A_1190 = vector.broadcast %neg3A_1189 : f32 to vector<1x2816xf32>
    %neg3A_1191 = arith.subf %neg3A_1190, %slice3A_1188 : vector<1x2816xf32>
    %exp3A_1192 = math.exp %neg3A_1191 : vector<1x2816xf32>
    %add3A_1193 = arith.constant 1.000000e+00 : f32
    %add3A_1194 = vector.broadcast %add3A_1193 : f32 to vector<1x2816xf32>
    %add3A_1195 = arith.addf %add3A_1194, %exp3A_1192 : vector<1x2816xf32>
    %div3A_1196 = arith.constant 1.000000e+00 : f32
    %div3A_1197 = vector.broadcast %div3A_1196 : f32 to vector<1x2816xf32>
    %div3A_1198 = arith.divf %div3A_1197, %add3A_1195 : vector<1x2816xf32>
    %sub3A_1199 = arith.subf %min3A_1177, %min3A_1157 : vector<1x2816xf32>
    %ge3A_1200 = arith.constant 1.600000e+01 : f32
    %ge3A_1201 = vector.broadcast %ge3A_1200 : f32 to vector<1x2816xf32>
    %ge3A_1202 = arith.cmpf oge, %sub3A_1199, %ge3A_1201 : vector<1x2816xf32>
    %sub3A_1203 = arith.subf %min3A_1187, %min3A_1167 : vector<1x2816xf32>
    %ge3A_1204 = arith.constant 1.600000e+01 : f32
    %ge3A_1205 = vector.broadcast %ge3A_1204 : f32 to vector<1x2816xf32>
    %ge3A_1206 = arith.cmpf oge, %sub3A_1203, %ge3A_1205 : vector<1x2816xf32>
    %and3A_1207 = arith.andi %ge3A_1202, %ge3A_1206 : vector<1x2816xi1>
    %jit3A_1208 = arith.constant 1.000000e+00 : f32
    %jit3A_1209 = arith.constant 0.000000e+00 : f32
    %broadcast_in_dim3A_1210 = vector.broadcast %jit3A_1208 : f32 to vector<1x2816xf32>
    %broadcast_in_dim3A_1211 = vector.broadcast %jit3A_1209 : f32 to vector<1x2816xf32>
    %select_n3A_1212 = arith.select %and3A_1207, %broadcast_in_dim3A_1210, %broadcast_in_dim3A_1211 : vector<1x2816xi1>, vector<1x2816xf32>
    %swap3A_1213 = arith.constant 8 : index
    %swap3A_1214 = arith.constant 0 : index
    %swap3A_1215 = vector.load %arg5[%swap3A_1213, %swap3A_1214] : memref<54x2816xf32, #tpu.memory_space<vmem>>, vector<1x2816xf32>
    tpu.vector_store %arg5[%swap3A_1213, %swap3A_1214], %div3A_1198 {strides = array<i32>} : memref<54x2816xf32, #tpu.memory_space<vmem>>, vector<1x2816xf32>,
    %swap3A_1216 = arith.constant 17 : index
    %swap3A_1217 = arith.constant 0 : index
    %swap3A_1218 = vector.load %arg5[%swap3A_1216, %swap3A_1217] : memref<54x2816xf32, #tpu.memory_space<vmem>>, vector<1x2816xf32>
    tpu.vector_store %arg5[%swap3A_1216, %swap3A_1217], %min3A_1157 {strides = array<i32>} : memref<54x2816xf32, #tpu.memory_space<vmem>>, vector<1x2816xf32>,
    %swap3A_1219 = arith.constant 26 : index
    %swap3A_1220 = arith.constant 0 : index
    %swap3A_1221 = vector.load %arg5[%swap3A_1219, %swap3A_1220] : memref<54x2816xf32, #tpu.memory_space<vmem>>, vector<1x2816xf32>
    tpu.vector_store %arg5[%swap3A_1219, %swap3A_1220], %min3A_1167 {strides = array<i32>} : memref<54x2816xf32, #tpu.memory_space<vmem>>, vector<1x2816xf32>,
    %swap3A_1222 = arith.constant 35 : index
    %swap3A_1223 = arith.constant 0 : index
    %swap3A_1224 = vector.load %arg5[%swap3A_1222, %swap3A_1223] : memref<54x2816xf32, #tpu.memory_space<vmem>>, vector<1x2816xf32>
    tpu.vector_store %arg5[%swap3A_1222, %swap3A_1223], %min3A_1177 {strides = array<i32>} : memref<54x2816xf32, #tpu.memory_space<vmem>>, vector<1x2816xf32>,
    %swap3A_1225 = arith.constant 44 : index
    %swap3A_1226 = arith.constant 0 : index
    %swap3A_1227 = vector.load %arg5[%swap3A_1225, %swap3A_1226] : memref<54x2816xf32, #tpu.memory_space<vmem>>, vector<1x2816xf32>
    tpu.vector_store %arg5[%swap3A_1225, %swap3A_1226], %min3A_1187 {strides = array<i32>} : memref<54x2816xf32, #tpu.memory_space<vmem>>, vector<1x2816xf32>,
    %swap3A_1228 = arith.constant 53 : index
    %swap3A_1229 = arith.constant 0 : index
    %swap3A_1230 = vector.load %arg5[%swap3A_1228, %swap3A_1229] : memref<54x2816xf32, #tpu.memory_space<vmem>>, vector<1x2816xf32>
    tpu.vector_store %arg5[%swap3A_1228, %swap3A_1229], %select_n3A_1212 {strides = array<i32>} : memref<54x2816xf32, #tpu.memory_space<vmem>>, vector<1x2816xf32>,
    return
  }
}

module attributes {stable_mosaic.version = 14 : i64} {
  func.func @_nms_body(%arg0: memref<12x512x1xf32, #tpu.memory_space<vmem>>, %arg1: memref<12x512x1xf32, #tpu.memory_space<vmem>>, %arg2: memref<12x512x1xf32, #tpu.memory_space<vmem>>, %arg3: memref<12x512x1xf32, #tpu.memory_space<vmem>>, %arg4: memref<12x1x512xf32, #tpu.memory_space<vmem>>, %arg5: memref<12x1x512xf32, #tpu.memory_space<vmem>>, %arg6: memref<12x1x512xf32, #tpu.memory_space<vmem>>, %arg7: memref<12x1x512xf32, #tpu.memory_space<vmem>>, %arg8: memref<12x512x1xf32, #tpu.memory_space<vmem>>) attributes {dimension_semantics = [], scalar_prefetch = 0 : i64, scratch_operands = 0 : i64, tpu.core_type = #tpu.core_type<tc>} {
    %broadcast_in_dim3A = arith.constant 1.000000e+00 : f32
    %broadcast_in_dim3A_0 = vector.broadcast %broadcast_in_dim3A : f32 to vector<12x512x1xf32>
    %swap3A = arith.constant 0 : index
    %swap3A_1 = arith.constant 0 : index
    %swap3A_2 = arith.constant 0 : index
    %swap3A_3 = vector.load %arg8[%swap3A, %swap3A_1, %swap3A_2] : memref<12x512x1xf32, #tpu.memory_space<vmem>>, vector<12x512x1xf32>
    tpu.vector_store %arg8[%swap3A, %swap3A_1, %swap3A_2], %broadcast_in_dim3A_0 {strides = array<i32>} : memref<12x512x1xf32, #tpu.memory_space<vmem>>, vector<12x512x1xf32>,
    %iota3A = tpu.iota {dimensions = array<i32: 0>} : vector<512x512xi32>
    %iota3A_4 = tpu.iota {dimensions = array<i32: 1>} : vector<512x512xi32>
    %lt3A = arith.cmpi slt, %iota3A, %iota3A_4 : vector<512x512xi32>
    %convert_element_type3A = arith.extui %lt3A : vector<512x512xi1> to vector<512x512xi32>
    %convert_element_type3A_5 = arith.sitofp %convert_element_type3A : vector<512x512xi32> to vector<512x512xf32>
    %scan3A = arith.constant 0 : i32
    %scan3A_6 = arith.constant 12 : i32
    %scan3A_7 = arith.addi %scan3A, %scan3A_6 : i32
    %scan3A_8 = arith.constant 1 : i32
    scf.for %scan3A_10 = %scan3A to %scan3A_7 step %scan3A_8  : i32 {
      %get3A = arith.index_cast %scan3A_10 : i32 to index
      %get3A_11 = arith.constant 0 : index
      %get3A_12 = arith.constant 0 : index
      %get3A_13 = vector.load %arg0[%get3A, %get3A_11, %get3A_12] : memref<12x512x1xf32, #tpu.memory_space<vmem>>, vector<1x512x1xf32>
      %get3A_14 = vector.shape_cast %get3A_13 : vector<1x512x1xf32> to vector<512x1xf32>
      %get3A_15 = arith.index_cast %scan3A_10 : i32 to index
      %get3A_16 = arith.constant 0 : index
      %get3A_17 = arith.constant 0 : index
      %get3A_18 = vector.load %arg1[%get3A_15, %get3A_16, %get3A_17] : memref<12x512x1xf32, #tpu.memory_space<vmem>>, vector<1x512x1xf32>
      %get3A_19 = vector.shape_cast %get3A_18 : vector<1x512x1xf32> to vector<512x1xf32>
      %get3A_20 = arith.index_cast %scan3A_10 : i32 to index
      %get3A_21 = arith.constant 0 : index
      %get3A_22 = arith.constant 0 : index
      %get3A_23 = vector.load %arg2[%get3A_20, %get3A_21, %get3A_22] : memref<12x512x1xf32, #tpu.memory_space<vmem>>, vector<1x512x1xf32>
      %get3A_24 = vector.shape_cast %get3A_23 : vector<1x512x1xf32> to vector<512x1xf32>
      %get3A_25 = arith.index_cast %scan3A_10 : i32 to index
      %get3A_26 = arith.constant 0 : index
      %get3A_27 = arith.constant 0 : index
      %get3A_28 = vector.load %arg3[%get3A_25, %get3A_26, %get3A_27] : memref<12x512x1xf32, #tpu.memory_space<vmem>>, vector<1x512x1xf32>
      %get3A_29 = vector.shape_cast %get3A_28 : vector<1x512x1xf32> to vector<512x1xf32>
      %sub3A = arith.subf %get3A_24, %get3A_14 : vector<512x1xf32>
      %max3A = arith.constant 0.000000e+00 : f32
      %max3A_30 = vector.broadcast %max3A : f32 to vector<512x1xf32>
      %max3A_31 = arith.maximumf %sub3A, %max3A_30 : vector<512x1xf32>
      %sub3A_32 = arith.subf %get3A_29, %get3A_19 : vector<512x1xf32>
      %max3A_33 = arith.constant 0.000000e+00 : f32
      %max3A_34 = vector.broadcast %max3A_33 : f32 to vector<512x1xf32>
      %max3A_35 = arith.maximumf %sub3A_32, %max3A_34 : vector<512x1xf32>
      %mul3A = arith.mulf %max3A_31, %max3A_35 : vector<512x1xf32>
      %get3A_36 = arith.index_cast %scan3A_10 : i32 to index
      %get3A_37 = arith.constant 0 : index
      %get3A_38 = arith.constant 0 : index
      %get3A_39 = vector.load %arg4[%get3A_36, %get3A_37, %get3A_38] : memref<12x1x512xf32, #tpu.memory_space<vmem>>, vector<1x1x512xf32>
      %get3A_40 = vector.shape_cast %get3A_39 : vector<1x1x512xf32> to vector<1x512xf32>
      %get3A_41 = arith.index_cast %scan3A_10 : i32 to index
      %get3A_42 = arith.constant 0 : index
      %get3A_43 = arith.constant 0 : index
      %get3A_44 = vector.load %arg5[%get3A_41, %get3A_42, %get3A_43] : memref<12x1x512xf32, #tpu.memory_space<vmem>>, vector<1x1x512xf32>
      %get3A_45 = vector.shape_cast %get3A_44 : vector<1x1x512xf32> to vector<1x512xf32>
      %get3A_46 = arith.index_cast %scan3A_10 : i32 to index
      %get3A_47 = arith.constant 0 : index
      %get3A_48 = arith.constant 0 : index
      %get3A_49 = vector.load %arg6[%get3A_46, %get3A_47, %get3A_48] : memref<12x1x512xf32, #tpu.memory_space<vmem>>, vector<1x1x512xf32>
      %get3A_50 = vector.shape_cast %get3A_49 : vector<1x1x512xf32> to vector<1x512xf32>
      %get3A_51 = arith.index_cast %scan3A_10 : i32 to index
      %get3A_52 = arith.constant 0 : index
      %get3A_53 = arith.constant 0 : index
      %get3A_54 = vector.load %arg7[%get3A_51, %get3A_52, %get3A_53] : memref<12x1x512xf32, #tpu.memory_space<vmem>>, vector<1x1x512xf32>
      %get3A_55 = vector.shape_cast %get3A_54 : vector<1x1x512xf32> to vector<1x512xf32>
      %sub3A_56 = arith.subf %get3A_50, %get3A_40 : vector<1x512xf32>
      %max3A_57 = arith.constant 0.000000e+00 : f32
      %max3A_58 = vector.broadcast %max3A_57 : f32 to vector<1x512xf32>
      %max3A_59 = arith.maximumf %sub3A_56, %max3A_58 : vector<1x512xf32>
      %sub3A_60 = arith.subf %get3A_55, %get3A_45 : vector<1x512xf32>
      %max3A_61 = arith.constant 0.000000e+00 : f32
      %max3A_62 = vector.broadcast %max3A_61 : f32 to vector<1x512xf32>
      %max3A_63 = arith.maximumf %sub3A_60, %max3A_62 : vector<1x512xf32>
      %mul3A_64 = arith.mulf %max3A_59, %max3A_63 : vector<1x512xf32>
      %min3A = vector.broadcast %get3A_24 : vector<512x1xf32> to vector<512x512xf32>
      %min3A_65 = vector.broadcast %get3A_50 : vector<1x512xf32> to vector<512x512xf32>
      %min3A_66 = arith.minimumf %min3A, %min3A_65 : vector<512x512xf32>
      %max3A_67 = vector.broadcast %get3A_14 : vector<512x1xf32> to vector<512x512xf32>
      %max3A_68 = vector.broadcast %get3A_40 : vector<1x512xf32> to vector<512x512xf32>
      %max3A_69 = arith.maximumf %max3A_67, %max3A_68 : vector<512x512xf32>
      %sub3A_70 = arith.subf %min3A_66, %max3A_69 : vector<512x512xf32>
      %max3A_71 = arith.constant 0.000000e+00 : f32
      %max3A_72 = vector.broadcast %max3A_71 : f32 to vector<512x512xf32>
      %max3A_73 = arith.maximumf %sub3A_70, %max3A_72 : vector<512x512xf32>
      %min3A_74 = vector.broadcast %get3A_29 : vector<512x1xf32> to vector<512x512xf32>
      %min3A_75 = vector.broadcast %get3A_55 : vector<1x512xf32> to vector<512x512xf32>
      %min3A_76 = arith.minimumf %min3A_74, %min3A_75 : vector<512x512xf32>
      %max3A_77 = vector.broadcast %get3A_19 : vector<512x1xf32> to vector<512x512xf32>
      %max3A_78 = vector.broadcast %get3A_45 : vector<1x512xf32> to vector<512x512xf32>
      %max3A_79 = arith.maximumf %max3A_77, %max3A_78 : vector<512x512xf32>
      %sub3A_80 = arith.subf %min3A_76, %max3A_79 : vector<512x512xf32>
      %max3A_81 = arith.constant 0.000000e+00 : f32
      %max3A_82 = vector.broadcast %max3A_81 : f32 to vector<512x512xf32>
      %max3A_83 = arith.maximumf %sub3A_80, %max3A_82 : vector<512x512xf32>
      %mul3A_84 = arith.mulf %max3A_73, %max3A_83 : vector<512x512xf32>
      %add3A = vector.broadcast %mul3A : vector<512x1xf32> to vector<512x512xf32>
      %add3A_85 = vector.broadcast %mul3A_64 : vector<1x512xf32> to vector<512x512xf32>
      %add3A_86 = arith.addf %add3A, %add3A_85 : vector<512x512xf32>
      %sub3A_87 = arith.subf %add3A_86, %mul3A_84 : vector<512x512xf32>
      %add3A_88 = arith.constant 9.99999971E-10 : f32
      %add3A_89 = vector.broadcast %add3A_88 : f32 to vector<512x512xf32>
      %add3A_90 = arith.addf %sub3A_87, %add3A_89 : vector<512x512xf32>
      %div3A = arith.divf %mul3A_84, %add3A_90 : vector<512x512xf32>
      %gt3A = arith.constant 0.699999988 : f32
      %gt3A_91 = vector.broadcast %gt3A : f32 to vector<512x512xf32>
      %gt3A_92 = arith.cmpf ogt, %div3A, %gt3A_91 : vector<512x512xf32>
      %convert_element_type3A_93 = arith.extui %gt3A_92 : vector<512x512xi1> to vector<512x512xi32>
      %convert_element_type3A_94 = arith.sitofp %convert_element_type3A_93 : vector<512x512xi32> to vector<512x512xf32>
      %mul3A_95 = arith.mulf %convert_element_type3A_94, %convert_element_type3A_5 : vector<512x512xf32>
      %get3A_96 = arith.index_cast %scan3A_10 : i32 to index
      %get3A_97 = arith.constant 0 : index
      %get3A_98 = arith.constant 0 : index
      %get3A_99 = vector.load %arg8[%get3A_96, %get3A_97, %get3A_98] : memref<12x512x1xf32, #tpu.memory_space<vmem>>, vector<1x512x1xf32>
      %get3A_100 = vector.shape_cast %get3A_99 : vector<1x512x1xf32> to vector<512x1xf32>
      %dot_general3A = arith.constant dense<0.000000e+00> : vector<512x1xf32>
      %dot_general3A_101 = tpu.matmul %mul3A_95, %get3A_100, %dot_general3A {dimension_numbers = #tpu.dot_dimension_numbers<[0], [0], [1], [1], [0, 1, 1, 1], [], []>, transpose_lhs_hint = false} : vector<512x512xf32>, vector<512x1xf32>, vector<512x1xf32> -> vector<512x1xf32>
      %gt3A_102 = arith.constant 5.000000e-01 : f32
      %gt3A_103 = vector.broadcast %gt3A_102 : f32 to vector<512x1xf32>
      %gt3A_104 = arith.cmpf ogt, %dot_general3A_101, %gt3A_103 : vector<512x1xf32>
      %jit3A = arith.constant 0.000000e+00 : f32
      %broadcast_in_dim3A_105 = vector.broadcast %jit3A : f32 to vector<512x1xf32>
      %select_n3A = arith.select %gt3A_104, %broadcast_in_dim3A_105, %get3A_100 : vector<512x1xi1>, vector<512x1xf32>
      %while3A:2 = scf.while (%while3A_126 = %get3A_100, %while3A_127 = %select_n3A) : (vector<512x1xf32>, vector<512x1xf32>) -> (vector<512x1xf32>, vector<512x1xf32>) {
        %ne3A = arith.cmpf one, %while3A_126, %while3A_127 : vector<512x1xf32>
        %reduce_or3A = arith.constant 1.000000e+00 : f32
        %reduce_or3A_128 = arith.constant 0.000000e+00 : f32
        %reduce_or3A_129 = vector.broadcast %reduce_or3A : f32 to vector<512x1xf32>
        %reduce_or3A_130 = vector.broadcast %reduce_or3A_128 : f32 to vector<512x1xf32>
        %reduce_or3A_131 = arith.select %ne3A, %reduce_or3A_129, %reduce_or3A_130 : vector<512x1xi1>, vector<512x1xf32>
        %reduce_or3A_132 = vector.shape_cast %reduce_or3A_131 : vector<512x1xf32> to vector<1x512x1xf32>
        %reduce_or3A_133 = arith.constant dense<0xFF800000> : vector<1xf32>
        %reduce_or3A_134 = vector.multi_reduction <maximumf>, %reduce_or3A_132, %reduce_or3A_133 [1, 2] : vector<1x512x1xf32> to vector<1xf32>
        %reduce_or3A_135 = vector.shape_cast %reduce_or3A_134 : vector<1xf32> to vector<1x1x1xf32>
        %reduce_or3A_136 = vector.extract %reduce_or3A_135[0, 0, 0] : f32 from vector<1x1x1xf32>
        %reduce_or3A_137 = arith.constant 0.000000e+00 : f32
        %reduce_or3A_138 = arith.cmpf ogt, %reduce_or3A_136, %reduce_or3A_137 : f32
        scf.condition(%reduce_or3A_138) %while3A_126, %while3A_127 : vector<512x1xf32>, vector<512x1xf32>
      } do {
      ^bb0(%while3A_126: vector<512x1xf32>, %while3A_127: vector<512x1xf32>):
        %dot_general3A_128 = arith.constant dense<0.000000e+00> : vector<512x1xf32>
        %dot_general3A_129 = tpu.matmul %mul3A_95, %while3A_127, %dot_general3A_128 {dimension_numbers = #tpu.dot_dimension_numbers<[0], [0], [1], [1], [0, 1, 1, 1], [], []>, transpose_lhs_hint = false} : vector<512x512xf32>, vector<512x1xf32>, vector<512x1xf32> -> vector<512x1xf32>
        %gt3A_130 = arith.constant 5.000000e-01 : f32
        %gt3A_131 = vector.broadcast %gt3A_130 : f32 to vector<512x1xf32>
        %gt3A_132 = arith.cmpf ogt, %dot_general3A_129, %gt3A_131 : vector<512x1xf32>
        %jit3A_133 = arith.constant 0.000000e+00 : f32
        %broadcast_in_dim3A_134 = vector.broadcast %jit3A_133 : f32 to vector<512x1xf32>
        %select_n3A_135 = arith.select %gt3A_132, %broadcast_in_dim3A_134, %get3A_100 : vector<512x1xi1>, vector<512x1xf32>
        scf.yield %while3A_127, %select_n3A_135 : vector<512x1xf32>, vector<512x1xf32>
      }
      %swap3A_106 = arith.index_cast %scan3A_10 : i32 to index
      %swap3A_107 = arith.constant 0 : index
      %swap3A_108 = arith.constant 0 : index
      %swap3A_109 = vector.load %arg8[%swap3A_106, %swap3A_107, %swap3A_108] : memref<12x512x1xf32, #tpu.memory_space<vmem>>, vector<1x512x1xf32>
      %swap3A_110 = vector.shape_cast %swap3A_109 : vector<1x512x1xf32> to vector<512x1xf32>
      %swap3A_111 = vector.shape_cast %while3A#1 : vector<512x1xf32> to vector<1x512x1xf32>
      tpu.vector_store %arg8[%swap3A_106, %swap3A_107, %swap3A_108], %swap3A_111 {strides = array<i32>} : memref<12x512x1xf32, #tpu.memory_space<vmem>>, vector<1x512x1xf32>,
      %add3A_112 = arith.constant 1 : i32
      %add3A_113 = arith.addi %scan3A_10, %add3A_112 : i32
      %while3A_114 = arith.constant 12 : i32
      %while3A_115 = arith.constant 0 : i32
      %while3A_116 = arith.subi %while3A_114, %add3A_113 : i32
      %while3A_117 = arith.addi %add3A_113, %while3A_116 : i32
      %while3A_118 = arith.constant 1 : i32
      %while3A_119 = arith.divsi %while3A_116, %while3A_118 : i32
      %while3A_120 = arith.muli %while3A_119, %while3A_118 : i32
      %while3A_121 = arith.addi %add3A_113, %while3A_120 : i32
      %while3A_122 = arith.constant 1 : i32
      %while3A_123 = scf.for %while3A_126 = %add3A_113 to %while3A_121 step %while3A_122 iter_args(%while3A_127 = %while3A_115) -> (i32)  : i32 {
        %get3A_128 = arith.index_cast %while3A_126 : i32 to index
        %get3A_129 = arith.constant 0 : index
        %get3A_130 = arith.constant 0 : index
        %get3A_131 = vector.load %arg4[%get3A_128, %get3A_129, %get3A_130] : memref<12x1x512xf32, #tpu.memory_space<vmem>>, vector<1x1x512xf32>
        %get3A_132 = vector.shape_cast %get3A_131 : vector<1x1x512xf32> to vector<1x512xf32>
        %get3A_133 = arith.index_cast %while3A_126 : i32 to index
        %get3A_134 = arith.constant 0 : index
        %get3A_135 = arith.constant 0 : index
        %get3A_136 = vector.load %arg5[%get3A_133, %get3A_134, %get3A_135] : memref<12x1x512xf32, #tpu.memory_space<vmem>>, vector<1x1x512xf32>
        %get3A_137 = vector.shape_cast %get3A_136 : vector<1x1x512xf32> to vector<1x512xf32>
        %get3A_138 = arith.index_cast %while3A_126 : i32 to index
        %get3A_139 = arith.constant 0 : index
        %get3A_140 = arith.constant 0 : index
        %get3A_141 = vector.load %arg6[%get3A_138, %get3A_139, %get3A_140] : memref<12x1x512xf32, #tpu.memory_space<vmem>>, vector<1x1x512xf32>
        %get3A_142 = vector.shape_cast %get3A_141 : vector<1x1x512xf32> to vector<1x512xf32>
        %get3A_143 = arith.index_cast %while3A_126 : i32 to index
        %get3A_144 = arith.constant 0 : index
        %get3A_145 = arith.constant 0 : index
        %get3A_146 = vector.load %arg7[%get3A_143, %get3A_144, %get3A_145] : memref<12x1x512xf32, #tpu.memory_space<vmem>>, vector<1x1x512xf32>
        %get3A_147 = vector.shape_cast %get3A_146 : vector<1x1x512xf32> to vector<1x512xf32>
        %sub3A_148 = arith.subf %get3A_142, %get3A_132 : vector<1x512xf32>
        %max3A_149 = arith.constant 0.000000e+00 : f32
        %max3A_150 = vector.broadcast %max3A_149 : f32 to vector<1x512xf32>
        %max3A_151 = arith.maximumf %sub3A_148, %max3A_150 : vector<1x512xf32>
        %sub3A_152 = arith.subf %get3A_147, %get3A_137 : vector<1x512xf32>
        %max3A_153 = arith.constant 0.000000e+00 : f32
        %max3A_154 = vector.broadcast %max3A_153 : f32 to vector<1x512xf32>
        %max3A_155 = arith.maximumf %sub3A_152, %max3A_154 : vector<1x512xf32>
        %mul3A_156 = arith.mulf %max3A_151, %max3A_155 : vector<1x512xf32>
        %min3A_157 = vector.broadcast %get3A_24 : vector<512x1xf32> to vector<512x512xf32>
        %min3A_158 = vector.broadcast %get3A_142 : vector<1x512xf32> to vector<512x512xf32>
        %min3A_159 = arith.minimumf %min3A_157, %min3A_158 : vector<512x512xf32>
        %max3A_160 = vector.broadcast %get3A_14 : vector<512x1xf32> to vector<512x512xf32>
        %max3A_161 = vector.broadcast %get3A_132 : vector<1x512xf32> to vector<512x512xf32>
        %max3A_162 = arith.maximumf %max3A_160, %max3A_161 : vector<512x512xf32>
        %sub3A_163 = arith.subf %min3A_159, %max3A_162 : vector<512x512xf32>
        %max3A_164 = arith.constant 0.000000e+00 : f32
        %max3A_165 = vector.broadcast %max3A_164 : f32 to vector<512x512xf32>
        %max3A_166 = arith.maximumf %sub3A_163, %max3A_165 : vector<512x512xf32>
        %min3A_167 = vector.broadcast %get3A_29 : vector<512x1xf32> to vector<512x512xf32>
        %min3A_168 = vector.broadcast %get3A_147 : vector<1x512xf32> to vector<512x512xf32>
        %min3A_169 = arith.minimumf %min3A_167, %min3A_168 : vector<512x512xf32>
        %max3A_170 = vector.broadcast %get3A_19 : vector<512x1xf32> to vector<512x512xf32>
        %max3A_171 = vector.broadcast %get3A_137 : vector<1x512xf32> to vector<512x512xf32>
        %max3A_172 = arith.maximumf %max3A_170, %max3A_171 : vector<512x512xf32>
        %sub3A_173 = arith.subf %min3A_169, %max3A_172 : vector<512x512xf32>
        %max3A_174 = arith.constant 0.000000e+00 : f32
        %max3A_175 = vector.broadcast %max3A_174 : f32 to vector<512x512xf32>
        %max3A_176 = arith.maximumf %sub3A_173, %max3A_175 : vector<512x512xf32>
        %mul3A_177 = arith.mulf %max3A_166, %max3A_176 : vector<512x512xf32>
        %add3A_178 = vector.broadcast %mul3A : vector<512x1xf32> to vector<512x512xf32>
        %add3A_179 = vector.broadcast %mul3A_156 : vector<1x512xf32> to vector<512x512xf32>
        %add3A_180 = arith.addf %add3A_178, %add3A_179 : vector<512x512xf32>
        %sub3A_181 = arith.subf %add3A_180, %mul3A_177 : vector<512x512xf32>
        %add3A_182 = arith.constant 9.99999971E-10 : f32
        %add3A_183 = vector.broadcast %add3A_182 : f32 to vector<512x512xf32>
        %add3A_184 = arith.addf %sub3A_181, %add3A_183 : vector<512x512xf32>
        %div3A_185 = arith.divf %mul3A_177, %add3A_184 : vector<512x512xf32>
        %gt3A_186 = arith.constant 0.699999988 : f32
        %gt3A_187 = vector.broadcast %gt3A_186 : f32 to vector<512x512xf32>
        %gt3A_188 = arith.cmpf ogt, %div3A_185, %gt3A_187 : vector<512x512xf32>
        %convert_element_type3A_189 = arith.extui %gt3A_188 : vector<512x512xi1> to vector<512x512xi32>
        %convert_element_type3A_190 = arith.sitofp %convert_element_type3A_189 : vector<512x512xi32> to vector<512x512xf32>
        %dot_general3A_191 = arith.constant dense<0.000000e+00> : vector<512x1xf32>
        %dot_general3A_192 = tpu.matmul %convert_element_type3A_190, %while3A#1, %dot_general3A_191 {dimension_numbers = #tpu.dot_dimension_numbers<[0], [0], [1], [1], [0, 1, 1, 1], [], []>, transpose_lhs_hint = false} : vector<512x512xf32>, vector<512x1xf32>, vector<512x1xf32> -> vector<512x1xf32>
        %gt3A_193 = arith.constant 5.000000e-01 : f32
        %gt3A_194 = vector.broadcast %gt3A_193 : f32 to vector<512x1xf32>
        %gt3A_195 = arith.cmpf ogt, %dot_general3A_192, %gt3A_194 : vector<512x1xf32>
        %get3A_196 = arith.index_cast %while3A_126 : i32 to index
        %get3A_197 = arith.constant 0 : index
        %get3A_198 = arith.constant 0 : index
        %get3A_199 = vector.load %arg8[%get3A_196, %get3A_197, %get3A_198] : memref<12x512x1xf32, #tpu.memory_space<vmem>>, vector<1x512x1xf32>
        %get3A_200 = vector.shape_cast %get3A_199 : vector<1x512x1xf32> to vector<512x1xf32>
        %jit3A_201 = arith.constant 0.000000e+00 : f32
        %broadcast_in_dim3A_202 = vector.broadcast %jit3A_201 : f32 to vector<512x1xf32>
        %select_n3A_203 = arith.select %gt3A_195, %broadcast_in_dim3A_202, %get3A_200 : vector<512x1xi1>, vector<512x1xf32>
        %swap3A_204 = arith.index_cast %while3A_126 : i32 to index
        %swap3A_205 = arith.constant 0 : index
        %swap3A_206 = arith.constant 0 : index
        %swap3A_207 = vector.load %arg8[%swap3A_204, %swap3A_205, %swap3A_206] : memref<12x512x1xf32, #tpu.memory_space<vmem>>, vector<1x512x1xf32>
        %swap3A_208 = vector.shape_cast %swap3A_207 : vector<1x512x1xf32> to vector<512x1xf32>
        %swap3A_209 = vector.shape_cast %select_n3A_203 : vector<512x1xf32> to vector<1x512x1xf32>
        tpu.vector_store %arg8[%swap3A_204, %swap3A_205, %swap3A_206], %swap3A_209 {strides = array<i32>} : memref<12x512x1xf32, #tpu.memory_space<vmem>>, vector<1x512x1xf32>,
        %while3A_210 = arith.constant 0 : i32
        scf.yield %while3A_210 : i32
      }
      %while3A_124 = arith.constant 1 : i32
      %while3A_125 = scf.for %while3A_126 = %while3A_121 to %while3A_117 step %while3A_124 iter_args(%while3A_127 = %while3A_123) -> (i32)  : i32 {
        %get3A_128 = arith.index_cast %while3A_126 : i32 to index
        %get3A_129 = arith.constant 0 : index
        %get3A_130 = arith.constant 0 : index
        %get3A_131 = vector.load %arg4[%get3A_128, %get3A_129, %get3A_130] : memref<12x1x512xf32, #tpu.memory_space<vmem>>, vector<1x1x512xf32>
        %get3A_132 = vector.shape_cast %get3A_131 : vector<1x1x512xf32> to vector<1x512xf32>
        %get3A_133 = arith.index_cast %while3A_126 : i32 to index
        %get3A_134 = arith.constant 0 : index
        %get3A_135 = arith.constant 0 : index
        %get3A_136 = vector.load %arg5[%get3A_133, %get3A_134, %get3A_135] : memref<12x1x512xf32, #tpu.memory_space<vmem>>, vector<1x1x512xf32>
        %get3A_137 = vector.shape_cast %get3A_136 : vector<1x1x512xf32> to vector<1x512xf32>
        %get3A_138 = arith.index_cast %while3A_126 : i32 to index
        %get3A_139 = arith.constant 0 : index
        %get3A_140 = arith.constant 0 : index
        %get3A_141 = vector.load %arg6[%get3A_138, %get3A_139, %get3A_140] : memref<12x1x512xf32, #tpu.memory_space<vmem>>, vector<1x1x512xf32>
        %get3A_142 = vector.shape_cast %get3A_141 : vector<1x1x512xf32> to vector<1x512xf32>
        %get3A_143 = arith.index_cast %while3A_126 : i32 to index
        %get3A_144 = arith.constant 0 : index
        %get3A_145 = arith.constant 0 : index
        %get3A_146 = vector.load %arg7[%get3A_143, %get3A_144, %get3A_145] : memref<12x1x512xf32, #tpu.memory_space<vmem>>, vector<1x1x512xf32>
        %get3A_147 = vector.shape_cast %get3A_146 : vector<1x1x512xf32> to vector<1x512xf32>
        %sub3A_148 = arith.subf %get3A_142, %get3A_132 : vector<1x512xf32>
        %max3A_149 = arith.constant 0.000000e+00 : f32
        %max3A_150 = vector.broadcast %max3A_149 : f32 to vector<1x512xf32>
        %max3A_151 = arith.maximumf %sub3A_148, %max3A_150 : vector<1x512xf32>
        %sub3A_152 = arith.subf %get3A_147, %get3A_137 : vector<1x512xf32>
        %max3A_153 = arith.constant 0.000000e+00 : f32
        %max3A_154 = vector.broadcast %max3A_153 : f32 to vector<1x512xf32>
        %max3A_155 = arith.maximumf %sub3A_152, %max3A_154 : vector<1x512xf32>
        %mul3A_156 = arith.mulf %max3A_151, %max3A_155 : vector<1x512xf32>
        %min3A_157 = vector.broadcast %get3A_24 : vector<512x1xf32> to vector<512x512xf32>
        %min3A_158 = vector.broadcast %get3A_142 : vector<1x512xf32> to vector<512x512xf32>
        %min3A_159 = arith.minimumf %min3A_157, %min3A_158 : vector<512x512xf32>
        %max3A_160 = vector.broadcast %get3A_14 : vector<512x1xf32> to vector<512x512xf32>
        %max3A_161 = vector.broadcast %get3A_132 : vector<1x512xf32> to vector<512x512xf32>
        %max3A_162 = arith.maximumf %max3A_160, %max3A_161 : vector<512x512xf32>
        %sub3A_163 = arith.subf %min3A_159, %max3A_162 : vector<512x512xf32>
        %max3A_164 = arith.constant 0.000000e+00 : f32
        %max3A_165 = vector.broadcast %max3A_164 : f32 to vector<512x512xf32>
        %max3A_166 = arith.maximumf %sub3A_163, %max3A_165 : vector<512x512xf32>
        %min3A_167 = vector.broadcast %get3A_29 : vector<512x1xf32> to vector<512x512xf32>
        %min3A_168 = vector.broadcast %get3A_147 : vector<1x512xf32> to vector<512x512xf32>
        %min3A_169 = arith.minimumf %min3A_167, %min3A_168 : vector<512x512xf32>
        %max3A_170 = vector.broadcast %get3A_19 : vector<512x1xf32> to vector<512x512xf32>
        %max3A_171 = vector.broadcast %get3A_137 : vector<1x512xf32> to vector<512x512xf32>
        %max3A_172 = arith.maximumf %max3A_170, %max3A_171 : vector<512x512xf32>
        %sub3A_173 = arith.subf %min3A_169, %max3A_172 : vector<512x512xf32>
        %max3A_174 = arith.constant 0.000000e+00 : f32
        %max3A_175 = vector.broadcast %max3A_174 : f32 to vector<512x512xf32>
        %max3A_176 = arith.maximumf %sub3A_173, %max3A_175 : vector<512x512xf32>
        %mul3A_177 = arith.mulf %max3A_166, %max3A_176 : vector<512x512xf32>
        %add3A_178 = vector.broadcast %mul3A : vector<512x1xf32> to vector<512x512xf32>
        %add3A_179 = vector.broadcast %mul3A_156 : vector<1x512xf32> to vector<512x512xf32>
        %add3A_180 = arith.addf %add3A_178, %add3A_179 : vector<512x512xf32>
        %sub3A_181 = arith.subf %add3A_180, %mul3A_177 : vector<512x512xf32>
        %add3A_182 = arith.constant 9.99999971E-10 : f32
        %add3A_183 = vector.broadcast %add3A_182 : f32 to vector<512x512xf32>
        %add3A_184 = arith.addf %sub3A_181, %add3A_183 : vector<512x512xf32>
        %div3A_185 = arith.divf %mul3A_177, %add3A_184 : vector<512x512xf32>
        %gt3A_186 = arith.constant 0.699999988 : f32
        %gt3A_187 = vector.broadcast %gt3A_186 : f32 to vector<512x512xf32>
        %gt3A_188 = arith.cmpf ogt, %div3A_185, %gt3A_187 : vector<512x512xf32>
        %convert_element_type3A_189 = arith.extui %gt3A_188 : vector<512x512xi1> to vector<512x512xi32>
        %convert_element_type3A_190 = arith.sitofp %convert_element_type3A_189 : vector<512x512xi32> to vector<512x512xf32>
        %dot_general3A_191 = arith.constant dense<0.000000e+00> : vector<512x1xf32>
        %dot_general3A_192 = tpu.matmul %convert_element_type3A_190, %while3A#1, %dot_general3A_191 {dimension_numbers = #tpu.dot_dimension_numbers<[0], [0], [1], [1], [0, 1, 1, 1], [], []>, transpose_lhs_hint = false} : vector<512x512xf32>, vector<512x1xf32>, vector<512x1xf32> -> vector<512x1xf32>
        %gt3A_193 = arith.constant 5.000000e-01 : f32
        %gt3A_194 = vector.broadcast %gt3A_193 : f32 to vector<512x1xf32>
        %gt3A_195 = arith.cmpf ogt, %dot_general3A_192, %gt3A_194 : vector<512x1xf32>
        %get3A_196 = arith.index_cast %while3A_126 : i32 to index
        %get3A_197 = arith.constant 0 : index
        %get3A_198 = arith.constant 0 : index
        %get3A_199 = vector.load %arg8[%get3A_196, %get3A_197, %get3A_198] : memref<12x512x1xf32, #tpu.memory_space<vmem>>, vector<1x512x1xf32>
        %get3A_200 = vector.shape_cast %get3A_199 : vector<1x512x1xf32> to vector<512x1xf32>
        %jit3A_201 = arith.constant 0.000000e+00 : f32
        %broadcast_in_dim3A_202 = vector.broadcast %jit3A_201 : f32 to vector<512x1xf32>
        %select_n3A_203 = arith.select %gt3A_195, %broadcast_in_dim3A_202, %get3A_200 : vector<512x1xi1>, vector<512x1xf32>
        %swap3A_204 = arith.index_cast %while3A_126 : i32 to index
        %swap3A_205 = arith.constant 0 : index
        %swap3A_206 = arith.constant 0 : index
        %swap3A_207 = vector.load %arg8[%swap3A_204, %swap3A_205, %swap3A_206] : memref<12x512x1xf32, #tpu.memory_space<vmem>>, vector<1x512x1xf32>
        %swap3A_208 = vector.shape_cast %swap3A_207 : vector<1x512x1xf32> to vector<512x1xf32>
        %swap3A_209 = vector.shape_cast %select_n3A_203 : vector<512x1xf32> to vector<1x512x1xf32>
        tpu.vector_store %arg8[%swap3A_204, %swap3A_205, %swap3A_206], %swap3A_209 {strides = array<i32>} : memref<12x512x1xf32, #tpu.memory_space<vmem>>, vector<1x512x1xf32>,
        %while3A_210 = arith.constant 0 : i32
        scf.yield %while3A_210 : i32
      }
    }
    %scan3A_9 = arith.constant 12 : i32
    return
  }
}

</mosaic_0001>

<sc_bundles>
// kernel: gather_offload_async_start.1
scs
__scs_entry_jumppad:
0x0: {  	(pc) =	sbr.rel $0x88, $3  }
0x1: {  	(tag) =	ssettag $0x0;
	lr =	simm.s32 $0x1  }
0x2: {  	[smem:$0x3F9A] =	sst lr;
	_ =	strace $0xD0000000  }
0x3: {  	_ = 	snop  }
0x4: {  	_ = 	snop  }
0x5: {  	_ = 	snop  }
0x6: {  	_ = 	snop  }
0x7: {  	_ = 	snop  }
__scs_overlays_trampoline_lowered:
0x8: {  	[smem:$0x3FA9] =	sst s0  }
0x9: {  	[smem:$0x3FAA] =	sst s1  }
0xa: {  	[smem:$0x3FAB] =	sst s2  }
0xb: {  	[smem:$0x3FAC] =	sst s3  }
0xc: {  	[smem:$0x3FAD] =	sst s4  }
0xd: {  	[smem:$0x3FAE] =	sst s5  }
0xe: {  	[smem:$0x3FAF] =	sst s6  }
0xf: {  	[smem:$0x3FB0] =	sst s7  }
0x10: {  	[smem:$0x3FB1] =	sst s8  }
0x11: {  	[smem:$0x3FB2] =	sst s9;
	s0 =	simm.s32 @!p0 $0x0  }
0x12: {  	s1 =	sld [smem:$0x3F98];
	s0 =	simm.s32 @p0 $0x1  }
0x13: {  	[smem:$0x3FB3] =	sst s0;
	s0 =	simm.s32 @!p1 $0x0  }
0x14: {  	s2 =	sld [smem:$0x3F97];
	s0 =	simm.s32 @p1 $0x1  }
0x15: {  	[smem:$0x3FB4] =	sst s0;
	s0 =	simm.s32 @!p2 $0x0  }
0x16: {  	s3 =	sld [smem:$0x3FDB];
	s0 =	simm.s32 @p2 $0x1  }
0x17: {  	s4 =	simm.s32 $0x1BF5;
	[smem:$0x3FB6] =	sst s0  }
0x18: {  	s0 =	sld [smem:$0x3F99];
	_ =	swait.ge [sflag:s4], $0x0  }
0x19: {  	s7 =	sld [smem:$0x3F9A]  }
0x1a: {  	s8 =	sadd.s32 $0xFFFFE003, lr  }
0x1b: {  	s9 =	sadd.s32 $0xFFFFFEF7, lr;
	s5 =	simm.s32 $0xFFFFFFFF;
	p2 =	slt.u32 s8, $0xFFFFF086  }
0x1c: {  	p1 =	slt.u32 s9, $0xF7A;
	s5 =	simm.s32 @!p2 $0x0  }
0x1d: {  	s5 =	simm.s32 @p1 $0x1;
	p0 =	seq.s32 s7, s2  }
0x1e: {  	s7 =	smul.u32 @!p0 $0xF7A, s2;
	p2 =	seq.s32 @!p0 s5, $0x0  }
0x1f: {  	s9 =	smul.u32 $0xF7A, s1;
	s8 =	simm.s32 @!p0 $0x1BF5;
	p2 =	por !p2, p0  }
0x20: {  	[sflag:s8] =	ssyncset.s32 @!p0 $0xFFFFF086;
	s6 =	sadd.s32 @!p0 s3, s7;
	s7 =	simm.s32 @!p0 $0x108  }
0x21: {  	s3 =	sadd.s32 s3, s9;
	s6 =	sadd.s32 @!p0 $0x88, s6;
	s7 =	simm.s32 @p2 $0x1082  }
0x22: {  	[simem:s7], [sflag:s8] =	dma.local @!p0 [hbm:s6], $0xF7A  }
0x23: {  	s9 =	sor.u32 $0xD0000000, s2;
	s6 =	simm.s32 $0x108;
	_ =	swait.ge @!p0 [sflag:s8], $0x0  }
0x24: {  	s3 =	sadd.s32 $0x88, s3;
	s6 =	simm.s32 @!p1 $0x1082;
	[sflag:s4] =	ssyncset.s32 $0xFFFFF086  }
0x25: {  	[simem:s6], [sflag:s4] =	dma.local [hbm:s3], $0xF7A  }
0x26: {  	[smem:$0x3F9A] =	sst s1;
	(tag) =	ssettag s2;
	_ =	strace s9  }
0x27: {  	s1 =	sld [smem:$0x3FAA]  }
0x28: {  	s2 =	sld [smem:$0x3FAB]  }
0x29: {  	s4 =	sld [smem:$0x3FAD]  }
0x2a: {  	p0 =	seq.s32 s5, $0x0;
	s5 =	sld [smem:$0x3FAE]  }
0x2b: {  	s6 =	sld [smem:$0x3FAF]  }
0x2c: {  	s7 =	sld [smem:$0x3FB0]  }
0x2d: {  	s3 =	simm.s32 $0x108;
	s8 =	sld [smem:$0x3FB1]  }
0x2e: {  	s3 =	simm.s32 @!p0 $0x1082;
	s9 =	sld [smem:$0x3FB2]  }
0x2f: {  	lr =	sadd.s32 s0, s3;
	s0 =	sld [smem:$0x3FA9]  }
0x30: {  	s3 =	sld [smem:$0x3FAC]  }
0x31: {  	[smem:$0x3FB5] =	sst s10  }
0x32: {  	s10 =	sld [smem:$0x3FB3];
	_ =	sdelay $0x3  }
0x33: {  	p0 =	seq.s32 s10, $0x1;
	s10 =	sld [smem:$0x3FB5];
	_ =	sdelay $0x3  }
0x34: {  	[smem:$0x3FB5] =	sst s10  }
0x35: {  	s10 =	sld [smem:$0x3FB4];
	_ =	sdelay $0x3  }
0x36: {  	p1 =	seq.s32 s10, $0x1;
	s10 =	sld [smem:$0x3FB5];
	_ =	sdelay $0x3  }
0x37: {  	[smem:$0x3FB5] =	sst s10  }
0x38: {  	s10 =	sld [smem:$0x3FB6]  }
0x39: {  	_ = 	snop;
	(pc) =	sbr.ind lr, $3  }
0x3a: {  	_ = 	snop  }
0x3b: {  	_ = 	snop  }
0x3c: {  	p2 =	seq.s32 s10, $0x1;
	s10 =	sld [smem:$0x3FB5]  }
0x3d: {  	_ =	shalt  }
0x3e: {  	_ =	shalt  }
0x3f: {  	_ =	shalt  }
0x40: {  	_ =	shalt  }
0x41: {  	_ =	shalt  }
0x42: {  	_ =	shalt  }
0x43: {  	_ =	shalt  }
0x44: {  	_ =	shalt  }
0x45: {  	_ =	shalt  }
0x46: {  	_ =	shalt  }
0x47: {  	_ =	shalt  }
0x48: {  	_ =	shalt  }
0x49: {  	_ =	shalt  }
0x4a: {  	_ =	shalt  }
0x4b: {  	_ =	shalt  }
0x4c: {  	_ =	shalt  }
0x4d: {  	_ =	shalt  }
0x4e: {  	_ =	shalt  }
0x4f: {  	_ =	shalt  }
0x50: {  	_ =	shalt  }
0x51: {  	_ =	shalt  }
0x52: {  	_ =	shalt  }
0x53: {  	_ =	shalt  }
0x54: {  	_ =	shalt  }
0x55: {  	_ =	shalt  }
0x56: {  	_ =	shalt  }
0x57: {  	_ =	shalt  }
0x58: {  	_ =	shalt  }
0x59: {  	_ =	shalt  }
0x5a: {  	_ =	shalt  }
0x5b: {  	_ =	shalt  }
0x5c: {  	_ =	shalt  }
0x5d: {  	_ =	shalt  }
0x5e: {  	_ =	shalt  }
0x5f: {  	_ =	shalt  }
0x60: {  	_ =	shalt  }
0x61: {  	_ =	shalt  }
0x62: {  	_ =	shalt  }
0x63: {  	_ =	shalt  }
0x64: {  	_ =	shalt  }
0x65: {  	_ =	shalt  }
0x66: {  	_ =	shalt  }
0x67: {  	_ =	shalt  }
0x68: {  	_ =	shalt  }
0x69: {  	_ =	shalt  }
0x6a: {  	_ =	shalt  }
0x6b: {  	_ =	shalt  }
0x6c: {  	_ =	shalt  }
0x6d: {  	_ =	shalt  }
0x6e: {  	_ =	shalt  }
0x6f: {  	_ =	shalt  }
0x70: {  	_ =	shalt  }
0x71: {  	_ =	shalt  }
0x72: {  	_ =	shalt  }
0x73: {  	_ =	shalt  }
0x74: {  	_ =	shalt  }
0x75: {  	_ =	shalt  }
0x76: {  	_ =	shalt  }
0x77: {  	_ =	shalt  }
0x78: {  	_ =	shalt  }
0x79: {  	_ =	shalt  }
0x7a: {  	_ =	shalt  }
0x7b: {  	_ =	shalt  }
0x7c: {  	_ =	shalt  }
0x7d: {  	_ =	shalt  }
0x7e: {  	_ =	shalt  }
0x7f: {  	_ =	shalt  }
0x80: {  	_ =	shalt  }
0x81: {  	_ =	shalt  }
0x82: {  	_ =	shalt  }
0x83: {  	_ =	shalt  }
0x84: {  	_ =	shalt  }
0x85: {  	_ =	shalt  }
0x86: {  	_ =	shalt  }
0x87: {  	_ =	shalt  }
.Lfunc_end0:
.L_simem_size_0:
called_computation.1_lowered:
.L_overlay_start_0:
0x88: {  	s0 =	sld [smem:$0x3FD9]  }
0x89: {  	s1 =	sld [smem:$0x3FFE];
	_ =	sdelay $0x3  }
0x8a: {  	s0 =	sadd.s32 s1, s0  }
0x8b: {  	[smem:$0x3FC1] =	sst s0  }
0x8c: {  	_ = 	snop  }
0x8d: {  	(tm) =	ssettm $0x1  }
0x8e: {  	s15 =	sld [smem:$0x3FFB];
	_ =	sdelay $0x3  }
0x8f: {  	_ =	strace s15  }
0x90: {  	s0 =	sld [smem:$0x3FFC];
	_ =	sdelay $0x3  }
0x91: {  	_ =	strace s0  }
0x92: {  	s0 =	sld [smem:$0x3FFD];
	_ =	sdelay $0x3  }
0x93: {  	_ =	strace s0  }
0x94: {  	_ =	strace $0x8FFFFFFF  }
0x95: {  	s16 =	sld [smem:$0x3FDB];
	_ =	sdelay $0x1  }
0x96: {  	s17 =	simm.s32 $_scs_section_size  }
0x97: {  	s2 =	simm.s32 $_size__tile_overlayer_lowered;
	s3 =	simm.s32 $_tile_overlayer_lowered  }
0x98: {  	s20 =	simm.s32 $0x1BFF;
	s19 =	sshll.u32 s3, $0x1;
	s0 =	sadd.s32 s17, s16  }
0x99: {  	s4 =	simm.s32 $0x0;
	s18 =	sshll.u32 s2, $0x1;
	s2 =	sadd.s32 s19, s0  }
0x9a: {  	[timem:s4], [sflag:s20] =	dma.local [hbm:s2], s18  }
0x9b: {  	_ =	swait.ge [sflag:s20], s18  }
0x9c: {  	s1 =	ssub.s32 $0x0, s18;
	[sflag:s20] =	ssyncset.done $0x0  }
0x9d: {  	[sflag:s20] =	ssyncadd.s32 s1;
	_ =	sdelay $0x1  }
0x9e: {  	s21 =	simm.s32 $0x1B8B  }
0x9f: {  	_ =	swait.ge [sflag:s21], $0x1  }
0xa0: {  	[sflag:s21] =	ssyncset.done $0x0  }
0xa1: {  	s23 =	simm.s32 $0x1B8E;
	s22 =	sld [smem:$0x3FFE];
	[sflag:s21] =	ssyncadd.s32 $0xFFFFFFFF  }
0xa2: {  	s24 =	simm.s32 $execute0_lowered;
	[smem:$0x3FD2] =	sst s23  }
0xa3: {  	s2 =	sshll.u32 s24, $0x1;
	_ =	strace $0x8000004F;
	[dreg:$0x1] =	wrdreg $0xFFFFFFFF  }
0xa4: {  	s25 =	simm.s32 $_size_execute0_lowered;
	s0 =	sadd.s32 s0, s2;
	[dreg:$0x0] =	wrdreg $0x0  }
0xa5: {  	s2 =	sshll.u32 s25, $0x1;
	[dreg:$0x2] =	wrdreg s0  }
0xa6: {  	[dreg:$0x3] =	wrdreg s2  }
0xa7: {  	[dreg:$0x4] =	wrdreg $0xC0  }
0xa8: {  	_ =	task [dreg:s4], $0x5FFFF  }
0xa9: {  	[dreg:$0x1] =	wrdreg $0xFFFFFFFF  }
0xaa: {  	[dreg:$0x0] =	wrdreg $0x60  }
0xab: {  	[dreg:$0x2] =	wrdreg s22  }
0xac: {  	[dreg:$0x3] =	wrdreg $0x9  }
0xad: {  	_ =	task.clear_ibuf [dreg:s4], $0x4FFFF;
	_ =	strace $0x9000004F  }
0xae: {  	s26 =	simm.s32 $0x9;
	_ =	strace $0x80000051  }
0xaf: {  	_ =	swait.ge [sflag:s26], $0x1  }
0xb0: {  	[sflag:s26] =	ssyncadd.s32 $0xFFFFFFFF  }
0xb1: {  	_ =	strace $0x90000051  }
0xb2: {  	_ =	sfence  }
0xb3: {  	s28 =	sld [smem:$0x0];
	_ =	sdelay $0x1  }
0xb4: {  	s29 =	srdreg.scid  }
0xb5: {  	s30 =	sshll.u32 s29, $0xD;
	s31 =	sshrl.u32 s29, $0x2  }
0xb6: {  	s1 =	sand.u32 $0x1, s29;
	s2 =	sand.u32 $0x4000, s30;
	s0 =	sadd.s32 s31, s28  }
0xb7: {  	s1 =	sor.u32 s2, s1;
	s0 =	sshll.u32 s0, $0x11  }
0xb8: {  	s0 =	sor.u32 s0, s1  }
0xb9: {  	s0 =	sadd.s32 $0x8F2B, s0  }
0xba: {  	[sflag:s0] =	ssyncadd.remote.s32 $0x1  }
0xbb: {  	_ =	sfence.sel $0xFFFF  }
0xbc: {  	[dreg:$0x0] =	wrdreg $0xFFFFFFFF;
	(pc) =	sbr.abs _section_cstart, $3  }
0xbd: {  	[dreg:$0x1] =	wrdreg $0xFFFFFFFF  }
0xbe: {  	_ =	task.clear_ibuf [dreg:s4], $0x2FFFF;
	_ =	strace $0x9FFFFFFF  }
0xbf: {  	(tm) =	ssettm $0x7FFFFFFF  }
tec
execute0_lowered:
.L_overlay_start_1:
0x0: {  	(tag) =	ssettag $0x1  }
0x1: {  	s2 =	rddreg [dreg:$0x0]  }
0x2: {  	s0 =	rddreg [dreg:$0x1]  }
0x3: {  	_ =	strace $0x80000050;
	s4 =	simm.s32 $0x1;
	s1 =	stileid.u32  }
0x4: {  	s7 =	simm.s32 $0x1;
	s8 =	simm.s32 $0x1;
	s6 =	simm.s32 $0x2  }
0x5: {  	s9 =	simm.s32 $0x3;
	s10 =	simm.s32 $0x0;
	s13 =	simm.s32 $0x0  }
.Ltmp0:
0x6: {  	s12 =	simm.s32 $0x0;
	p0 =	slt.u32 s1, $0xA;
	(pc) =	sbr.rel .LBB2_1-.Ltmp0, $4  }
0x7: {  	[sflag:s4] =	ssyncpa.u1 $0x0;
	s7 =	simm.s32 @!p0 $0x0;
	p0 =	sne.s32 s1, $0x9  }
0x8: {  	s5 =	smul.u32 $0xF0, s1;
	[sflag:s6] =	ssyncpa.u1 $0x0;
	s8 =	simm.s32 @!p0 $0x0  }
0x9: {  	s3 =	sadd.s32 $0x1000, s2;
	[sflag:s9] =	ssyncpa.u1 $0x0;
	s7 =	sadd.s32 s8, s7  }
0xa: {  	vm0 =	vmmov $0xffff;
	s11 =	smov.u32 s5;
	s8 =	sadd.s32 $0x1400, s2;
	s9 =	sadd.s32 $0x1, s7  }
.LBB2_4:
0xb: {  	v2 =	vnsel vm1, $0x0, v2  }
0xc: {  	vm1 =	vgt.s32 v0, $0x0;
	v2 =	vmin.u32 v2, $0x176F  }
0xd: {  	v0 =	vnsel vm1, $0x0, v0  }
0xe: {  	v0 =	vmin.u32 v0, $0x176F  }
0xf: {  	[tilespmem:s18], [sflag:$0x1] =	stream.indirect_vreg.gather [hbm4b:s3+s10], $0x1, v1, vm0, $0x4038;
	[tilespmem:$0x3C0] =	vst v63  }
0x10: {  	(ifvalue) =	ssetifvalue $0x7FFFFFFF  }
0x11: {  	[tilespmem:s15], [sflag:$0x1] =	stream.indirect_vreg.gather [hbm4b:s3+s10], $0x1, v2, vm0, $0x4038;
	[tilespmem:$0x3C0] =	vst v63  }
0x12: {  	s29 =	sadd.s32 $0x10, s15;
	(ifvalue) =	ssetifvalue $0x7FFFFFFF  }
0x13: {  	[tilespmem:s29], [sflag:$0x1] =	stream.indirect_vreg.gather [hbm4b:s3+s10], $0x1, v0, vm0, $0x4038;
	[tilespmem:$0x3C0] =	vst v63  }
0x14: {  	_ =	swait.ge [sflag:s4], $0xF0  }
0x15: {  	s30 =	sshrl.u32 s13, $0x3;
	[sflag:s4] =	ssyncset.done $0x0  }
0x16: {  	s31 =	sand.u32 $0x7, s13;
	s15 =	sadd.s32 s2, s30;
	[sflag:s4] =	ssyncadd.s32 $0xFFFFFF10  }
0x17: {  	[hbm4b:s15+s31] =	stream.linear.scatter [tilespmem:s14], [sflag:$0x3], $0xF0, $0x38;
	[tilespmem:$0x3C0] =	vst v63  }
.LBB2_5:
0x18: {  	s15 =	sadd.s32 $0xF00, s11  }
0x19: {  	p1 =	sgt.s32 s15, $0x176F  }
0x1a: {  	s15 =	smov.u32 @p1 s5;
	p1 =	sne.s32 s12, s9  }
.Ltmp1:
0x1b: {  	p0 =	slt.u32 s12, $0x2;
	(pc) =	sbr.rel @!p1 .LBB2_6-.Ltmp1, $4  }
0x1c: {  	s14 =	simm.s32 @!p0 $0x3  }
0x1d: {  	_ =	swait.ge @!p0 [sflag:s14], $0xF0  }
0x1e: {  	s16 =	sadd.s32 $0x1, s12;
	s13 =	smov.u32 s11;
	[sflag:s14] =	ssyncset.done @!p0 $0x0  }
0x1f: {  	s12 =	smov.u32 s16;
	s11 =	smov.u32 s15;
	[sflag:s14] =	ssyncadd.s32 @!p0 $0xFFFFFF10  }
.LBB2_1:
0x20: {  	p0 =	sge.u32 s12, s7  }
0x21: {  	s14 =	sxor.u32 @!p0 $0x1, s12  }
0x22: {  	s14 =	smul.u32 @!p0 $0x3C0, s14  }
0x23: {  	s31 =	sadd.s32 $0xFFFFFFFF, s12;
	s15 =	sshrl.u32 @!p0 s11, $0x3  }
0x24: {  	s16 =	sand.u32 @!p0 $0x7, s11;
	s15 =	sadd.s32 @!p0 s8, s15;
	s14 =	sshra.s32 @!p0 s14, $0x2  }
0x25: {  	[tilespmem:s14], [sflag:$0x2] =	stream.linear.gather @!p0 [hbm4b:s15+s16], $0xF0, $0x38;
	[tilespmem:$0x3C0] =	vst v63  }
0x26: {  	p0 =	sge.u32 s31, s7  }
.Ltmp2:
0x27: {  	_ = 	snop;
	(pc) =	sbr.rel @p0 .LBB2_5-.Ltmp2, $1  }
0x28: {  	_ =	sdelay $0x3  }
0x29: {  	s14 =	sand.u32 $0x1, s12  }
0x2a: {  	_ =	swait.ge [sflag:s6], $0xF0;
	p0 =	seq.s32 s14, $0x1;
	s14 =	simm.s32 $0xF0  }
0x2b: {  	[sflag:s6] =	ssyncset.done $0x0;
	s14 =	simm.s32 @!p0 $0x0  }
0x2c: {  	[sflag:s6] =	ssyncadd.s32 $0xFFFFFF10;
	(ifvalue) =	ssetifvalue $0x7FFFFFFF;
	v0 =	vld.msk [tilespmem:s14+$0x0 ss:$0x1], $0xffff;
	_ =	sdelay $0x4  }
0x2d: {  	s15 =	sadd.s32 $0x10, s14;
	vm1 =	vgt.s32 v0, $0x0  }
0x2e: {  	v2 =	vld.msk [tilespmem:s15+$0x0 ss:$0x1], $0xffff;
	v1 =	vnsel vm1, $0x0, v0  }
0x2f: {  	v1 =	vmin.u32 v1, $0x176F;
	_ =	sdelay $0x2  }
0x30: {  	s17 =	simm.s32 $0x20;
	s14 =	sadd.s32 $0x1E0, s14;
	s16 =	sadd.s32 $0x10, s15  }
0x31: {  	s15 =	sadd.s32 $0x10, s14;
	s18 =	smov.u32 s14;
	v0 =	vld.msk [tilespmem:s16+$0x0 ss:$0x1], $0xffff;
	vm1 =	vgt.s32 v2, $0x0;
	(ifvalue) =	ssetifvalue $0x7FFFFFFF  }
.LBB2_3:
0x32: {  	[tilespmem:s18], [sflag:$0x1] =	stream.indirect_vreg.gather [hbm4b:s3+s10], $0x1, v1, vm0, $0x4038;
	[tilespmem:$0x3C0] =	vst v63  }
0x33: {  	s17 =	sadd.s32 $0x10, s17  }
0x34: {  	v2 =	vnsel vm1, $0x0, v2;
	p0 =	slt.u32 s17, $0xE0  }
.Ltmp3:
0x35: {  	s18 =	smov.u32 s15;
	v1 =	vmin.u32 v2, $0x176F;
	(pc) =	sbr.rel @p0 .LBB2_3-.Ltmp3, $3  }
0x36: {  	_ =	sdelay $0x1  }
0x37: {  	s16 =	sadd.s32 $0x10, s16  }
0x38: {  	vm1 =	vgt.s32 v0, $0x0;
	s15 =	sadd.s32 $0x10, s15;
	v2 =	vmov v0;
	(ifvalue) =	ssetifvalue $0x7FFFFFFF;
	v0 =	vld.msk [tilespmem:s16+$0x0 ss:$0x1], $0xffff  }
.Ltmp4:
0x39: {  	_ = 	snop;
	(pc) =	sbr.rel .LBB2_4-.Ltmp4, $1  }
0x3a: {  	_ =	sdelay $0x3  }
.LBB2_6:
0x3b: {  	_ =	sfence.sel $0x180000  }
0x3c: {  	s2 =	simm.s32 $0x2;
	[bflag:$0x0] =	sbarrier.arrive $0xFFFF  }
0x3d: {  	s30 =	simm.s32 $0x3;
	[sflag:s2] =	ssyncpa.u1 $0x1  }
0x3e: {  	s31 =	simm.s32 $0x1;
	[sflag:s30] =	ssyncpa.u1 $0x1  }
0x3f: {  	[sflag:s31] =	ssyncpa.u1 $0x1  }
0x40: {  	p0 =	sne.s32 s1, $0x0;
	_ =	strace $0x90000050  }
0x41: {  	s0 =	sadd.s32 @!p0 $0x100000, s0;
	[bflag:$0x2] =	sbarrier.arrive $0xFFFF  }
0x42: {  	[sflag:s0] =	ssyncadd.tile.s32 @!p0 $0x1;
	_ =	shalt  }
.Lfunc_end2:
_tile_overlayer_lowered:
.L_overlay_start_2:
0x43: {  	(tag) =	ssettag $0x2  }
0x44: {  	s0 =	rddreg [dreg:$0x0];
	s2 =	stileid.u32  }
0x45: {  	s1 =	rddreg [dreg:$0x1];
	p0 =	sne.s32 s2, $0x0  }
0x46: {  	s3 =	rddreg [dreg:$0x2];
	[bflag:$0x3] =	sbarrier.arrive $0xFFFF;
	s2 =	simm.s32 @!p0 $0x1C01  }
0x47: {  	[timem:s3], [sflag:s2] =	dma.local @!p0 [hbm:s0], s1  }
0x48: {  	s0 =	simm.s32 @!p0 $0x1  }
0x49: {  	_ =	swait.ge @!p0 [sflag:s0], s1  }
0x4a: {  	s1 =	ssub.s32 @!p0 $0x0, s1;
	[sflag:s0] =	ssyncset.done @!p0 $0x0  }
0x4b: {  	[sflag:s0] =	ssyncadd.s32 @!p0 s1  }
0x4c: {  	[bflag:$0x3] =	sbarrier.arrive $0xFFFF  }
0x4d: {  	_ =	shalt  }

// kernel: gather_offload_async_start.2
scs
__scs_entry_jumppad:
0x0: {  	(pc) =	sbr.rel $0x88, $3  }
0x1: {  	(tag) =	ssettag $0x0;
	lr =	simm.s32 $0x1  }
0x2: {  	[smem:$0x3F9A] =	sst lr;
	_ =	strace $0xD0000000  }
0x3: {  	_ = 	snop  }
0x4: {  	_ = 	snop  }
0x5: {  	_ = 	snop  }
0x6: {  	_ = 	snop  }
0x7: {  	_ = 	snop  }
__scs_overlays_trampoline_lowered:
0x8: {  	[smem:$0x3FA9] =	sst s0  }
0x9: {  	[smem:$0x3FAA] =	sst s1  }
0xa: {  	[smem:$0x3FAB] =	sst s2  }
0xb: {  	[smem:$0x3FAC] =	sst s3  }
0xc: {  	[smem:$0x3FAD] =	sst s4  }
0xd: {  	[smem:$0x3FAE] =	sst s5  }
0xe: {  	[smem:$0x3FAF] =	sst s6  }
0xf: {  	[smem:$0x3FB0] =	sst s7  }
0x10: {  	[smem:$0x3FB1] =	sst s8  }
0x11: {  	[smem:$0x3FB2] =	sst s9;
	s0 =	simm.s32 @!p0 $0x0  }
0x12: {  	s1 =	sld [smem:$0x3F98];
	s0 =	simm.s32 @p0 $0x1  }
0x13: {  	[smem:$0x3FB3] =	sst s0;
	s0 =	simm.s32 @!p1 $0x0  }
0x14: {  	s2 =	sld [smem:$0x3F97];
	s0 =	simm.s32 @p1 $0x1  }
0x15: {  	[smem:$0x3FB4] =	sst s0;
	s0 =	simm.s32 @!p2 $0x0  }
0x16: {  	s3 =	sld [smem:$0x3FDB];
	s0 =	simm.s32 @p2 $0x1  }
0x17: {  	s4 =	simm.s32 $0x1BF5;
	[smem:$0x3FB6] =	sst s0  }
0x18: {  	s0 =	sld [smem:$0x3F99];
	_ =	swait.ge [sflag:s4], $0x0  }
0x19: {  	s7 =	sld [smem:$0x3F9A]  }
0x1a: {  	s8 =	sadd.s32 $0xFFFFE003, lr  }
0x1b: {  	s9 =	sadd.s32 $0xFFFFFEF7, lr;
	s5 =	simm.s32 $0xFFFFFFFF;
	p2 =	slt.u32 s8, $0xFFFFF086  }
0x1c: {  	p1 =	slt.u32 s9, $0xF7A;
	s5 =	simm.s32 @!p2 $0x0  }
0x1d: {  	s5 =	simm.s32 @p1 $0x1;
	p0 =	seq.s32 s7, s2  }
0x1e: {  	s7 =	smul.u32 @!p0 $0xF7A, s2;
	p2 =	seq.s32 @!p0 s5, $0x0  }
0x1f: {  	s9 =	smul.u32 $0xF7A, s1;
	s8 =	simm.s32 @!p0 $0x1BF5;
	p2 =	por !p2, p0  }
0x20: {  	[sflag:s8] =	ssyncset.s32 @!p0 $0xFFFFF086;
	s6 =	sadd.s32 @!p0 s3, s7;
	s7 =	simm.s32 @!p0 $0x108  }
0x21: {  	s3 =	sadd.s32 s3, s9;
	s6 =	sadd.s32 @!p0 $0x88, s6;
	s7 =	simm.s32 @p2 $0x1082  }
0x22: {  	[simem:s7], [sflag:s8] =	dma.local @!p0 [hbm:s6], $0xF7A  }
0x23: {  	s9 =	sor.u32 $0xD0000000, s2;
	s6 =	simm.s32 $0x108;
	_ =	swait.ge @!p0 [sflag:s8], $0x0  }
0x24: {  	s3 =	sadd.s32 $0x88, s3;
	s6 =	simm.s32 @!p1 $0x1082;
	[sflag:s4] =	ssyncset.s32 $0xFFFFF086  }
0x25: {  	[simem:s6], [sflag:s4] =	dma.local [hbm:s3], $0xF7A  }
0x26: {  	[smem:$0x3F9A] =	sst s1;
	(tag) =	ssettag s2;
	_ =	strace s9  }
0x27: {  	s1 =	sld [smem:$0x3FAA]  }
0x28: {  	s2 =	sld [smem:$0x3FAB]  }
0x29: {  	s4 =	sld [smem:$0x3FAD]  }
0x2a: {  	p0 =	seq.s32 s5, $0x0;
	s5 =	sld [smem:$0x3FAE]  }
0x2b: {  	s6 =	sld [smem:$0x3FAF]  }
0x2c: {  	s7 =	sld [smem:$0x3FB0]  }
0x2d: {  	s3 =	simm.s32 $0x108;
	s8 =	sld [smem:$0x3FB1]  }
0x2e: {  	s3 =	simm.s32 @!p0 $0x1082;
	s9 =	sld [smem:$0x3FB2]  }
0x2f: {  	lr =	sadd.s32 s0, s3;
	s0 =	sld [smem:$0x3FA9]  }
0x30: {  	s3 =	sld [smem:$0x3FAC]  }
0x31: {  	[smem:$0x3FB5] =	sst s10  }
0x32: {  	s10 =	sld [smem:$0x3FB3];
	_ =	sdelay $0x3  }
0x33: {  	p0 =	seq.s32 s10, $0x1;
	s10 =	sld [smem:$0x3FB5];
	_ =	sdelay $0x3  }
0x34: {  	[smem:$0x3FB5] =	sst s10  }
0x35: {  	s10 =	sld [smem:$0x3FB4];
	_ =	sdelay $0x3  }
0x36: {  	p1 =	seq.s32 s10, $0x1;
	s10 =	sld [smem:$0x3FB5];
	_ =	sdelay $0x3  }
0x37: {  	[smem:$0x3FB5] =	sst s10  }
0x38: {  	s10 =	sld [smem:$0x3FB6]  }
0x39: {  	_ = 	snop;
	(pc) =	sbr.ind lr, $3  }
0x3a: {  	_ = 	snop  }
0x3b: {  	_ = 	snop  }
0x3c: {  	p2 =	seq.s32 s10, $0x1;
	s10 =	sld [smem:$0x3FB5]  }
0x3d: {  	_ =	shalt  }
0x3e: {  	_ =	shalt  }
0x3f: {  	_ =	shalt  }
0x40: {  	_ =	shalt  }
0x41: {  	_ =	shalt  }
0x42: {  	_ =	shalt  }
0x43: {  	_ =	shalt  }
0x44: {  	_ =	shalt  }
0x45: {  	_ =	shalt  }
0x46: {  	_ =	shalt  }
0x47: {  	_ =	shalt  }
0x48: {  	_ =	shalt  }
0x49: {  	_ =	shalt  }
0x4a: {  	_ =	shalt  }
0x4b: {  	_ =	shalt  }
0x4c: {  	_ =	shalt  }
0x4d: {  	_ =	shalt  }
0x4e: {  	_ =	shalt  }
0x4f: {  	_ =	shalt  }
0x50: {  	_ =	shalt  }
0x51: {  	_ =	shalt  }
0x52: {  	_ =	shalt  }
0x53: {  	_ =	shalt  }
0x54: {  	_ =	shalt  }
0x55: {  	_ =	shalt  }
0x56: {  	_ =	shalt  }
0x57: {  	_ =	shalt  }
0x58: {  	_ =	shalt  }
0x59: {  	_ =	shalt  }
0x5a: {  	_ =	shalt  }
0x5b: {  	_ =	shalt  }
0x5c: {  	_ =	shalt  }
0x5d: {  	_ =	shalt  }
0x5e: {  	_ =	shalt  }
0x5f: {  	_ =	shalt  }
0x60: {  	_ =	shalt  }
0x61: {  	_ =	shalt  }
0x62: {  	_ =	shalt  }
0x63: {  	_ =	shalt  }
0x64: {  	_ =	shalt  }
0x65: {  	_ =	shalt  }
0x66: {  	_ =	shalt  }
0x67: {  	_ =	shalt  }
0x68: {  	_ =	shalt  }
0x69: {  	_ =	shalt  }
0x6a: {  	_ =	shalt  }
0x6b: {  	_ =	shalt  }
0x6c: {  	_ =	shalt  }
0x6d: {  	_ =	shalt  }
0x6e: {  	_ =	shalt  }
0x6f: {  	_ =	shalt  }
0x70: {  	_ =	shalt  }
0x71: {  	_ =	shalt  }
0x72: {  	_ =	shalt  }
0x73: {  	_ =	shalt  }
0x74: {  	_ =	shalt  }
0x75: {  	_ =	shalt  }
0x76: {  	_ =	shalt  }
0x77: {  	_ =	shalt  }
0x78: {  	_ =	shalt  }
0x79: {  	_ =	shalt  }
0x7a: {  	_ =	shalt  }
0x7b: {  	_ =	shalt  }
0x7c: {  	_ =	shalt  }
0x7d: {  	_ =	shalt  }
0x7e: {  	_ =	shalt  }
0x7f: {  	_ =	shalt  }
0x80: {  	_ =	shalt  }
0x81: {  	_ =	shalt  }
0x82: {  	_ =	shalt  }
0x83: {  	_ =	shalt  }
0x84: {  	_ =	shalt  }
0x85: {  	_ =	shalt  }
0x86: {  	_ =	shalt  }
0x87: {  	_ =	shalt  }
.Lfunc_end0:
.L_simem_size_0:
called_computation.2_lowered:
.L_overlay_start_0:
0x88: {  	s0 =	sld [smem:$0x3FD9]  }
0x89: {  	s1 =	sld [smem:$0x3FFE];
	_ =	sdelay $0x3  }
0x8a: {  	s0 =	sadd.s32 s1, s0  }
0x8b: {  	[smem:$0x3FC1] =	sst s0  }
0x8c: {  	_ = 	snop  }
0x8d: {  	(tm) =	ssettm $0x1  }
0x8e: {  	s15 =	sld [smem:$0x3FFB];
	_ =	sdelay $0x3  }
0x8f: {  	_ =	strace s15  }
0x90: {  	s0 =	sld [smem:$0x3FFC];
	_ =	sdelay $0x3  }
0x91: {  	_ =	strace s0  }
0x92: {  	s0 =	sld [smem:$0x3FFD];
	_ =	sdelay $0x3  }
0x93: {  	_ =	strace s0  }
0x94: {  	_ =	strace $0x8FFFFFFF  }
0x95: {  	s16 =	sld [smem:$0x3FDB];
	_ =	sdelay $0x1  }
0x96: {  	s17 =	simm.s32 $_scs_section_size  }
0x97: {  	s2 =	simm.s32 $_size__tile_overlayer_lowered;
	s3 =	simm.s32 $_tile_overlayer_lowered  }
0x98: {  	s20 =	simm.s32 $0x1BFF;
	s19 =	sshll.u32 s3, $0x1;
	s0 =	sadd.s32 s17, s16  }
0x99: {  	s4 =	simm.s32 $0x0;
	s18 =	sshll.u32 s2, $0x1;
	s2 =	sadd.s32 s19, s0  }
0x9a: {  	[timem:s4], [sflag:s20] =	dma.local [hbm:s2], s18  }
0x9b: {  	_ =	swait.ge [sflag:s20], s18  }
0x9c: {  	s1 =	ssub.s32 $0x0, s18;
	[sflag:s20] =	ssyncset.done $0x0  }
0x9d: {  	[sflag:s20] =	ssyncadd.s32 s1;
	_ =	sdelay $0x1  }
0x9e: {  	s21 =	simm.s32 $0x1B8B  }
0x9f: {  	_ =	swait.ge [sflag:s21], $0x1  }
0xa0: {  	[sflag:s21] =	ssyncset.done $0x0  }
0xa1: {  	s23 =	simm.s32 $0x1B8E;
	s22 =	sld [smem:$0x3FFE];
	[sflag:s21] =	ssyncadd.s32 $0xFFFFFFFF  }
0xa2: {  	s24 =	simm.s32 $execute0_lowered;
	[smem:$0x3FD2] =	sst s23  }
0xa3: {  	s2 =	sshll.u32 s24, $0x1;
	_ =	strace $0x80000049;
	[dreg:$0x1] =	wrdreg $0xFFFFFFFF  }
0xa4: {  	s25 =	simm.s32 $_size_execute0_lowered;
	s0 =	sadd.s32 s0, s2;
	[dreg:$0x0] =	wrdreg $0x0  }
0xa5: {  	s2 =	sshll.u32 s25, $0x1;
	[dreg:$0x2] =	wrdreg s0  }
0xa6: {  	[dreg:$0x3] =	wrdreg s2  }
0xa7: {  	[dreg:$0x4] =	wrdreg $0xC0  }
0xa8: {  	_ =	task [dreg:s4], $0x5FFFF  }
0xa9: {  	[dreg:$0x1] =	wrdreg $0xFFFFFFFF  }
0xaa: {  	[dreg:$0x0] =	wrdreg $0x60  }
0xab: {  	[dreg:$0x2] =	wrdreg s22  }
0xac: {  	[dreg:$0x3] =	wrdreg $0x9  }
0xad: {  	_ =	task.clear_ibuf [dreg:s4], $0x4FFFF;
	_ =	strace $0x90000049  }
0xae: {  	s26 =	simm.s32 $0x9;
	_ =	strace $0x8000004B  }
0xaf: {  	_ =	swait.ge [sflag:s26], $0x1  }
0xb0: {  	[sflag:s26] =	ssyncadd.s32 $0xFFFFFFFF  }
0xb1: {  	_ =	strace $0x9000004B  }
0xb2: {  	_ =	sfence  }
0xb3: {  	s28 =	sld [smem:$0x0];
	_ =	sdelay $0x1  }
0xb4: {  	s29 =	srdreg.scid  }
0xb5: {  	s30 =	sshll.u32 s29, $0xD;
	s31 =	sshrl.u32 s29, $0x2  }
0xb6: {  	s1 =	sand.u32 $0x1, s29;
	s2 =	sand.u32 $0x4000, s30;
	s0 =	sadd.s32 s31, s28  }
0xb7: {  	s1 =	sor.u32 s2, s1;
	s0 =	sshll.u32 s0, $0x11  }
0xb8: {  	s0 =	sor.u32 s0, s1  }
0xb9: {  	s0 =	sadd.s32 $0x8F2B, s0  }
0xba: {  	[sflag:s0] =	ssyncadd.remote.s32 $0x1  }
0xbb: {  	_ =	sfence.sel $0xFFFF  }
0xbc: {  	[dreg:$0x0] =	wrdreg $0xFFFFFFFF;
	(pc) =	sbr.abs _section_cstart, $3  }
0xbd: {  	[dreg:$0x1] =	wrdreg $0xFFFFFFFF  }
0xbe: {  	_ =	task.clear_ibuf [dreg:s4], $0x2FFFF;
	_ =	strace $0x9FFFFFFF  }
0xbf: {  	(tm) =	ssettm $0x7FFFFFFF  }
tec
execute0_lowered:
.L_overlay_start_1:
0x0: {  	(tag) =	ssettag $0x1  }
0x1: {  	s2 =	rddreg [dreg:$0x0]  }
0x2: {  	s0 =	rddreg [dreg:$0x1]  }
0x3: {  	_ =	strace $0x8000004A;
	s4 =	simm.s32 $0x1;
	s1 =	stileid.u32  }
0x4: {  	s7 =	simm.s32 $0x1;
	s8 =	simm.s32 $0x1;
	s6 =	simm.s32 $0x2  }
0x5: {  	s9 =	simm.s32 $0x3;
	s10 =	simm.s32 $0x0;
	s13 =	simm.s32 $0x0  }
.Ltmp0:
0x6: {  	s12 =	simm.s32 $0x0;
	p0 =	slt.u32 s1, $0xA;
	(pc) =	sbr.rel .LBB2_1-.Ltmp0, $4  }
0x7: {  	[sflag:s4] =	ssyncpa.u1 $0x0;
	s7 =	simm.s32 @!p0 $0x0;
	p0 =	sne.s32 s1, $0x9  }
0x8: {  	s5 =	smul.u32 $0xF0, s1;
	[sflag:s6] =	ssyncpa.u1 $0x0;
	s8 =	simm.s32 @!p0 $0x0  }
0x9: {  	s3 =	sadd.s32 $0xC00, s2;
	[sflag:s9] =	ssyncpa.u1 $0x0;
	s7 =	sadd.s32 s8, s7  }
0xa: {  	vm0 =	vmmov $0xffff;
	s11 =	smov.u32 s5;
	s8 =	sadd.s32 $0x1400, s2;
	s9 =	sadd.s32 $0x1, s7  }
.LBB2_4:
0xb: {  	v2 =	vnsel vm1, $0x0, v2  }
0xc: {  	vm1 =	vgt.s32 v0, $0x0;
	v2 =	vmin.u32 v2, $0x176F  }
0xd: {  	v0 =	vnsel vm1, $0x0, v0  }
0xe: {  	v0 =	vmin.u32 v0, $0x176F  }
0xf: {  	[tilespmem:s18], [sflag:$0x1] =	stream.indirect_vreg.gather [hbm4b:s3+s10], $0x1, v1, vm0, $0x4038;
	[tilespmem:$0x3C0] =	vst v63  }
0x10: {  	(ifvalue) =	ssetifvalue $0x7FFFFFFF  }
0x11: {  	[tilespmem:s15], [sflag:$0x1] =	stream.indirect_vreg.gather [hbm4b:s3+s10], $0x1, v2, vm0, $0x4038;
	[tilespmem:$0x3C0] =	vst v63  }
0x12: {  	s29 =	sadd.s32 $0x10, s15;
	(ifvalue) =	ssetifvalue $0x7FFFFFFF  }
0x13: {  	[tilespmem:s29], [sflag:$0x1] =	stream.indirect_vreg.gather [hbm4b:s3+s10], $0x1, v0, vm0, $0x4038;
	[tilespmem:$0x3C0] =	vst v63  }
0x14: {  	_ =	swait.ge [sflag:s4], $0xF0  }
0x15: {  	s30 =	sshrl.u32 s13, $0x3;
	[sflag:s4] =	ssyncset.done $0x0  }
0x16: {  	s31 =	sand.u32 $0x7, s13;
	s15 =	sadd.s32 s2, s30;
	[sflag:s4] =	ssyncadd.s32 $0xFFFFFF10  }
0x17: {  	[hbm4b:s15+s31] =	stream.linear.scatter [tilespmem:s14], [sflag:$0x3], $0xF0, $0x38;
	[tilespmem:$0x3C0] =	vst v63  }
.LBB2_5:
0x18: {  	s15 =	sadd.s32 $0xF00, s11  }
0x19: {  	p1 =	sgt.s32 s15, $0x176F  }
0x1a: {  	s15 =	smov.u32 @p1 s5;
	p1 =	sne.s32 s12, s9  }
.Ltmp1:
0x1b: {  	p0 =	slt.u32 s12, $0x2;
	(pc) =	sbr.rel @!p1 .LBB2_6-.Ltmp1, $4  }
0x1c: {  	s14 =	simm.s32 @!p0 $0x3  }
0x1d: {  	_ =	swait.ge @!p0 [sflag:s14], $0xF0  }
0x1e: {  	s16 =	sadd.s32 $0x1, s12;
	s13 =	smov.u32 s11;
	[sflag:s14] =	ssyncset.done @!p0 $0x0  }
0x1f: {  	s12 =	smov.u32 s16;
	s11 =	smov.u32 s15;
	[sflag:s14] =	ssyncadd.s32 @!p0 $0xFFFFFF10  }
.LBB2_1:
0x20: {  	p0 =	sge.u32 s12, s7  }
0x21: {  	s14 =	sxor.u32 @!p0 $0x1, s12  }
0x22: {  	s14 =	smul.u32 @!p0 $0x3C0, s14  }
0x23: {  	s31 =	sadd.s32 $0xFFFFFFFF, s12;
	s15 =	sshrl.u32 @!p0 s11, $0x3  }
0x24: {  	s16 =	sand.u32 @!p0 $0x7, s11;
	s15 =	sadd.s32 @!p0 s8, s15;
	s14 =	sshra.s32 @!p0 s14, $0x2  }
0x25: {  	[tilespmem:s14], [sflag:$0x2] =	stream.linear.gather @!p0 [hbm4b:s15+s16], $0xF0, $0x38;
	[tilespmem:$0x3C0] =	vst v63  }
0x26: {  	p0 =	sge.u32 s31, s7  }
.Ltmp2:
0x27: {  	_ = 	snop;
	(pc) =	sbr.rel @p0 .LBB2_5-.Ltmp2, $1  }
0x28: {  	_ =	sdelay $0x3  }
0x29: {  	s14 =	sand.u32 $0x1, s12  }
0x2a: {  	_ =	swait.ge [sflag:s6], $0xF0;
	p0 =	seq.s32 s14, $0x1;
	s14 =	simm.s32 $0xF0  }
0x2b: {  	[sflag:s6] =	ssyncset.done $0x0;
	s14 =	simm.s32 @!p0 $0x0  }
0x2c: {  	[sflag:s6] =	ssyncadd.s32 $0xFFFFFF10;
	(ifvalue) =	ssetifvalue $0x7FFFFFFF;
	v0 =	vld.msk [tilespmem:s14+$0x0 ss:$0x1], $0xffff;
	_ =	sdelay $0x4  }
0x2d: {  	s15 =	sadd.s32 $0x10, s14;
	vm1 =	vgt.s32 v0, $0x0  }
0x2e: {  	v2 =	vld.msk [tilespmem:s15+$0x0 ss:$0x1], $0xffff;
	v1 =	vnsel vm1, $0x0, v0  }
0x2f: {  	v1 =	vmin.u32 v1, $0x176F;
	_ =	sdelay $0x2  }
0x30: {  	s17 =	simm.s32 $0x20;
	s14 =	sadd.s32 $0x1E0, s14;
	s16 =	sadd.s32 $0x10, s15  }
0x31: {  	s15 =	sadd.s32 $0x10, s14;
	s18 =	smov.u32 s14;
	v0 =	vld.msk [tilespmem:s16+$0x0 ss:$0x1], $0xffff;
	vm1 =	vgt.s32 v2, $0x0;
	(ifvalue) =	ssetifvalue $0x7FFFFFFF  }
.LBB2_3:
0x32: {  	[tilespmem:s18], [sflag:$0x1] =	stream.indirect_vreg.gather [hbm4b:s3+s10], $0x1, v1, vm0, $0x4038;
	[tilespmem:$0x3C0] =	vst v63  }
0x33: {  	s17 =	sadd.s32 $0x10, s17  }
0x34: {  	v2 =	vnsel vm1, $0x0, v2;
	p0 =	slt.u32 s17, $0xE0  }
.Ltmp3:
0x35: {  	s18 =	smov.u32 s15;
	v1 =	vmin.u32 v2, $0x176F;
	(pc) =	sbr.rel @p0 .LBB2_3-.Ltmp3, $3  }
0x36: {  	_ =	sdelay $0x1  }
0x37: {  	s16 =	sadd.s32 $0x10, s16  }
0x38: {  	vm1 =	vgt.s32 v0, $0x0;
	s15 =	sadd.s32 $0x10, s15;
	v2 =	vmov v0;
	(ifvalue) =	ssetifvalue $0x7FFFFFFF;
	v0 =	vld.msk [tilespmem:s16+$0x0 ss:$0x1], $0xffff  }
.Ltmp4:
0x39: {  	_ = 	snop;
	(pc) =	sbr.rel .LBB2_4-.Ltmp4, $1  }
0x3a: {  	_ =	sdelay $0x3  }
.LBB2_6:
0x3b: {  	_ =	sfence.sel $0x180000  }
0x3c: {  	s2 =	simm.s32 $0x2;
	[bflag:$0x0] =	sbarrier.arrive $0xFFFF  }
0x3d: {  	s30 =	simm.s32 $0x3;
	[sflag:s2] =	ssyncpa.u1 $0x1  }
0x3e: {  	s31 =	simm.s32 $0x1;
	[sflag:s30] =	ssyncpa.u1 $0x1  }
0x3f: {  	[sflag:s31] =	ssyncpa.u1 $0x1  }
0x40: {  	p0 =	sne.s32 s1, $0x0;
	_ =	strace $0x9000004A  }
0x41: {  	s0 =	sadd.s32 @!p0 $0x100000, s0;
	[bflag:$0x2] =	sbarrier.arrive $0xFFFF  }
0x42: {  	[sflag:s0] =	ssyncadd.tile.s32 @!p0 $0x1;
	_ =	shalt  }
.Lfunc_end2:
_tile_overlayer_lowered:
.L_overlay_start_2:
0x43: {  	(tag) =	ssettag $0x2  }
0x44: {  	s0 =	rddreg [dreg:$0x0];
	s2 =	stileid.u32  }
0x45: {  	s1 =	rddreg [dreg:$0x1];
	p0 =	sne.s32 s2, $0x0  }
0x46: {  	s3 =	rddreg [dreg:$0x2];
	[bflag:$0x3] =	sbarrier.arrive $0xFFFF;
	s2 =	simm.s32 @!p0 $0x1C01  }
0x47: {  	[timem:s3], [sflag:s2] =	dma.local @!p0 [hbm:s0], s1  }
0x48: {  	s0 =	simm.s32 @!p0 $0x1  }
0x49: {  	_ =	swait.ge @!p0 [sflag:s0], s1  }
0x4a: {  	s1 =	ssub.s32 @!p0 $0x0, s1;
	[sflag:s0] =	ssyncset.done @!p0 $0x0  }
0x4b: {  	[sflag:s0] =	ssyncadd.s32 @!p0 s1  }
0x4c: {  	[bflag:$0x3] =	sbarrier.arrive $0xFFFF  }
0x4d: {  	_ =	shalt  }

// kernel: gather_offload_async_start
scs
__scs_entry_jumppad:
0x0: {  	(pc) =	sbr.rel $0x88, $3  }
0x1: {  	(tag) =	ssettag $0x0;
	lr =	simm.s32 $0x1  }
0x2: {  	[smem:$0x3F9A] =	sst lr;
	_ =	strace $0xD0000000  }
0x3: {  	_ = 	snop  }
0x4: {  	_ = 	snop  }
0x5: {  	_ = 	snop  }
0x6: {  	_ = 	snop  }
0x7: {  	_ = 	snop  }
__scs_overlays_trampoline_lowered:
0x8: {  	[smem:$0x3FA9] =	sst s0  }
0x9: {  	[smem:$0x3FAA] =	sst s1  }
0xa: {  	[smem:$0x3FAB] =	sst s2  }
0xb: {  	[smem:$0x3FAC] =	sst s3  }
0xc: {  	[smem:$0x3FAD] =	sst s4  }
0xd: {  	[smem:$0x3FAE] =	sst s5  }
0xe: {  	[smem:$0x3FAF] =	sst s6  }
0xf: {  	[smem:$0x3FB0] =	sst s7  }
0x10: {  	[smem:$0x3FB1] =	sst s8  }
0x11: {  	[smem:$0x3FB2] =	sst s9;
	s0 =	simm.s32 @!p0 $0x0  }
0x12: {  	s1 =	sld [smem:$0x3F98];
	s0 =	simm.s32 @p0 $0x1  }
0x13: {  	[smem:$0x3FB3] =	sst s0;
	s0 =	simm.s32 @!p1 $0x0  }
0x14: {  	s2 =	sld [smem:$0x3F97];
	s0 =	simm.s32 @p1 $0x1  }
0x15: {  	[smem:$0x3FB4] =	sst s0;
	s0 =	simm.s32 @!p2 $0x0  }
0x16: {  	s3 =	sld [smem:$0x3FDB];
	s0 =	simm.s32 @p2 $0x1  }
0x17: {  	s4 =	simm.s32 $0x1BF5;
	[smem:$0x3FB6] =	sst s0  }
0x18: {  	s0 =	sld [smem:$0x3F99];
	_ =	swait.ge [sflag:s4], $0x0  }
0x19: {  	s7 =	sld [smem:$0x3F9A]  }
0x1a: {  	s8 =	sadd.s32 $0xFFFFE003, lr  }
0x1b: {  	s9 =	sadd.s32 $0xFFFFFEF7, lr;
	s5 =	simm.s32 $0xFFFFFFFF;
	p2 =	slt.u32 s8, $0xFFFFF086  }
0x1c: {  	p1 =	slt.u32 s9, $0xF7A;
	s5 =	simm.s32 @!p2 $0x0  }
0x1d: {  	s5 =	simm.s32 @p1 $0x1;
	p0 =	seq.s32 s7, s2  }
0x1e: {  	s7 =	smul.u32 @!p0 $0xF7A, s2;
	p2 =	seq.s32 @!p0 s5, $0x0  }
0x1f: {  	s9 =	smul.u32 $0xF7A, s1;
	s8 =	simm.s32 @!p0 $0x1BF5;
	p2 =	por !p2, p0  }
0x20: {  	[sflag:s8] =	ssyncset.s32 @!p0 $0xFFFFF086;
	s6 =	sadd.s32 @!p0 s3, s7;
	s7 =	simm.s32 @!p0 $0x108  }
0x21: {  	s3 =	sadd.s32 s3, s9;
	s6 =	sadd.s32 @!p0 $0x88, s6;
	s7 =	simm.s32 @p2 $0x1082  }
0x22: {  	[simem:s7], [sflag:s8] =	dma.local @!p0 [hbm:s6], $0xF7A  }
0x23: {  	s9 =	sor.u32 $0xD0000000, s2;
	s6 =	simm.s32 $0x108;
	_ =	swait.ge @!p0 [sflag:s8], $0x0  }
0x24: {  	s3 =	sadd.s32 $0x88, s3;
	s6 =	simm.s32 @!p1 $0x1082;
	[sflag:s4] =	ssyncset.s32 $0xFFFFF086  }
0x25: {  	[simem:s6], [sflag:s4] =	dma.local [hbm:s3], $0xF7A  }
0x26: {  	[smem:$0x3F9A] =	sst s1;
	(tag) =	ssettag s2;
	_ =	strace s9  }
0x27: {  	s1 =	sld [smem:$0x3FAA]  }
0x28: {  	s2 =	sld [smem:$0x3FAB]  }
0x29: {  	s4 =	sld [smem:$0x3FAD]  }
0x2a: {  	p0 =	seq.s32 s5, $0x0;
	s5 =	sld [smem:$0x3FAE]  }
0x2b: {  	s6 =	sld [smem:$0x3FAF]  }
0x2c: {  	s7 =	sld [smem:$0x3FB0]  }
0x2d: {  	s3 =	simm.s32 $0x108;
	s8 =	sld [smem:$0x3FB1]  }
0x2e: {  	s3 =	simm.s32 @!p0 $0x1082;
	s9 =	sld [smem:$0x3FB2]  }
0x2f: {  	lr =	sadd.s32 s0, s3;
	s0 =	sld [smem:$0x3FA9]  }
0x30: {  	s3 =	sld [smem:$0x3FAC]  }
0x31: {  	[smem:$0x3FB5] =	sst s10  }
0x32: {  	s10 =	sld [smem:$0x3FB3];
	_ =	sdelay $0x3  }
0x33: {  	p0 =	seq.s32 s10, $0x1;
	s10 =	sld [smem:$0x3FB5];
	_ =	sdelay $0x3  }
0x34: {  	[smem:$0x3FB5] =	sst s10  }
0x35: {  	s10 =	sld [smem:$0x3FB4];
	_ =	sdelay $0x3  }
0x36: {  	p1 =	seq.s32 s10, $0x1;
	s10 =	sld [smem:$0x3FB5];
	_ =	sdelay $0x3  }
0x37: {  	[smem:$0x3FB5] =	sst s10  }
0x38: {  	s10 =	sld [smem:$0x3FB6]  }
0x39: {  	_ = 	snop;
	(pc) =	sbr.ind lr, $3  }
0x3a: {  	_ = 	snop  }
0x3b: {  	_ = 	snop  }
0x3c: {  	p2 =	seq.s32 s10, $0x1;
	s10 =	sld [smem:$0x3FB5]  }
0x3d: {  	_ =	shalt  }
0x3e: {  	_ =	shalt  }
0x3f: {  	_ =	shalt  }
0x40: {  	_ =	shalt  }
0x41: {  	_ =	shalt  }
0x42: {  	_ =	shalt  }
0x43: {  	_ =	shalt  }
0x44: {  	_ =	shalt  }
0x45: {  	_ =	shalt  }
0x46: {  	_ =	shalt  }
0x47: {  	_ =	shalt  }
0x48: {  	_ =	shalt  }
0x49: {  	_ =	shalt  }
0x4a: {  	_ =	shalt  }
0x4b: {  	_ =	shalt  }
0x4c: {  	_ =	shalt  }
0x4d: {  	_ =	shalt  }
0x4e: {  	_ =	shalt  }
0x4f: {  	_ =	shalt  }
0x50: {  	_ =	shalt  }
0x51: {  	_ =	shalt  }
0x52: {  	_ =	shalt  }
0x53: {  	_ =	shalt  }
0x54: {  	_ =	shalt  }
0x55: {  	_ =	shalt  }
0x56: {  	_ =	shalt  }
0x57: {  	_ =	shalt  }
0x58: {  	_ =	shalt  }
0x59: {  	_ =	shalt  }
0x5a: {  	_ =	shalt  }
0x5b: {  	_ =	shalt  }
0x5c: {  	_ =	shalt  }
0x5d: {  	_ =	shalt  }
0x5e: {  	_ =	shalt  }
0x5f: {  	_ =	shalt  }
0x60: {  	_ =	shalt  }
0x61: {  	_ =	shalt  }
0x62: {  	_ =	shalt  }
0x63: {  	_ =	shalt  }
0x64: {  	_ =	shalt  }
0x65: {  	_ =	shalt  }
0x66: {  	_ =	shalt  }
0x67: {  	_ =	shalt  }
0x68: {  	_ =	shalt  }
0x69: {  	_ =	shalt  }
0x6a: {  	_ =	shalt  }
0x6b: {  	_ =	shalt  }
0x6c: {  	_ =	shalt  }
0x6d: {  	_ =	shalt  }
0x6e: {  	_ =	shalt  }
0x6f: {  	_ =	shalt  }
0x70: {  	_ =	shalt  }
0x71: {  	_ =	shalt  }
0x72: {  	_ =	shalt  }
0x73: {  	_ =	shalt  }
0x74: {  	_ =	shalt  }
0x75: {  	_ =	shalt  }
0x76: {  	_ =	shalt  }
0x77: {  	_ =	shalt  }
0x78: {  	_ =	shalt  }
0x79: {  	_ =	shalt  }
0x7a: {  	_ =	shalt  }
0x7b: {  	_ =	shalt  }
0x7c: {  	_ =	shalt  }
0x7d: {  	_ =	shalt  }
0x7e: {  	_ =	shalt  }
0x7f: {  	_ =	shalt  }
0x80: {  	_ =	shalt  }
0x81: {  	_ =	shalt  }
0x82: {  	_ =	shalt  }
0x83: {  	_ =	shalt  }
0x84: {  	_ =	shalt  }
0x85: {  	_ =	shalt  }
0x86: {  	_ =	shalt  }
0x87: {  	_ =	shalt  }
.Lfunc_end0:
.L_simem_size_0:
called_computation_lowered:
.L_overlay_start_0:
0x88: {  	s0 =	sld [smem:$0x3FD9]  }
0x89: {  	s1 =	sld [smem:$0x3FFE];
	_ =	sdelay $0x3  }
0x8a: {  	s0 =	sadd.s32 s1, s0  }
0x8b: {  	[smem:$0x3FC1] =	sst s0  }
0x8c: {  	_ = 	snop  }
0x8d: {  	(tm) =	ssettm $0x1  }
0x8e: {  	s15 =	sld [smem:$0x3FFB];
	_ =	sdelay $0x3  }
0x8f: {  	_ =	strace s15  }
0x90: {  	s0 =	sld [smem:$0x3FFC];
	_ =	sdelay $0x3  }
0x91: {  	_ =	strace s0  }
0x92: {  	s0 =	sld [smem:$0x3FFD];
	_ =	sdelay $0x3  }
0x93: {  	_ =	strace s0  }
0x94: {  	_ =	strace $0x8FFFFFFF  }
0x95: {  	s16 =	sld [smem:$0x3FDB];
	_ =	sdelay $0x1  }
0x96: {  	s17 =	simm.s32 $_scs_section_size  }
0x97: {  	s2 =	simm.s32 $_size__tile_overlayer_lowered;
	s3 =	simm.s32 $_tile_overlayer_lowered  }
0x98: {  	s20 =	simm.s32 $0x1BFF;
	s19 =	sshll.u32 s3, $0x1;
	s0 =	sadd.s32 s17, s16  }
0x99: {  	s4 =	simm.s32 $0x0;
	s18 =	sshll.u32 s2, $0x1;
	s2 =	sadd.s32 s19, s0  }
0x9a: {  	[timem:s4], [sflag:s20] =	dma.local [hbm:s2], s18  }
0x9b: {  	_ =	swait.ge [sflag:s20], s18  }
0x9c: {  	s1 =	ssub.s32 $0x0, s18;
	[sflag:s20] =	ssyncset.done $0x0  }
0x9d: {  	[sflag:s20] =	ssyncadd.s32 s1;
	_ =	sdelay $0x1  }
0x9e: {  	s21 =	simm.s32 $0x1B8B  }
0x9f: {  	_ =	swait.ge [sflag:s21], $0x1  }
0xa0: {  	[sflag:s21] =	ssyncset.done $0x0  }
0xa1: {  	s23 =	simm.s32 $0x1B8E;
	s22 =	sld [smem:$0x3FFE];
	[sflag:s21] =	ssyncadd.s32 $0xFFFFFFFF  }
0xa2: {  	s24 =	simm.s32 $execute0_lowered;
	[smem:$0x3FD2] =	sst s23  }
0xa3: {  	s2 =	sshll.u32 s24, $0x1;
	_ =	strace $0x80000046;
	[dreg:$0x1] =	wrdreg $0xFFFFFFFF  }
0xa4: {  	s25 =	simm.s32 $_size_execute0_lowered;
	s0 =	sadd.s32 s0, s2;
	[dreg:$0x0] =	wrdreg $0x0  }
0xa5: {  	s2 =	sshll.u32 s25, $0x1;
	[dreg:$0x2] =	wrdreg s0  }
0xa6: {  	[dreg:$0x3] =	wrdreg s2  }
0xa7: {  	[dreg:$0x4] =	wrdreg $0xC0  }
0xa8: {  	_ =	task [dreg:s4], $0x5FFFF  }
0xa9: {  	[dreg:$0x1] =	wrdreg $0xFFFFFFFF  }
0xaa: {  	[dreg:$0x0] =	wrdreg $0x60  }
0xab: {  	[dreg:$0x2] =	wrdreg s22  }
0xac: {  	[dreg:$0x3] =	wrdreg $0x9  }
0xad: {  	_ =	task.clear_ibuf [dreg:s4], $0x4FFFF;
	_ =	strace $0x90000046  }
0xae: {  	s26 =	simm.s32 $0x9;
	_ =	strace $0x80000048  }
0xaf: {  	_ =	swait.ge [sflag:s26], $0x1  }
0xb0: {  	[sflag:s26] =	ssyncadd.s32 $0xFFFFFFFF  }
0xb1: {  	_ =	strace $0x90000048  }
0xb2: {  	_ =	sfence  }
0xb3: {  	s28 =	sld [smem:$0x0];
	_ =	sdelay $0x1  }
0xb4: {  	s29 =	srdreg.scid  }
0xb5: {  	s30 =	sshll.u32 s29, $0xD;
	s31 =	sshrl.u32 s29, $0x2  }
0xb6: {  	s1 =	sand.u32 $0x1, s29;
	s2 =	sand.u32 $0x4000, s30;
	s0 =	sadd.s32 s31, s28  }
0xb7: {  	s1 =	sor.u32 s2, s1;
	s0 =	sshll.u32 s0, $0x11  }
0xb8: {  	s0 =	sor.u32 s0, s1  }
0xb9: {  	s0 =	sadd.s32 $0x8F2B, s0  }
0xba: {  	[sflag:s0] =	ssyncadd.remote.s32 $0x1  }
0xbb: {  	_ =	sfence.sel $0xFFFF  }
0xbc: {  	[dreg:$0x0] =	wrdreg $0xFFFFFFFF;
	(pc) =	sbr.abs _section_cstart, $3  }
0xbd: {  	[dreg:$0x1] =	wrdreg $0xFFFFFFFF  }
0xbe: {  	_ =	task.clear_ibuf [dreg:s4], $0x2FFFF;
	_ =	strace $0x9FFFFFFF  }
0xbf: {  	(tm) =	ssettm $0x7FFFFFFF  }
tec
execute0_lowered:
.L_overlay_start_1:
0x0: {  	(tag) =	ssettag $0x1  }
0x1: {  	s2 =	rddreg [dreg:$0x0]  }
0x2: {  	s0 =	rddreg [dreg:$0x1]  }
0x3: {  	_ =	strace $0x80000047;
	s4 =	simm.s32 $0x1;
	s1 =	stileid.u32  }
0x4: {  	s7 =	simm.s32 $0x1;
	s8 =	simm.s32 $0x1;
	s6 =	simm.s32 $0x2  }
0x5: {  	s9 =	simm.s32 $0x3;
	s10 =	simm.s32 $0x0;
	s13 =	simm.s32 $0x0  }
.Ltmp0:
0x6: {  	s12 =	simm.s32 $0x0;
	p0 =	slt.u32 s1, $0xA;
	(pc) =	sbr.rel .LBB2_1-.Ltmp0, $4  }
0x7: {  	[sflag:s4] =	ssyncpa.u1 $0x0;
	s7 =	simm.s32 @!p0 $0x0;
	p0 =	sne.s32 s1, $0x9  }
0x8: {  	s5 =	smul.u32 $0xF0, s1;
	[sflag:s6] =	ssyncpa.u1 $0x0;
	s8 =	simm.s32 @!p0 $0x0  }
0x9: {  	s3 =	sadd.s32 $0x1000, s2;
	[sflag:s9] =	ssyncpa.u1 $0x0;
	s7 =	sadd.s32 s8, s7  }
0xa: {  	vm0 =	vmmov $0xffff;
	s11 =	smov.u32 s5;
	s8 =	sadd.s32 $0x1400, s2;
	s9 =	sadd.s32 $0x1, s7  }
.LBB2_4:
0xb: {  	v2 =	vnsel vm1, $0x0, v2  }
0xc: {  	vm1 =	vgt.s32 v0, $0x0;
	v2 =	vmin.u32 v2, $0x57E3  }
0xd: {  	v0 =	vnsel vm1, $0x0, v0  }
0xe: {  	v0 =	vmin.u32 v0, $0x57E3  }
0xf: {  	[tilespmem:s18], [sflag:$0x1] =	stream.indirect_vreg.gather [hbm4b:s2+s10], $0x1, v1, vm0, $0x4038;
	[tilespmem:$0x3C0] =	vst v63  }
0x10: {  	(ifvalue) =	ssetifvalue $0x7FFFFFFF  }
0x11: {  	[tilespmem:s15], [sflag:$0x1] =	stream.indirect_vreg.gather [hbm4b:s2+s10], $0x1, v2, vm0, $0x4038;
	[tilespmem:$0x3C0] =	vst v63  }
0x12: {  	s29 =	sadd.s32 $0x10, s15;
	(ifvalue) =	ssetifvalue $0x7FFFFFFF  }
0x13: {  	[tilespmem:s29], [sflag:$0x1] =	stream.indirect_vreg.gather [hbm4b:s2+s10], $0x1, v0, vm0, $0x4038;
	[tilespmem:$0x3C0] =	vst v63  }
0x14: {  	_ =	swait.ge [sflag:s4], $0xF0  }
0x15: {  	s30 =	sshrl.u32 s13, $0x3;
	[sflag:s4] =	ssyncset.done $0x0  }
0x16: {  	s31 =	sand.u32 $0x7, s13;
	s15 =	sadd.s32 s8, s30;
	[sflag:s4] =	ssyncadd.s32 $0xFFFFFF10  }
0x17: {  	[hbm4b:s15+s31] =	stream.linear.scatter [tilespmem:s14], [sflag:$0x3], $0xF0, $0x38;
	[tilespmem:$0x3C0] =	vst v63  }
.LBB2_5:
0x18: {  	s15 =	sadd.s32 $0xF00, s11  }
0x19: {  	p1 =	sgt.s32 s15, $0x176F  }
0x1a: {  	s15 =	smov.u32 @p1 s5;
	p1 =	sne.s32 s12, s9  }
.Ltmp1:
0x1b: {  	p0 =	slt.u32 s12, $0x2;
	(pc) =	sbr.rel @!p1 .LBB2_6-.Ltmp1, $4  }
0x1c: {  	s14 =	simm.s32 @!p0 $0x3  }
0x1d: {  	_ =	swait.ge @!p0 [sflag:s14], $0xF0  }
0x1e: {  	s16 =	sadd.s32 $0x1, s12;
	s13 =	smov.u32 s11;
	[sflag:s14] =	ssyncset.done @!p0 $0x0  }
0x1f: {  	s12 =	smov.u32 s16;
	s11 =	smov.u32 s15;
	[sflag:s14] =	ssyncadd.s32 @!p0 $0xFFFFFF10  }
.LBB2_1:
0x20: {  	p0 =	sge.u32 s12, s7  }
0x21: {  	s14 =	sxor.u32 @!p0 $0x1, s12  }
0x22: {  	s14 =	smul.u32 @!p0 $0x3C0, s14  }
0x23: {  	s31 =	sadd.s32 $0xFFFFFFFF, s12;
	s15 =	sshrl.u32 @!p0 s11, $0x3  }
0x24: {  	s16 =	sand.u32 @!p0 $0x7, s11;
	s15 =	sadd.s32 @!p0 s3, s15;
	s14 =	sshra.s32 @!p0 s14, $0x2  }
0x25: {  	[tilespmem:s14], [sflag:$0x2] =	stream.linear.gather @!p0 [hbm4b:s15+s16], $0xF0, $0x38;
	[tilespmem:$0x3C0] =	vst v63  }
0x26: {  	p0 =	sge.u32 s31, s7  }
.Ltmp2:
0x27: {  	_ = 	snop;
	(pc) =	sbr.rel @p0 .LBB2_5-.Ltmp2, $1  }
0x28: {  	_ =	sdelay $0x3  }
0x29: {  	s14 =	sand.u32 $0x1, s12  }
0x2a: {  	_ =	swait.ge [sflag:s6], $0xF0;
	p0 =	seq.s32 s14, $0x1;
	s14 =	simm.s32 $0xF0  }
0x2b: {  	[sflag:s6] =	ssyncset.done $0x0;
	s14 =	simm.s32 @!p0 $0x0  }
0x2c: {  	[sflag:s6] =	ssyncadd.s32 $0xFFFFFF10;
	(ifvalue) =	ssetifvalue $0x7FFFFFFF;
	v0 =	vld.msk [tilespmem:s14+$0x0 ss:$0x1], $0xffff;
	_ =	sdelay $0x4  }
0x2d: {  	s15 =	sadd.s32 $0x10, s14;
	vm1 =	vgt.s32 v0, $0x0  }
0x2e: {  	v2 =	vld.msk [tilespmem:s15+$0x0 ss:$0x1], $0xffff;
	v1 =	vnsel vm1, $0x0, v0  }
0x2f: {  	v1 =	vmin.u32 v1, $0x57E3;
	_ =	sdelay $0x2  }
0x30: {  	s17 =	simm.s32 $0x20;
	s14 =	sadd.s32 $0x1E0, s14;
	s16 =	sadd.s32 $0x10, s15  }
0x31: {  	s15 =	sadd.s32 $0x10, s14;
	s18 =	smov.u32 s14;
	v0 =	vld.msk [tilespmem:s16+$0x0 ss:$0x1], $0xffff;
	vm1 =	vgt.s32 v2, $0x0;
	(ifvalue) =	ssetifvalue $0x7FFFFFFF  }
.LBB2_3:
0x32: {  	[tilespmem:s18], [sflag:$0x1] =	stream.indirect_vreg.gather [hbm4b:s2+s10], $0x1, v1, vm0, $0x4038;
	[tilespmem:$0x3C0] =	vst v63  }
0x33: {  	s17 =	sadd.s32 $0x10, s17  }
0x34: {  	v2 =	vnsel vm1, $0x0, v2;
	p0 =	slt.u32 s17, $0xE0  }
.Ltmp3:
0x35: {  	s18 =	smov.u32 s15;
	v1 =	vmin.u32 v2, $0x57E3;
	(pc) =	sbr.rel @p0 .LBB2_3-.Ltmp3, $3  }
0x36: {  	_ =	sdelay $0x1  }
0x37: {  	s16 =	sadd.s32 $0x10, s16  }
0x38: {  	vm1 =	vgt.s32 v0, $0x0;
	s15 =	sadd.s32 $0x10, s15;
	v2 =	vmov v0;
	(ifvalue) =	ssetifvalue $0x7FFFFFFF;
	v0 =	vld.msk [tilespmem:s16+$0x0 ss:$0x1], $0xffff  }
.Ltmp4:
0x39: {  	_ = 	snop;
	(pc) =	sbr.rel .LBB2_4-.Ltmp4, $1  }
0x3a: {  	_ =	sdelay $0x3  }
.LBB2_6:
0x3b: {  	_ =	sfence.sel $0x180000  }
0x3c: {  	s2 =	simm.s32 $0x2;
	[bflag:$0x0] =	sbarrier.arrive $0xFFFF  }
0x3d: {  	s30 =	simm.s32 $0x3;
	[sflag:s2] =	ssyncpa.u1 $0x1  }
0x3e: {  	s31 =	simm.s32 $0x1;
	[sflag:s30] =	ssyncpa.u1 $0x1  }
0x3f: {  	[sflag:s31] =	ssyncpa.u1 $0x1  }
0x40: {  	p0 =	sne.s32 s1, $0x0;
	_ =	strace $0x90000047  }
0x41: {  	s0 =	sadd.s32 @!p0 $0x100000, s0;
	[bflag:$0x2] =	sbarrier.arrive $0xFFFF  }
0x42: {  	[sflag:s0] =	ssyncadd.tile.s32 @!p0 $0x1;
	_ =	shalt  }
.Lfunc_end2:
_tile_overlayer_lowered:
.L_overlay_start_2:
0x43: {  	(tag) =	ssettag $0x2  }
0x44: {  	s0 =	rddreg [dreg:$0x0];
	s2 =	stileid.u32  }
0x45: {  	s1 =	rddreg [dreg:$0x1];
	p0 =	sne.s32 s2, $0x0  }
0x46: {  	s3 =	rddreg [dreg:$0x2];
	[bflag:$0x3] =	sbarrier.arrive $0xFFFF;
	s2 =	simm.s32 @!p0 $0x1C01  }
0x47: {  	[timem:s3], [sflag:s2] =	dma.local @!p0 [hbm:s0], s1  }
0x48: {  	s0 =	simm.s32 @!p0 $0x1  }
0x49: {  	_ =	swait.ge @!p0 [sflag:s0], s1  }
0x4a: {  	s1 =	ssub.s32 @!p0 $0x0, s1;
	[sflag:s0] =	ssyncset.done @!p0 $0x0  }
0x4b: {  	[sflag:s0] =	ssyncadd.s32 @!p0 s1  }
0x4c: {  	[bflag:$0x3] =	sbarrier.arrive $0xFFFF  }
0x4d: {  	_ =	shalt  }

// kernel: kernel.5.cloned.1.call-start
scs
__scs_entry_jumppad:
0x0: {  	(pc) =	sbr.rel $0x88, $3  }
0x1: {  	(tag) =	ssettag $0x0;
	lr =	simm.s32 $0x1  }
0x2: {  	[smem:$0x3F9A] =	sst lr;
	_ =	strace $0xD0000000  }
0x3: {  	_ = 	snop  }
0x4: {  	_ = 	snop  }
0x5: {  	_ = 	snop  }
0x6: {  	_ = 	snop  }
0x7: {  	_ = 	snop  }
__scs_overlays_trampoline_lowered:
0x8: {  	[smem:$0x3FA9] =	sst s0  }
0x9: {  	[smem:$0x3FAA] =	sst s1  }
0xa: {  	[smem:$0x3FAB] =	sst s2  }
0xb: {  	[smem:$0x3FAC] =	sst s3  }
0xc: {  	[smem:$0x3FAD] =	sst s4  }
0xd: {  	[smem:$0x3FAE] =	sst s5  }
0xe: {  	[smem:$0x3FAF] =	sst s6  }
0xf: {  	[smem:$0x3FB0] =	sst s7  }
0x10: {  	[smem:$0x3FB1] =	sst s8  }
0x11: {  	[smem:$0x3FB2] =	sst s9;
	s0 =	simm.s32 @!p0 $0x0  }
0x12: {  	s1 =	sld [smem:$0x3F98];
	s0 =	simm.s32 @p0 $0x1  }
0x13: {  	[smem:$0x3FB3] =	sst s0;
	s0 =	simm.s32 @!p1 $0x0  }
0x14: {  	s2 =	sld [smem:$0x3F97];
	s0 =	simm.s32 @p1 $0x1  }
0x15: {  	[smem:$0x3FB4] =	sst s0;
	s0 =	simm.s32 @!p2 $0x0  }
0x16: {  	s3 =	sld [smem:$0x3FDB];
	s0 =	simm.s32 @p2 $0x1  }
0x17: {  	s4 =	simm.s32 $0x1BF5;
	[smem:$0x3FB6] =	sst s0  }
0x18: {  	s0 =	sld [smem:$0x3F99];
	_ =	swait.ge [sflag:s4], $0x0  }
0x19: {  	s7 =	sld [smem:$0x3F9A]  }
0x1a: {  	s8 =	sadd.s32 $0xFFFFE003, lr  }
0x1b: {  	s9 =	sadd.s32 $0xFFFFFEF7, lr;
	s5 =	simm.s32 $0xFFFFFFFF;
	p2 =	slt.u32 s8, $0xFFFFF086  }
0x1c: {  	p1 =	slt.u32 s9, $0xF7A;
	s5 =	simm.s32 @!p2 $0x0  }
0x1d: {  	s5 =	simm.s32 @p1 $0x1;
	p0 =	seq.s32 s7, s2  }
0x1e: {  	s7 =	smul.u32 @!p0 $0xF7A, s2;
	p2 =	seq.s32 @!p0 s5, $0x0  }
0x1f: {  	s9 =	smul.u32 $0xF7A, s1;
	s8 =	simm.s32 @!p0 $0x1BF5;
	p2 =	por !p2, p0  }
0x20: {  	[sflag:s8] =	ssyncset.s32 @!p0 $0xFFFFF086;
	s6 =	sadd.s32 @!p0 s3, s7;
	s7 =	simm.s32 @!p0 $0x108  }
0x21: {  	s3 =	sadd.s32 s3, s9;
	s6 =	sadd.s32 @!p0 $0x88, s6;
	s7 =	simm.s32 @p2 $0x1082  }
0x22: {  	[simem:s7], [sflag:s8] =	dma.local @!p0 [hbm:s6], $0xF7A  }
0x23: {  	s9 =	sor.u32 $0xD0000000, s2;
	s6 =	simm.s32 $0x108;
	_ =	swait.ge @!p0 [sflag:s8], $0x0  }
0x24: {  	s3 =	sadd.s32 $0x88, s3;
	s6 =	simm.s32 @!p1 $0x1082;
	[sflag:s4] =	ssyncset.s32 $0xFFFFF086  }
0x25: {  	[simem:s6], [sflag:s4] =	dma.local [hbm:s3], $0xF7A  }
0x26: {  	[smem:$0x3F9A] =	sst s1;
	(tag) =	ssettag s2;
	_ =	strace s9  }
0x27: {  	s1 =	sld [smem:$0x3FAA]  }
0x28: {  	s2 =	sld [smem:$0x3FAB]  }
0x29: {  	s4 =	sld [smem:$0x3FAD]  }
0x2a: {  	p0 =	seq.s32 s5, $0x0;
	s5 =	sld [smem:$0x3FAE]  }
0x2b: {  	s6 =	sld [smem:$0x3FAF]  }
0x2c: {  	s7 =	sld [smem:$0x3FB0]  }
0x2d: {  	s3 =	simm.s32 $0x108;
	s8 =	sld [smem:$0x3FB1]  }
0x2e: {  	s3 =	simm.s32 @!p0 $0x1082;
	s9 =	sld [smem:$0x3FB2]  }
0x2f: {  	lr =	sadd.s32 s0, s3;
	s0 =	sld [smem:$0x3FA9]  }
0x30: {  	s3 =	sld [smem:$0x3FAC]  }
0x31: {  	[smem:$0x3FB5] =	sst s10  }
0x32: {  	s10 =	sld [smem:$0x3FB3];
	_ =	sdelay $0x3  }
0x33: {  	p0 =	seq.s32 s10, $0x1;
	s10 =	sld [smem:$0x3FB5];
	_ =	sdelay $0x3  }
0x34: {  	[smem:$0x3FB5] =	sst s10  }
0x35: {  	s10 =	sld [smem:$0x3FB4];
	_ =	sdelay $0x3  }
0x36: {  	p1 =	seq.s32 s10, $0x1;
	s10 =	sld [smem:$0x3FB5];
	_ =	sdelay $0x3  }
0x37: {  	[smem:$0x3FB5] =	sst s10  }
0x38: {  	s10 =	sld [smem:$0x3FB6]  }
0x39: {  	_ = 	snop;
	(pc) =	sbr.ind lr, $3  }
0x3a: {  	_ = 	snop  }
0x3b: {  	_ = 	snop  }
0x3c: {  	p2 =	seq.s32 s10, $0x1;
	s10 =	sld [smem:$0x3FB5]  }
0x3d: {  	_ =	shalt  }
0x3e: {  	_ =	shalt  }
0x3f: {  	_ =	shalt  }
0x40: {  	_ =	shalt  }
0x41: {  	_ =	shalt  }
0x42: {  	_ =	shalt  }
0x43: {  	_ =	shalt  }
0x44: {  	_ =	shalt  }
0x45: {  	_ =	shalt  }
0x46: {  	_ =	shalt  }
0x47: {  	_ =	shalt  }
0x48: {  	_ =	shalt  }
0x49: {  	_ =	shalt  }
0x4a: {  	_ =	shalt  }
0x4b: {  	_ =	shalt  }
0x4c: {  	_ =	shalt  }
0x4d: {  	_ =	shalt  }
0x4e: {  	_ =	shalt  }
0x4f: {  	_ =	shalt  }
0x50: {  	_ =	shalt  }
0x51: {  	_ =	shalt  }
0x52: {  	_ =	shalt  }
0x53: {  	_ =	shalt  }
0x54: {  	_ =	shalt  }
0x55: {  	_ =	shalt  }
0x56: {  	_ =	shalt  }
0x57: {  	_ =	shalt  }
0x58: {  	_ =	shalt  }
0x59: {  	_ =	shalt  }
0x5a: {  	_ =	shalt  }
0x5b: {  	_ =	shalt  }
0x5c: {  	_ =	shalt  }
0x5d: {  	_ =	shalt  }
0x5e: {  	_ =	shalt  }
0x5f: {  	_ =	shalt  }
0x60: {  	_ =	shalt  }
0x61: {  	_ =	shalt  }
0x62: {  	_ =	shalt  }
0x63: {  	_ =	shalt  }
0x64: {  	_ =	shalt  }
0x65: {  	_ =	shalt  }
0x66: {  	_ =	shalt  }
0x67: {  	_ =	shalt  }
0x68: {  	_ =	shalt  }
0x69: {  	_ =	shalt  }
0x6a: {  	_ =	shalt  }
0x6b: {  	_ =	shalt  }
0x6c: {  	_ =	shalt  }
0x6d: {  	_ =	shalt  }
0x6e: {  	_ =	shalt  }
0x6f: {  	_ =	shalt  }
0x70: {  	_ =	shalt  }
0x71: {  	_ =	shalt  }
0x72: {  	_ =	shalt  }
0x73: {  	_ =	shalt  }
0x74: {  	_ =	shalt  }
0x75: {  	_ =	shalt  }
0x76: {  	_ =	shalt  }
0x77: {  	_ =	shalt  }
0x78: {  	_ =	shalt  }
0x79: {  	_ =	shalt  }
0x7a: {  	_ =	shalt  }
0x7b: {  	_ =	shalt  }
0x7c: {  	_ =	shalt  }
0x7d: {  	_ =	shalt  }
0x7e: {  	_ =	shalt  }
0x7f: {  	_ =	shalt  }
0x80: {  	_ =	shalt  }
0x81: {  	_ =	shalt  }
0x82: {  	_ =	shalt  }
0x83: {  	_ =	shalt  }
0x84: {  	_ =	shalt  }
0x85: {  	_ =	shalt  }
0x86: {  	_ =	shalt  }
0x87: {  	_ =	shalt  }
.Lfunc_end0:
.L_simem_size_0:
called_computation.3_lowered:
.L_overlay_start_0:
0x88: {  	s2 =	sld [smem:$0x3FD9]  }
0x89: {  	s3 =	sld [smem:$0x3FFE];
	_ =	sdelay $0x1  }
0x8a: {  	s1 =	srdreg.scid  }
0x8b: {  	s0 =	sand.u32 $0x1, s1  }
0x8c: {  	s16 =	sshll.u32 s0, $0xA;
	s2 =	sadd.s32 s3, s2  }
0x8d: {  	s2 =	sadd.s32 s2, s16  }
0x8e: {  	[smem:$0x3FC1] =	sst s2  }
0x8f: {  	_ = 	snop  }
0x90: {  	(tm) =	ssettm $0x1  }
0x91: {  	s17 =	sld [smem:$0x3FFB];
	_ =	sdelay $0x3  }
0x92: {  	_ =	strace s17  }
0x93: {  	s2 =	sld [smem:$0x3FFC];
	_ =	sdelay $0x3  }
0x94: {  	_ =	strace s2  }
0x95: {  	s2 =	sld [smem:$0x3FFD];
	_ =	sdelay $0x3  }
0x96: {  	_ =	strace s2  }
0x97: {  	_ =	strace $0x8FFFFFFF  }
0x98: {  	s18 =	sld [smem:$0x3FDB];
	_ =	sdelay $0x1  }
0x99: {  	s19 =	simm.s32 $_scs_section_size  }
0x9a: {  	s4 =	simm.s32 $_size__tile_overlayer_lowered;
	s5 =	simm.s32 $_tile_overlayer_lowered  }
0x9b: {  	s22 =	simm.s32 $0x1BFF;
	s21 =	sshll.u32 s5, $0x1;
	s2 =	sadd.s32 s19, s18  }
0x9c: {  	s6 =	simm.s32 $0x0;
	s20 =	sshll.u32 s4, $0x1;
	s4 =	sadd.s32 s21, s2  }
0x9d: {  	[timem:s6], [sflag:s22] =	dma.local [hbm:s4], s20  }
0x9e: {  	_ =	swait.ge [sflag:s22], s20  }
0x9f: {  	s3 =	ssub.s32 $0x0, s20;
	[sflag:s22] =	ssyncset.done $0x0  }
0xa0: {  	[sflag:s22] =	ssyncadd.s32 s3;
	_ =	sdelay $0x1  }
0xa1: {  	s23 =	simm.s32 $0x1B8B  }
0xa2: {  	_ =	swait.ge [sflag:s23], $0x1  }
0xa3: {  	[sflag:s23] =	ssyncset.done $0x0  }
0xa4: {  	s25 =	simm.s32 $0x1B8E;
	s24 =	sld [smem:$0x3FFE];
	[sflag:s23] =	ssyncadd.s32 $0xFFFFFFFF  }
0xa5: {  	s26 =	simm.s32 $execute0_lowered;
	[smem:$0x3FD2] =	sst s25  }
0xa6: {  	s4 =	sshll.u32 s26, $0x1;
	_ =	strace $0x8000004C;
	[dreg:$0x1] =	wrdreg $0xFFFFFFFF  }
0xa7: {  	s28 =	simm.s32 $_size_execute0_lowered;
	s2 =	sadd.s32 s2, s4;
	[dreg:$0x0] =	wrdreg $0x0  }
0xa8: {  	s4 =	sshll.u32 s28, $0x1;
	[dreg:$0x2] =	wrdreg s2  }
0xa9: {  	[dreg:$0x3] =	wrdreg s4  }
0xaa: {  	[dreg:$0x4] =	wrdreg $0xC0  }
0xab: {  	_ =	task [dreg:s6], $0x5FFFF  }
0xac: {  	[dreg:$0x1] =	wrdreg $0xFFFFFFFF  }
0xad: {  	[dreg:$0x0] =	wrdreg $0x60  }
0xae: {  	[dreg:$0x2] =	wrdreg s24  }
0xaf: {  	[dreg:$0x3] =	wrdreg $0x9  }
0xb0: {  	_ =	task.clear_ibuf [dreg:s6], $0x4FFFF;
	_ =	strace $0x9000004C  }
0xb1: {  	s29 =	simm.s32 $0x9;
	_ =	strace $0x8000004E  }
0xb2: {  	_ =	swait.ge [sflag:s29], $0x1  }
0xb3: {  	[sflag:s29] =	ssyncadd.s32 $0xFFFFFFFF  }
0xb4: {  	_ =	strace $0x9000004E  }
0xb5: {  	_ =	sfence  }
0xb6: {  	s30 =	sld [smem:$0x0];
	_ =	sdelay $0x2  }
0xb7: {  	s31 =	sshll.u32 s1, $0xD;
	s1 =	sshrl.u32 s1, $0x2  }
0xb8: {  	s3 =	sand.u32 $0x4000, s31;
	s1 =	sadd.s32 s1, s30  }
0xb9: {  	s0 =	sor.u32 s3, s0;
	s1 =	sshll.u32 s1, $0x11  }
0xba: {  	s0 =	sor.u32 s1, s0  }
0xbb: {  	s0 =	sadd.s32 $0x8F2B, s0  }
0xbc: {  	[sflag:s0] =	ssyncadd.remote.s32 $0x1  }
0xbd: {  	_ =	sfence.sel $0xFFFF  }
0xbe: {  	[dreg:$0x0] =	wrdreg $0xFFFFFFFF;
	(pc) =	sbr.abs _section_cstart, $3  }
0xbf: {  	[dreg:$0x1] =	wrdreg $0xFFFFFFFF  }
0xc0: {  	_ =	task.clear_ibuf [dreg:s6], $0x2FFFF;
	_ =	strace $0x9FFFFFFF  }
0xc1: {  	(tm) =	ssettm $0x7FFFFFFF  }
tec
execute0_lowered:
.L_overlay_start_1:
0x0: {  	(tag) =	ssettag $0x1  }
0x1: {  	s1 =	srdreg.scid;
	s0 =	stileid.u32  }
0x2: {  	s6 =	sand.u32 $0x1, s1;
	s30 =	sshll.u32 s0, $0x1  }
0x3: {  	s8 =	rddreg [dreg:$0x0];
	s7 =	sor.u32 s6, s30  }
0x4: {  	s2 =	simm.s32 $0x0;
	s1 =	rddreg [dreg:$0x1];
	s3 =	smul.u32 $0x18, s7  }
0x5: {  	[smem:$0x7FF] =	sst s2;
	s5 =	sadd.s32 $0x1800, s8  }
0x6: {  	_ =	strace $0x8000004D;
	s10 =	ssub.s32 $0x2, s6;
	s3 =	sadd.s32 s3, s8  }
0x7: {  	s6 =	simm.s32 $0xC0;
	s4 =	sadd.s32 $0x400, s3;
	s3 =	simm.s32 $0x2  }
0x8: {  	[tilespmem:s2], [sflag:$0x2] =	stream.linear.gather [hbm4b:s4+s2], $0xC0, $0x38;
	[tilespmem:$0xCC0] =	vst v63  }
0x9: {  	s9 =	smul.u32 $0x180, s7;
	s11 =	sshrl.u32 s10, $0x1;
	_ =	swait.ge [sflag:s3], $0xC0  }
0xa: {  	s7 =	simm.s32 $0x1;
	s31 =	ssub.s32 s10, s11;
	[sflag:s3] =	ssyncset.done $0x0  }
0xb: {  	s8 =	sadd.s32 s9, s8;
	s9 =	smax.u32 s31, $0x1;
	[sflag:s3] =	ssyncadd.s32 $0xFFFFFF40  }
0xc: {  	[tilespmem:s6], [sflag:$0x1] =	stream.indirect.gather [hbm4b:s5+s6], $0x10, s2, s6, $0xb8;
	[tilespmem:$0xCC0] =	vst v63  }
0xd: {  	p0 =	sne.s32 s9, $0x1;
	_ =	swait.ge [sflag:s7], $0xC00  }
.Ltmp0:
0xe: {  	[sflag:s7] =	ssyncset.done $0x0;
	(pc) =	sbr.rel @!p0 .LBB2_2-.Ltmp0, $4  }
0xf: {  	s8 =	sadd.s32 $0xC800, s8;
	[sflag:s7] =	ssyncadd.s32 $0xFFFFF400  }
0x10: {  	[hbm4b:s8+s2] =	stream.linear.scatter [tilespmem:s6], [sflag:$0x2], $0xC00, $0x38;
	[tilespmem:$0xCC0] =	vst v63  }
0x11: {  	_ =	swait.ge [sflag:s3], $0xC00  }
0x12: {  	s9 =	sadd.s32 $0xFFFFFFFF, s9;
	[sflag:s3] =	ssyncset.done $0x0  }
.LBB2_1:
0x13: {  	p0 =	sne.s32 s9, $0x1;
	s9 =	sadd.s32 $0xFFFFFFFF, s9;
	[sflag:s3] =	ssyncadd.s32 $0xFFFFF400  }
0x14: {  	[tilespmem:s2], [sflag:$0x2] =	stream.linear.gather [hbm4b:s4+s2], $0xC0, $0x38;
	[tilespmem:$0xCC0] =	vst v63  }
0x15: {  	_ =	swait.ge [sflag:s3], $0xC0  }
0x16: {  	[sflag:s3] =	ssyncset.done $0x0  }
0x17: {  	[sflag:s3] =	ssyncadd.s32 $0xFFFFFF40  }
0x18: {  	[tilespmem:s6], [sflag:$0x1] =	stream.indirect.gather [hbm4b:s5+s6], $0x10, s2, s6, $0xb8;
	[tilespmem:$0xCC0] =	vst v63  }
0x19: {  	_ =	swait.ge [sflag:s7], $0xC00  }
.Ltmp1:
0x1a: {  	[sflag:s7] =	ssyncset.done $0x0;
	(pc) =	sbr.rel @p0 .LBB2_1-.Ltmp1, $4  }
0x1b: {  	[sflag:s7] =	ssyncadd.s32 $0xFFFFF400  }
0x1c: {  	[hbm4b:s8+s2] =	stream.linear.scatter [tilespmem:s6], [sflag:$0x2], $0xC00, $0x38;
	[tilespmem:$0xCC0] =	vst v63  }
0x1d: {  	_ =	swait.ge [sflag:s3], $0xC00  }
0x1e: {  	[sflag:s3] =	ssyncset.done $0x0  }
.LBB2_2:
0x1f: {  	[sflag:s3] =	ssyncadd.s32 $0xFFFFF400  }
0x20: {  	_ =	sfence.sel $0x180000  }
0x21: {  	[bflag:$0x0] =	sbarrier.arrive $0xFFFF  }
0x22: {  	p0 =	sne.s32 s0, $0x0;
	_ =	strace $0x9000004D  }
0x23: {  	s0 =	sadd.s32 @!p0 $0x100000, s1;
	[bflag:$0x2] =	sbarrier.arrive $0xFFFF  }
0x24: {  	[sflag:s0] =	ssyncadd.tile.s32 @!p0 $0x1;
	_ =	shalt  }
.Lfunc_end2:
_tile_overlayer_lowered:
.L_overlay_start_2:
0x25: {  	(tag) =	ssettag $0x2  }
0x26: {  	s0 =	rddreg [dreg:$0x0];
	s2 =	stileid.u32  }
0x27: {  	s1 =	rddreg [dreg:$0x1];
	p0 =	sne.s32 s2, $0x0  }
0x28: {  	s3 =	rddreg [dreg:$0x2];
	[bflag:$0x3] =	sbarrier.arrive $0xFFFF;
	s2 =	simm.s32 @!p0 $0x1C02  }
0x29: {  	[timem:s3], [sflag:s2] =	dma.local @!p0 [hbm:s0], s1  }
0x2a: {  	s0 =	simm.s32 @!p0 $0x2  }
0x2b: {  	_ =	swait.ge @!p0 [sflag:s0], s1  }
0x2c: {  	s1 =	ssub.s32 @!p0 $0x0, s1;
	[sflag:s0] =	ssyncset.done @!p0 $0x0  }
0x2d: {  	[sflag:s0] =	ssyncadd.s32 @!p0 s1  }
0x2e: {  	[bflag:$0x3] =	sbarrier.arrive $0xFFFF  }
0x2f: {  	_ =	shalt  }

</sc_bundles>
